<compile_context>
chip_gen: v7x
topology: tpu7x:2x2x1
jax: 0.10.2.dev20260603
libtpu: 0.0.44.dev20260713+nightly
codegen_flags: <defaults>
</compile_context>

<pallas_src>
import functools

import jax
import jax.numpy as jnp
from jax import lax
from jax.experimental import pallas as pl
from jax.experimental.pallas import tpu as pltpu
from jax.experimental.pallas import tpu_sc as plsc

BATCH = 4096
MAX_LEN = 200
EMBED = 64
NC, NS, LANES = 2, 16, 16
NW = NC * NS
BPW = BATCH // NW
CA, CB = 104, 96
NCH = EMBED // LANES
NB = 4


def _encoder(x_hbm, table_hbm, f_hbm, out_hbm,
             idx_v, f_v, rows0, rows1, rows2, rows3, out_v,
             sem0, sem1, sem2, sem3):
    bufs = (rows0, rows1, rows2, rows3)
    sems = (sem0, sem1, sem2, sem3)
    wid = lax.axis_index("s") * NC + lax.axis_index("c")
    base = wid * BPW

    pltpu.sync_copy(x_hbm.at[pl.ds(base, BPW)], idx_v)
    pltpu.sync_copy(f_hbm, f_v)

    def fire(b, rows, sem):
        pltpu.make_async_copy(
            table_hbm.at[idx_v.at[b, pl.ds(0, CA)]],
            rows.at[pl.ds(0, CA)], sem).start()
        pltpu.make_async_copy(
            table_hbm.at[idx_v.at[b, pl.ds(CA, CB)]],
            rows.at[pl.ds(CA, CB)], sem).start()

    def drain(rows, sem):
        pltpu.make_async_copy(
            table_hbm.at[idx_v.at[0, pl.ds(0, CA)]],
            rows.at[pl.ds(0, CA)], sem).wait()
        pltpu.make_async_copy(
            table_hbm.at[idx_v.at[0, pl.ds(CA, CB)]],
            rows.at[pl.ds(CA, CB)], sem).wait()

    def accumulate(b, rows):
        U = 8

        def body(i, acc):
            l0 = i * U
            for u in range(U):
                acc = tuple(
                    acc[c] + rows[l0 + u, pl.ds(c * LANES, LANES)]
                    * f_v[l0 + u, pl.ds(c * LANES, LANES)]
                    for c in range(NCH))
            return acc
        acc = lax.fori_loop(
            0, MAX_LEN // U, body,
            tuple(jnp.zeros((LANES,), jnp.float32) for _ in range(NCH)))
        for c in range(NCH):
            out_v[b, pl.ds(c * LANES, LANES)] = acc[c]

    for j in range(NB - 1):
        fire(j, bufs[j], sems[j])

    def gbody(g, carry):
        for j in range(NB):
            b = NB * g + j
            drain(bufs[j], sems[j])
            accumulate(b, bufs[j])
            jn = (j + NB - 1) % NB

            @pl.when(b + NB - 1 < BPW)
            def _():
                fire(b + NB - 1, bufs[jn], sems[jn])

        return carry

    lax.fori_loop(0, BPW // NB, gbody, 0)

    pltpu.sync_copy(out_v, out_hbm.at[pl.ds(base, BPW)])


_mesh = plsc.VectorSubcoreMesh(core_axis_name="c", subcore_axis_name="s")

_enc = functools.partial(
    pl.kernel, mesh=_mesh,
    compiler_params=pltpu.CompilerParams(use_tc_tiling_on_sc=False),
    out_type=jax.ShapeDtypeStruct((BATCH, EMBED), jnp.float32),
    scratch_types=[
        pltpu.VMEM((BPW, MAX_LEN), jnp.int32),
        pltpu.VMEM((MAX_LEN, EMBED), jnp.float32),
        pltpu.VMEM((MAX_LEN, EMBED), jnp.float32),
        pltpu.VMEM((MAX_LEN, EMBED), jnp.float32),
        pltpu.VMEM((MAX_LEN, EMBED), jnp.float32),
        pltpu.VMEM((MAX_LEN, EMBED), jnp.float32),
        pltpu.VMEM((BPW, EMBED), jnp.float32),
        pltpu.SemaphoreType.DMA,
        pltpu.SemaphoreType.DMA,
        pltpu.SemaphoreType.DMA,
        pltpu.SemaphoreType.DMA,
    ],
)(_encoder)


@jax.jit
def kernel(x, table, f):
    return _enc(x.astype(jnp.int32), table, f)

# --- scband reference (transcript-rebuilt; emitter-appended) ---
"""Pipeline reference for scband-input-encoder-11888469475686 (READ-ONLY COPY).

The authoritative reference and input builder live on the scoring server;
editing this copy changes nothing except your own understanding.
"""

import jax, jax.numpy as jnp
import numpy as np

VOCAB = 1000000
EMBED_DIM = 64
MAX_LEN = 200
BATCH = 4096

def setup_inputs(seed: int = 0) -> dict:
    key = jax.random.key(seed)
    k1, k2, k3 = jax.random.split(key, 3)
    x = jax.random.randint(k1, (BATCH, MAX_LEN), 0, VOCAB, dtype=jnp.int64 if jax.config.jax_enable_x64 else jnp.int32)
    table = jax.random.normal(k2, (VOCAB, EMBED_DIM), dtype=jnp.float32)
    f = jnp.ones((MAX_LEN, EMBED_DIM), dtype=jnp.float32)
    return {"x": x, "table": table, "f": f}

def reference(x, table, f):
    # embedding lookup: [B, L] -> [B, L, D]
    emb = jnp.take(table, x, axis=0)
    # positional scaling by learned f[L, D], then sum over seq dim
    out = jnp.sum(emb * f, axis=1)
    return out

if __name__ == "__main__":
    import jax
    _d = setup_inputs()
    print(jax.jit(kernel)(*tuple(_d.values())))

</pallas_src>

<mosaic_0001>
#map = affine_map<(d0, d1) -> (0, 0)>
module attributes {stable_mosaic.version = 14 : i64} {
  func.func @_encoder(%arg0: i32, %arg1: i32, %arg2: memref<4096x200xi32, #tpu.memory_space<hbm>>, %arg3: memref<1000000x64xf32, #tpu.memory_space<hbm>>, %arg4: memref<200x64xf32, #tpu.memory_space<hbm>>, %arg5: memref<4096x64xf32, #tpu.memory_space<hbm>>, %arg6: memref<128x200xi32, #tpu.memory_space<vmem>>, %arg7: memref<200x64xf32, #tpu.memory_space<vmem>>, %arg8: memref<200x64xf32, #tpu.memory_space<vmem>>, %arg9: memref<200x64xf32, #tpu.memory_space<vmem>>, %arg10: memref<200x64xf32, #tpu.memory_space<vmem>>, %arg11: memref<200x64xf32, #tpu.memory_space<vmem>>, %arg12: memref<128x64xf32, #tpu.memory_space<vmem>>, %arg13: memref<!tpu.dma_semaphore, #tpu.memory_space<semaphore_mem>>, %arg14: memref<!tpu.dma_semaphore, #tpu.memory_space<semaphore_mem>>, %arg15: memref<!tpu.dma_semaphore, #tpu.memory_space<semaphore_mem>>, %arg16: memref<!tpu.dma_semaphore, #tpu.memory_space<semaphore_mem>>) attributes {dimension_semantics = [#tpu.dimension_semantics<core_parallel>, #tpu.dimension_semantics<subcore_parallel>], iteration_bounds = array<i64: 2, 16>, scalar_prefetch = 0 : i64, scratch_operands = 11 : i64, tpu.core_type = #tpu.core_type<sc_vector_subcore>, window_params = [{transform_indices = #map}, {transform_indices = #map}, {transform_indices = #map}, {transform_indices = #map}]} {
    %mul3A = arith.constant 2 : i32
    %mul3A_0 = arith.muli %arg1, %mul3A : i32
    %add3A = arith.addi %mul3A_0, %arg0 : i32
    %mul3A_1 = arith.constant 128 : i32
    %mul3A_2 = arith.muli %add3A, %mul3A_1 : i32
    "tpu.region"() ({
      %run_scoped3A = tpu.sem_alloc : memref<!tpu.dma_semaphore, #tpu.memory_space<semaphore_mem>>
      %dma_start3A_67 = arith.constant 0 : i32
      %dma_start3A_68 = tpu.memref_slice %arg2[%mul3A_2, %dma_start3A_67] : memref<4096x200xi32, #tpu.memory_space<hbm>> -> memref<128x200xi32, #tpu.memory_space<hbm>>
      %dma_start3A_69 = arith.constant 0 : i32
      %dma_start3A_70 = tpu.memref_slice %arg2[%mul3A_2, %dma_start3A_69] : memref<4096x200xi32, #tpu.memory_space<hbm>> -> memref<128x200xi32, #tpu.memory_space<hbm>>
      tpu.enqueue_dma source(%dma_start3A_70 : memref<128x200xi32, #tpu.memory_space<hbm>>) target(%arg6 : memref<128x200xi32, #tpu.memory_space<vmem>>) target_semaphore(%run_scoped3A : memref<!tpu.dma_semaphore, #tpu.memory_space<semaphore_mem>>)
      %dma_wait3A = arith.constant 0 : i32
      %dma_wait3A_71 = tpu.memref_slice %arg2[%mul3A_2, %dma_wait3A] : memref<4096x200xi32, #tpu.memory_space<hbm>> -> memref<128x200xi32, #tpu.memory_space<hbm>>
      %dma_wait3A_72 = arith.constant 0 : i32
      %dma_wait3A_73 = tpu.memref_slice %arg2[%mul3A_2, %dma_wait3A_72] : memref<4096x200xi32, #tpu.memory_space<hbm>> -> memref<128x200xi32, #tpu.memory_space<hbm>>
      tpu.wait_dma2 semaphore(%run_scoped3A : memref<!tpu.dma_semaphore, #tpu.memory_space<semaphore_mem>>) src(%dma_wait3A_73 : memref<128x200xi32, #tpu.memory_space<hbm>>) dst(%arg6 : memref<128x200xi32, #tpu.memory_space<vmem>>)
      tpu.yield
    }) : () -> ()
    "tpu.region"() ({
      %run_scoped3A = tpu.sem_alloc : memref<!tpu.dma_semaphore, #tpu.memory_space<semaphore_mem>>
      tpu.enqueue_dma source(%arg4 : memref<200x64xf32, #tpu.memory_space<hbm>>) target(%arg7 : memref<200x64xf32, #tpu.memory_space<vmem>>) target_semaphore(%run_scoped3A : memref<!tpu.dma_semaphore, #tpu.memory_space<semaphore_mem>>)
      tpu.wait_dma2 semaphore(%run_scoped3A : memref<!tpu.dma_semaphore, #tpu.memory_space<semaphore_mem>>) src(%arg4 : memref<200x64xf32, #tpu.memory_space<hbm>>) dst(%arg7 : memref<200x64xf32, #tpu.memory_space<vmem>>)
      tpu.yield
    }) : () -> ()
    %dma_start3A = arith.constant 0 : i32
    %dma_start3A_3 = arith.constant 0 : i32
    %dma_start3A_4 = arith.constant 0 : i32
    %dma_start3A_5 = tpu.memref_slice %arg8[%dma_start3A_3, %dma_start3A_4] : memref<200x64xf32, #tpu.memory_space<vmem>> -> memref<104x64xf32, #tpu.memory_space<vmem>>
    %dma_start3A_6 = arith.constant 0 : i32
    %dma_start3A_7 = tpu.memref_slice %arg6[%dma_start3A, %dma_start3A_6] : memref<128x200xi32, #tpu.memory_space<vmem>> -> memref<1x104xi32, #tpu.memory_space<vmem>>
    %dma_start3A_8 = tpu.memref_squeeze %dma_start3A_7 : memref<1x104xi32, #tpu.memory_space<vmem>> -> memref<104xi32, #tpu.memory_space<vmem>>
    %dma_start3A_9 = arith.constant 0 : i32
    %dma_start3A_10 = arith.constant 0 : i32
    %dma_start3A_11 = tpu.memref_slice %arg3[%dma_start3A_9, %dma_start3A_10] : memref<1000000x64xf32, #tpu.memory_space<hbm>> -> memref<1000000x64xf32, #tpu.memory_space<hbm>>
    tpu.enqueue_indirect_dma source(%dma_start3A_11 : memref<1000000x64xf32, #tpu.memory_space<hbm>>) target(%dma_start3A_5 : memref<104x64xf32, #tpu.memory_space<vmem>>) offsets(%dma_start3A_8 : memref<104xi32, #tpu.memory_space<vmem>>) semaphore(%arg13 : memref<!tpu.dma_semaphore, #tpu.memory_space<semaphore_mem>>)
    %dma_start3A_12 = arith.constant 0 : i32
    %dma_start3A_13 = arith.constant 104 : i32
    %dma_start3A_14 = arith.constant 0 : i32
    %dma_start3A_15 = tpu.memref_slice %arg8[%dma_start3A_13, %dma_start3A_14] : memref<200x64xf32, #tpu.memory_space<vmem>> -> memref<96x64xf32, #tpu.memory_space<vmem>>
    %dma_start3A_16 = arith.constant 104 : i32
    %dma_start3A_17 = tpu.memref_slice %arg6[%dma_start3A_12, %dma_start3A_16] : memref<128x200xi32, #tpu.memory_space<vmem>> -> memref<1x96xi32, #tpu.memory_space<vmem>>
    %dma_start3A_18 = tpu.memref_squeeze %dma_start3A_17 : memref<1x96xi32, #tpu.memory_space<vmem>> -> memref<96xi32, #tpu.memory_space<vmem>>
    %dma_start3A_19 = arith.constant 0 : i32
    %dma_start3A_20 = arith.constant 0 : i32
    %dma_start3A_21 = tpu.memref_slice %arg3[%dma_start3A_19, %dma_start3A_20] : memref<1000000x64xf32, #tpu.memory_space<hbm>> -> memref<1000000x64xf32, #tpu.memory_space<hbm>>
    tpu.enqueue_indirect_dma source(%dma_start3A_21 : memref<1000000x64xf32, #tpu.memory_space<hbm>>) target(%dma_start3A_15 : memref<96x64xf32, #tpu.memory_space<vmem>>) offsets(%dma_start3A_18 : memref<96xi32, #tpu.memory_space<vmem>>) semaphore(%arg13 : memref<!tpu.dma_semaphore, #tpu.memory_space<semaphore_mem>>)
    %dma_start3A_22 = arith.constant 1 : i32
    %dma_start3A_23 = arith.constant 0 : i32
    %dma_start3A_24 = arith.constant 0 : i32
    %dma_start3A_25 = tpu.memref_slice %arg9[%dma_start3A_23, %dma_start3A_24] : memref<200x64xf32, #tpu.memory_space<vmem>> -> memref<104x64xf32, #tpu.memory_space<vmem>>
    %dma_start3A_26 = arith.constant 0 : i32
    %dma_start3A_27 = tpu.memref_slice %arg6[%dma_start3A_22, %dma_start3A_26] : memref<128x200xi32, #tpu.memory_space<vmem>> -> memref<1x104xi32, #tpu.memory_space<vmem>>
    %dma_start3A_28 = tpu.memref_squeeze %dma_start3A_27 : memref<1x104xi32, #tpu.memory_space<vmem>> -> memref<104xi32, #tpu.memory_space<vmem>>
    %dma_start3A_29 = arith.constant 0 : i32
    %dma_start3A_30 = arith.constant 0 : i32
    %dma_start3A_31 = tpu.memref_slice %arg3[%dma_start3A_29, %dma_start3A_30] : memref<1000000x64xf32, #tpu.memory_space<hbm>> -> memref<1000000x64xf32, #tpu.memory_space<hbm>>
    tpu.enqueue_indirect_dma source(%dma_start3A_31 : memref<1000000x64xf32, #tpu.memory_space<hbm>>) target(%dma_start3A_25 : memref<104x64xf32, #tpu.memory_space<vmem>>) offsets(%dma_start3A_28 : memref<104xi32, #tpu.memory_space<vmem>>) semaphore(%arg14 : memref<!tpu.dma_semaphore, #tpu.memory_space<semaphore_mem>>)
    %dma_start3A_32 = arith.constant 1 : i32
    %dma_start3A_33 = arith.constant 104 : i32
    %dma_start3A_34 = arith.constant 0 : i32
    %dma_start3A_35 = tpu.memref_slice %arg9[%dma_start3A_33, %dma_start3A_34] : memref<200x64xf32, #tpu.memory_space<vmem>> -> memref<96x64xf32, #tpu.memory_space<vmem>>
    %dma_start3A_36 = arith.constant 104 : i32
    %dma_start3A_37 = tpu.memref_slice %arg6[%dma_start3A_32, %dma_start3A_36] : memref<128x200xi32, #tpu.memory_space<vmem>> -> memref<1x96xi32, #tpu.memory_space<vmem>>
    %dma_start3A_38 = tpu.memref_squeeze %dma_start3A_37 : memref<1x96xi32, #tpu.memory_space<vmem>> -> memref<96xi32, #tpu.memory_space<vmem>>
    %dma_start3A_39 = arith.constant 0 : i32
    %dma_start3A_40 = arith.constant 0 : i32
    %dma_start3A_41 = tpu.memref_slice %arg3[%dma_start3A_39, %dma_start3A_40] : memref<1000000x64xf32, #tpu.memory_space<hbm>> -> memref<1000000x64xf32, #tpu.memory_space<hbm>>
    tpu.enqueue_indirect_dma source(%dma_start3A_41 : memref<1000000x64xf32, #tpu.memory_space<hbm>>) target(%dma_start3A_35 : memref<96x64xf32, #tpu.memory_space<vmem>>) offsets(%dma_start3A_38 : memref<96xi32, #tpu.memory_space<vmem>>) semaphore(%arg14 : memref<!tpu.dma_semaphore, #tpu.memory_space<semaphore_mem>>)
    %dma_start3A_42 = arith.constant 2 : i32
    %dma_start3A_43 = arith.constant 0 : i32
    %dma_start3A_44 = arith.constant 0 : i32
    %dma_start3A_45 = tpu.memref_slice %arg10[%dma_start3A_43, %dma_start3A_44] : memref<200x64xf32, #tpu.memory_space<vmem>> -> memref<104x64xf32, #tpu.memory_space<vmem>>
    %dma_start3A_46 = arith.constant 0 : i32
    %dma_start3A_47 = tpu.memref_slice %arg6[%dma_start3A_42, %dma_start3A_46] : memref<128x200xi32, #tpu.memory_space<vmem>> -> memref<1x104xi32, #tpu.memory_space<vmem>>
    %dma_start3A_48 = tpu.memref_squeeze %dma_start3A_47 : memref<1x104xi32, #tpu.memory_space<vmem>> -> memref<104xi32, #tpu.memory_space<vmem>>
    %dma_start3A_49 = arith.constant 0 : i32
    %dma_start3A_50 = arith.constant 0 : i32
    %dma_start3A_51 = tpu.memref_slice %arg3[%dma_start3A_49, %dma_start3A_50] : memref<1000000x64xf32, #tpu.memory_space<hbm>> -> memref<1000000x64xf32, #tpu.memory_space<hbm>>
    tpu.enqueue_indirect_dma source(%dma_start3A_51 : memref<1000000x64xf32, #tpu.memory_space<hbm>>) target(%dma_start3A_45 : memref<104x64xf32, #tpu.memory_space<vmem>>) offsets(%dma_start3A_48 : memref<104xi32, #tpu.memory_space<vmem>>) semaphore(%arg15 : memref<!tpu.dma_semaphore, #tpu.memory_space<semaphore_mem>>)
    %dma_start3A_52 = arith.constant 2 : i32
    %dma_start3A_53 = arith.constant 104 : i32
    %dma_start3A_54 = arith.constant 0 : i32
    %dma_start3A_55 = tpu.memref_slice %arg10[%dma_start3A_53, %dma_start3A_54] : memref<200x64xf32, #tpu.memory_space<vmem>> -> memref<96x64xf32, #tpu.memory_space<vmem>>
    %dma_start3A_56 = arith.constant 104 : i32
    %dma_start3A_57 = tpu.memref_slice %arg6[%dma_start3A_52, %dma_start3A_56] : memref<128x200xi32, #tpu.memory_space<vmem>> -> memref<1x96xi32, #tpu.memory_space<vmem>>
    %dma_start3A_58 = tpu.memref_squeeze %dma_start3A_57 : memref<1x96xi32, #tpu.memory_space<vmem>> -> memref<96xi32, #tpu.memory_space<vmem>>
    %dma_start3A_59 = arith.constant 0 : i32
    %dma_start3A_60 = arith.constant 0 : i32
    %dma_start3A_61 = tpu.memref_slice %arg3[%dma_start3A_59, %dma_start3A_60] : memref<1000000x64xf32, #tpu.memory_space<hbm>> -> memref<1000000x64xf32, #tpu.memory_space<hbm>>
    tpu.enqueue_indirect_dma source(%dma_start3A_61 : memref<1000000x64xf32, #tpu.memory_space<hbm>>) target(%dma_start3A_55 : memref<96x64xf32, #tpu.memory_space<vmem>>) offsets(%dma_start3A_58 : memref<96xi32, #tpu.memory_space<vmem>>) semaphore(%arg15 : memref<!tpu.dma_semaphore, #tpu.memory_space<semaphore_mem>>)
    %scan3A = arith.constant 0 : i32
    %scan3A_62 = arith.constant 0 : i32
    %scan3A_63 = arith.constant 32 : i32
    %scan3A_64 = arith.addi %scan3A_62, %scan3A_63 : i32
    %scan3A_65 = arith.constant 1 : i32
    scf.for %scan3A_67 = %scan3A_62 to %scan3A_64 step %scan3A_65  : i32 {
      %mul3A_68 = arith.constant 4 : i32
      %mul3A_69 = arith.muli %mul3A_68, %scan3A_67 : i32
      %add3A_70 = arith.constant 0 : i32
      %add3A_71 = arith.addi %mul3A_69, %add3A_70 : i32
      %dma_wait3A = arith.constant 0 : i32
      %dma_wait3A_72 = arith.constant 0 : i32
      %dma_wait3A_73 = arith.constant 0 : i32
      %dma_wait3A_74 = tpu.memref_slice %arg8[%dma_wait3A_72, %dma_wait3A_73] : memref<200x64xf32, #tpu.memory_space<vmem>> -> memref<104x64xf32, #tpu.memory_space<vmem>>
      %dma_wait3A_75 = arith.constant 0 : i32
      %dma_wait3A_76 = tpu.memref_slice %arg6[%dma_wait3A, %dma_wait3A_75] : memref<128x200xi32, #tpu.memory_space<vmem>> -> memref<1x104xi32, #tpu.memory_space<vmem>>
      %dma_wait3A_77 = tpu.memref_squeeze %dma_wait3A_76 : memref<1x104xi32, #tpu.memory_space<vmem>> -> memref<104xi32, #tpu.memory_space<vmem>>
      %dma_wait3A_78 = arith.constant 0 : i32
      %dma_wait3A_79 = arith.constant 0 : i32
      %dma_wait3A_80 = tpu.memref_slice %arg3[%dma_wait3A_78, %dma_wait3A_79] : memref<1000000x64xf32, #tpu.memory_space<hbm>> -> memref<1000000x64xf32, #tpu.memory_space<hbm>>
      tpu.wait_indirect_dma semaphore(%arg13 : memref<!tpu.dma_semaphore, #tpu.memory_space<semaphore_mem>>) src(%dma_wait3A_80 : memref<1000000x64xf32, #tpu.memory_space<hbm>>) dst(%dma_wait3A_74 : memref<104x64xf32, #tpu.memory_space<vmem>>)
      %dma_wait3A_81 = arith.constant 0 : i32
      %dma_wait3A_82 = arith.constant 104 : i32
      %dma_wait3A_83 = arith.constant 0 : i32
      %dma_wait3A_84 = tpu.memref_slice %arg8[%dma_wait3A_82, %dma_wait3A_83] : memref<200x64xf32, #tpu.memory_space<vmem>> -> memref<96x64xf32, #tpu.memory_space<vmem>>
      %dma_wait3A_85 = arith.constant 104 : i32
      %dma_wait3A_86 = tpu.memref_slice %arg6[%dma_wait3A_81, %dma_wait3A_85] : memref<128x200xi32, #tpu.memory_space<vmem>> -> memref<1x96xi32, #tpu.memory_space<vmem>>
      %dma_wait3A_87 = tpu.memref_squeeze %dma_wait3A_86 : memref<1x96xi32, #tpu.memory_space<vmem>> -> memref<96xi32, #tpu.memory_space<vmem>>
      %dma_wait3A_88 = arith.constant 0 : i32
      %dma_wait3A_89 = arith.constant 0 : i32
      %dma_wait3A_90 = tpu.memref_slice %arg3[%dma_wait3A_88, %dma_wait3A_89] : memref<1000000x64xf32, #tpu.memory_space<hbm>> -> memref<1000000x64xf32, #tpu.memory_space<hbm>>
      tpu.wait_indirect_dma semaphore(%arg13 : memref<!tpu.dma_semaphore, #tpu.memory_space<semaphore_mem>>) src(%dma_wait3A_90 : memref<1000000x64xf32, #tpu.memory_space<hbm>>) dst(%dma_wait3A_84 : memref<96x64xf32, #tpu.memory_space<vmem>>)
      %broadcast_in_dim3A = arith.constant 0.000000e+00 : f32
      %broadcast_in_dim3A_91 = vector.broadcast %broadcast_in_dim3A : f32 to vector<16xf32>
      %broadcast_in_dim3A_92 = arith.constant 0.000000e+00 : f32
      %broadcast_in_dim3A_93 = vector.broadcast %broadcast_in_dim3A_92 : f32 to vector<16xf32>
      %broadcast_in_dim3A_94 = arith.constant 0.000000e+00 : f32
      %broadcast_in_dim3A_95 = vector.broadcast %broadcast_in_dim3A_94 : f32 to vector<16xf32>
      %broadcast_in_dim3A_96 = arith.constant 0.000000e+00 : f32
      %broadcast_in_dim3A_97 = vector.broadcast %broadcast_in_dim3A_96 : f32 to vector<16xf32>
      %scan3A_98 = arith.constant 0 : i32
      %scan3A_99 = arith.constant 25 : i32
      %scan3A_100 = arith.addi %scan3A_98, %scan3A_99 : i32
      %scan3A_101 = arith.constant 1 : i32
      %scan3A_102:4 = scf.for %scan3A_329 = %scan3A_98 to %scan3A_100 step %scan3A_101 iter_args(%scan3A_330 = %broadcast_in_dim3A_91, %scan3A_331 = %broadcast_in_dim3A_93, %scan3A_332 = %broadcast_in_dim3A_95, %scan3A_333 = %broadcast_in_dim3A_97) -> (vector<16xf32>, vector<16xf32>, vector<16xf32>, vector<16xf32>)  : i32 {
        %mul3A_334 = arith.constant 8 : i32
        %mul3A_335 = arith.muli %scan3A_329, %mul3A_334 : i32
        %add3A_336 = arith.constant 0 : i32
        %add3A_337 = arith.addi %mul3A_335, %add3A_336 : i32
        %get3A = arith.index_cast %add3A_337 : i32 to index
        %get3A_338 = arith.constant 0 : index
        %get3A_339 = tpu.vector_load %arg8[%get3A, %get3A_338] {strides = array<i32>} : memref<200x64xf32, #tpu.memory_space<vmem>>, vector<1x16xf32>,
        %get3A_340 = vector.shape_cast %get3A_339 : vector<1x16xf32> to vector<16xf32>
        %add3A_341 = arith.constant 0 : i32
        %add3A_342 = arith.addi %mul3A_335, %add3A_341 : i32
        %get3A_343 = arith.index_cast %add3A_342 : i32 to index
        %get3A_344 = arith.constant 0 : index
        %get3A_345 = tpu.vector_load %arg7[%get3A_343, %get3A_344] {strides = array<i32>} : memref<200x64xf32, #tpu.memory_space<vmem>>, vector<1x16xf32>,
        %get3A_346 = vector.shape_cast %get3A_345 : vector<1x16xf32> to vector<16xf32>
        %mul3A_347 = arith.mulf %get3A_340, %get3A_346 : vector<16xf32>
        %add3A_348 = arith.addf %scan3A_330, %mul3A_347 : vector<16xf32>
        %add3A_349 = arith.constant 0 : i32
        %add3A_350 = arith.addi %mul3A_335, %add3A_349 : i32
        %get3A_351 = arith.index_cast %add3A_350 : i32 to index
        %get3A_352 = arith.constant 16 : index
        %get3A_353 = tpu.vector_load %arg8[%get3A_351, %get3A_352] {strides = array<i32>} : memref<200x64xf32, #tpu.memory_space<vmem>>, vector<1x16xf32>,
        %get3A_354 = vector.shape_cast %get3A_353 : vector<1x16xf32> to vector<16xf32>
        %add3A_355 = arith.constant 0 : i32
        %add3A_356 = arith.addi %mul3A_335, %add3A_355 : i32
        %get3A_357 = arith.index_cast %add3A_356 : i32 to index
        %get3A_358 = arith.constant 16 : index
        %get3A_359 = tpu.vector_load %arg7[%get3A_357, %get3A_358] {strides = array<i32>} : memref<200x64xf32, #tpu.memory_space<vmem>>, vector<1x16xf32>,
        %get3A_360 = vector.shape_cast %get3A_359 : vector<1x16xf32> to vector<16xf32>
        %mul3A_361 = arith.mulf %get3A_354, %get3A_360 : vector<16xf32>
        %add3A_362 = arith.addf %scan3A_331, %mul3A_361 : vector<16xf32>
        %add3A_363 = arith.constant 0 : i32
        %add3A_364 = arith.addi %mul3A_335, %add3A_363 : i32
        %get3A_365 = arith.index_cast %add3A_364 : i32 to index
        %get3A_366 = arith.constant 32 : index
        %get3A_367 = tpu.vector_load %arg8[%get3A_365, %get3A_366] {strides = array<i32>} : memref<200x64xf32, #tpu.memory_space<vmem>>, vector<1x16xf32>,
        %get3A_368 = vector.shape_cast %get3A_367 : vector<1x16xf32> to vector<16xf32>
        %add3A_369 = arith.constant 0 : i32
        %add3A_370 = arith.addi %mul3A_335, %add3A_369 : i32
        %get3A_371 = arith.index_cast %add3A_370 : i32 to index
        %get3A_372 = arith.constant 32 : index
        %get3A_373 = tpu.vector_load %arg7[%get3A_371, %get3A_372] {strides = array<i32>} : memref<200x64xf32, #tpu.memory_space<vmem>>, vector<1x16xf32>,
        %get3A_374 = vector.shape_cast %get3A_373 : vector<1x16xf32> to vector<16xf32>
        %mul3A_375 = arith.mulf %get3A_368, %get3A_374 : vector<16xf32>
        %add3A_376 = arith.addf %scan3A_332, %mul3A_375 : vector<16xf32>
        %add3A_377 = arith.constant 0 : i32
        %add3A_378 = arith.addi %mul3A_335, %add3A_377 : i32
        %get3A_379 = arith.index_cast %add3A_378 : i32 to index
        %get3A_380 = arith.constant 48 : index
        %get3A_381 = tpu.vector_load %arg8[%get3A_379, %get3A_380] {strides = array<i32>} : memref<200x64xf32, #tpu.memory_space<vmem>>, vector<1x16xf32>,
        %get3A_382 = vector.shape_cast %get3A_381 : vector<1x16xf32> to vector<16xf32>
        %add3A_383 = arith.constant 0 : i32
        %add3A_384 = arith.addi %mul3A_335, %add3A_383 : i32
        %get3A_385 = arith.index_cast %add3A_384 : i32 to index
        %get3A_386 = arith.constant 48 : index
        %get3A_387 = tpu.vector_load %arg7[%get3A_385, %get3A_386] {strides = array<i32>} : memref<200x64xf32, #tpu.memory_space<vmem>>, vector<1x16xf32>,
        %get3A_388 = vector.shape_cast %get3A_387 : vector<1x16xf32> to vector<16xf32>
        %mul3A_389 = arith.mulf %get3A_382, %get3A_388 : vector<16xf32>
        %add3A_390 = arith.addf %scan3A_333, %mul3A_389 : vector<16xf32>
        %add3A_391 = arith.constant 1 : i32
        %add3A_392 = arith.addi %mul3A_335, %add3A_391 : i32
        %get3A_393 = arith.index_cast %add3A_392 : i32 to index
        %get3A_394 = arith.constant 0 : index
        %get3A_395 = tpu.vector_load %arg8[%get3A_393, %get3A_394] {strides = array<i32>} : memref<200x64xf32, #tpu.memory_space<vmem>>, vector<1x16xf32>,
        %get3A_396 = vector.shape_cast %get3A_395 : vector<1x16xf32> to vector<16xf32>
        %add3A_397 = arith.constant 1 : i32
        %add3A_398 = arith.addi %mul3A_335, %add3A_397 : i32
        %get3A_399 = arith.index_cast %add3A_398 : i32 to index
        %get3A_400 = arith.constant 0 : index
        %get3A_401 = tpu.vector_load %arg7[%get3A_399, %get3A_400] {strides = array<i32>} : memref<200x64xf32, #tpu.memory_space<vmem>>, vector<1x16xf32>,
        %get3A_402 = vector.shape_cast %get3A_401 : vector<1x16xf32> to vector<16xf32>
        %mul3A_403 = arith.mulf %get3A_396, %get3A_402 : vector<16xf32>
        %add3A_404 = arith.addf %add3A_348, %mul3A_403 : vector<16xf32>
        %add3A_405 = arith.constant 1 : i32
        %add3A_406 = arith.addi %mul3A_335, %add3A_405 : i32
        %get3A_407 = arith.index_cast %add3A_406 : i32 to index
        %get3A_408 = arith.constant 16 : index
        %get3A_409 = tpu.vector_load %arg8[%get3A_407, %get3A_408] {strides = array<i32>} : memref<200x64xf32, #tpu.memory_space<vmem>>, vector<1x16xf32>,
        %get3A_410 = vector.shape_cast %get3A_409 : vector<1x16xf32> to vector<16xf32>
        %add3A_411 = arith.constant 1 : i32
        %add3A_412 = arith.addi %mul3A_335, %add3A_411 : i32
        %get3A_413 = arith.index_cast %add3A_412 : i32 to index
        %get3A_414 = arith.constant 16 : index
        %get3A_415 = tpu.vector_load %arg7[%get3A_413, %get3A_414] {strides = array<i32>} : memref<200x64xf32, #tpu.memory_space<vmem>>, vector<1x16xf32>,
        %get3A_416 = vector.shape_cast %get3A_415 : vector<1x16xf32> to vector<16xf32>
        %mul3A_417 = arith.mulf %get3A_410, %get3A_416 : vector<16xf32>
        %add3A_418 = arith.addf %add3A_362, %mul3A_417 : vector<16xf32>
        %add3A_419 = arith.constant 1 : i32
        %add3A_420 = arith.addi %mul3A_335, %add3A_419 : i32
        %get3A_421 = arith.index_cast %add3A_420 : i32 to index
        %get3A_422 = arith.constant 32 : index
        %get3A_423 = tpu.vector_load %arg8[%get3A_421, %get3A_422] {strides = array<i32>} : memref<200x64xf32, #tpu.memory_space<vmem>>, vector<1x16xf32>,
        %get3A_424 = vector.shape_cast %get3A_423 : vector<1x16xf32> to vector<16xf32>
        %add3A_425 = arith.constant 1 : i32
        %add3A_426 = arith.addi %mul3A_335, %add3A_425 : i32
        %get3A_427 = arith.index_cast %add3A_426 : i32 to index
        %get3A_428 = arith.constant 32 : index
        %get3A_429 = tpu.vector_load %arg7[%get3A_427, %get3A_428] {strides = array<i32>} : memref<200x64xf32, #tpu.memory_space<vmem>>, vector<1x16xf32>,
        %get3A_430 = vector.shape_cast %get3A_429 : vector<1x16xf32> to vector<16xf32>
        %mul3A_431 = arith.mulf %get3A_424, %get3A_430 : vector<16xf32>
        %add3A_432 = arith.addf %add3A_376, %mul3A_431 : vector<16xf32>
        %add3A_433 = arith.constant 1 : i32
        %add3A_434 = arith.addi %mul3A_335, %add3A_433 : i32
        %get3A_435 = arith.index_cast %add3A_434 : i32 to index
        %get3A_436 = arith.constant 48 : index
        %get3A_437 = tpu.vector_load %arg8[%get3A_435, %get3A_436] {strides = array<i32>} : memref<200x64xf32, #tpu.memory_space<vmem>>, vector<1x16xf32>,
        %get3A_438 = vector.shape_cast %get3A_437 : vector<1x16xf32> to vector<16xf32>
        %add3A_439 = arith.constant 1 : i32
        %add3A_440 = arith.addi %mul3A_335, %add3A_439 : i32
        %get3A_441 = arith.index_cast %add3A_440 : i32 to index
        %get3A_442 = arith.constant 48 : index
        %get3A_443 = tpu.vector_load %arg7[%get3A_441, %get3A_442] {strides = array<i32>} : memref<200x64xf32, #tpu.memory_space<vmem>>, vector<1x16xf32>,
        %get3A_444 = vector.shape_cast %get3A_443 : vector<1x16xf32> to vector<16xf32>
        %mul3A_445 = arith.mulf %get3A_438, %get3A_444 : vector<16xf32>
        %add3A_446 = arith.addf %add3A_390, %mul3A_445 : vector<16xf32>
        %add3A_447 = arith.constant 2 : i32
        %add3A_448 = arith.addi %mul3A_335, %add3A_447 : i32
        %get3A_449 = arith.index_cast %add3A_448 : i32 to index
        %get3A_450 = arith.constant 0 : index
        %get3A_451 = tpu.vector_load %arg8[%get3A_449, %get3A_450] {strides = array<i32>} : memref<200x64xf32, #tpu.memory_space<vmem>>, vector<1x16xf32>,
        %get3A_452 = vector.shape_cast %get3A_451 : vector<1x16xf32> to vector<16xf32>
        %add3A_453 = arith.constant 2 : i32
        %add3A_454 = arith.addi %mul3A_335, %add3A_453 : i32
        %get3A_455 = arith.index_cast %add3A_454 : i32 to index
        %get3A_456 = arith.constant 0 : index
        %get3A_457 = tpu.vector_load %arg7[%get3A_455, %get3A_456] {strides = array<i32>} : memref<200x64xf32, #tpu.memory_space<vmem>>, vector<1x16xf32>,
        %get3A_458 = vector.shape_cast %get3A_457 : vector<1x16xf32> to vector<16xf32>
        %mul3A_459 = arith.mulf %get3A_452, %get3A_458 : vector<16xf32>
        %add3A_460 = arith.addf %add3A_404, %mul3A_459 : vector<16xf32>
        %add3A_461 = arith.constant 2 : i32
        %add3A_462 = arith.addi %mul3A_335, %add3A_461 : i32
        %get3A_463 = arith.index_cast %add3A_462 : i32 to index
        %get3A_464 = arith.constant 16 : index
        %get3A_465 = tpu.vector_load %arg8[%get3A_463, %get3A_464] {strides = array<i32>} : memref<200x64xf32, #tpu.memory_space<vmem>>, vector<1x16xf32>,
        %get3A_466 = vector.shape_cast %get3A_465 : vector<1x16xf32> to vector<16xf32>
        %add3A_467 = arith.constant 2 : i32
        %add3A_468 = arith.addi %mul3A_335, %add3A_467 : i32
        %get3A_469 = arith.index_cast %add3A_468 : i32 to index
        %get3A_470 = arith.constant 16 : index
        %get3A_471 = tpu.vector_load %arg7[%get3A_469, %get3A_470] {strides = array<i32>} : memref<200x64xf32, #tpu.memory_space<vmem>>, vector<1x16xf32>,
        %get3A_472 = vector.shape_cast %get3A_471 : vector<1x16xf32> to vector<16xf32>
        %mul3A_473 = arith.mulf %get3A_466, %get3A_472 : vector<16xf32>
        %add3A_474 = arith.addf %add3A_418, %mul3A_473 : vector<16xf32>
        %add3A_475 = arith.constant 2 : i32
        %add3A_476 = arith.addi %mul3A_335, %add3A_475 : i32
        %get3A_477 = arith.index_cast %add3A_476 : i32 to index
        %get3A_478 = arith.constant 32 : index
        %get3A_479 = tpu.vector_load %arg8[%get3A_477, %get3A_478] {strides = array<i32>} : memref<200x64xf32, #tpu.memory_space<vmem>>, vector<1x16xf32>,
        %get3A_480 = vector.shape_cast %get3A_479 : vector<1x16xf32> to vector<16xf32>
        %add3A_481 = arith.constant 2 : i32
        %add3A_482 = arith.addi %mul3A_335, %add3A_481 : i32
        %get3A_483 = arith.index_cast %add3A_482 : i32 to index
        %get3A_484 = arith.constant 32 : index
        %get3A_485 = tpu.vector_load %arg7[%get3A_483, %get3A_484] {strides = array<i32>} : memref<200x64xf32, #tpu.memory_space<vmem>>, vector<1x16xf32>,
        %get3A_486 = vector.shape_cast %get3A_485 : vector<1x16xf32> to vector<16xf32>
        %mul3A_487 = arith.mulf %get3A_480, %get3A_486 : vector<16xf32>
        %add3A_488 = arith.addf %add3A_432, %mul3A_487 : vector<16xf32>
        %add3A_489 = arith.constant 2 : i32
        %add3A_490 = arith.addi %mul3A_335, %add3A_489 : i32
        %get3A_491 = arith.index_cast %add3A_490 : i32 to index
        %get3A_492 = arith.constant 48 : index
        %get3A_493 = tpu.vector_load %arg8[%get3A_491, %get3A_492] {strides = array<i32>} : memref<200x64xf32, #tpu.memory_space<vmem>>, vector<1x16xf32>,
        %get3A_494 = vector.shape_cast %get3A_493 : vector<1x16xf32> to vector<16xf32>
        %add3A_495 = arith.constant 2 : i32
        %add3A_496 = arith.addi %mul3A_335, %add3A_495 : i32
        %get3A_497 = arith.index_cast %add3A_496 : i32 to index
        %get3A_498 = arith.constant 48 : index
        %get3A_499 = tpu.vector_load %arg7[%get3A_497, %get3A_498] {strides = array<i32>} : memref<200x64xf32, #tpu.memory_space<vmem>>, vector<1x16xf32>,
        %get3A_500 = vector.shape_cast %get3A_499 : vector<1x16xf32> to vector<16xf32>
        %mul3A_501 = arith.mulf %get3A_494, %get3A_500 : vector<16xf32>
        %add3A_502 = arith.addf %add3A_446, %mul3A_501 : vector<16xf32>
        %add3A_503 = arith.constant 3 : i32
        %add3A_504 = arith.addi %mul3A_335, %add3A_503 : i32
        %get3A_505 = arith.index_cast %add3A_504 : i32 to index
        %get3A_506 = arith.constant 0 : index
        %get3A_507 = tpu.vector_load %arg8[%get3A_505, %get3A_506] {strides = array<i32>} : memref<200x64xf32, #tpu.memory_space<vmem>>, vector<1x16xf32>,
        %get3A_508 = vector.shape_cast %get3A_507 : vector<1x16xf32> to vector<16xf32>
        %add3A_509 = arith.constant 3 : i32
        %add3A_510 = arith.addi %mul3A_335, %add3A_509 : i32
        %get3A_511 = arith.index_cast %add3A_510 : i32 to index
        %get3A_512 = arith.constant 0 : index
        %get3A_513 = tpu.vector_load %arg7[%get3A_511, %get3A_512] {strides = array<i32>} : memref<200x64xf32, #tpu.memory_space<vmem>>, vector<1x16xf32>,
        %get3A_514 = vector.shape_cast %get3A_513 : vector<1x16xf32> to vector<16xf32>
        %mul3A_515 = arith.mulf %get3A_508, %get3A_514 : vector<16xf32>
        %add3A_516 = arith.addf %add3A_460, %mul3A_515 : vector<16xf32>
        %add3A_517 = arith.constant 3 : i32
        %add3A_518 = arith.addi %mul3A_335, %add3A_517 : i32
        %get3A_519 = arith.index_cast %add3A_518 : i32 to index
        %get3A_520 = arith.constant 16 : index
        %get3A_521 = tpu.vector_load %arg8[%get3A_519, %get3A_520] {strides = array<i32>} : memref<200x64xf32, #tpu.memory_space<vmem>>, vector<1x16xf32>,
        %get3A_522 = vector.shape_cast %get3A_521 : vector<1x16xf32> to vector<16xf32>
        %add3A_523 = arith.constant 3 : i32
        %add3A_524 = arith.addi %mul3A_335, %add3A_523 : i32
        %get3A_525 = arith.index_cast %add3A_524 : i32 to index
        %get3A_526 = arith.constant 16 : index
        %get3A_527 = tpu.vector_load %arg7[%get3A_525, %get3A_526] {strides = array<i32>} : memref<200x64xf32, #tpu.memory_space<vmem>>, vector<1x16xf32>,
        %get3A_528 = vector.shape_cast %get3A_527 : vector<1x16xf32> to vector<16xf32>
        %mul3A_529 = arith.mulf %get3A_522, %get3A_528 : vector<16xf32>
        %add3A_530 = arith.addf %add3A_474, %mul3A_529 : vector<16xf32>
        %add3A_531 = arith.constant 3 : i32
        %add3A_532 = arith.addi %mul3A_335, %add3A_531 : i32
        %get3A_533 = arith.index_cast %add3A_532 : i32 to index
        %get3A_534 = arith.constant 32 : index
        %get3A_535 = tpu.vector_load %arg8[%get3A_533, %get3A_534] {strides = array<i32>} : memref<200x64xf32, #tpu.memory_space<vmem>>, vector<1x16xf32>,
        %get3A_536 = vector.shape_cast %get3A_535 : vector<1x16xf32> to vector<16xf32>
        %add3A_537 = arith.constant 3 : i32
        %add3A_538 = arith.addi %mul3A_335, %add3A_537 : i32
        %get3A_539 = arith.index_cast %add3A_538 : i32 to index
        %get3A_540 = arith.constant 32 : index
        %get3A_541 = tpu.vector_load %arg7[%get3A_539, %get3A_540] {strides = array<i32>} : memref<200x64xf32, #tpu.memory_space<vmem>>, vector<1x16xf32>,
        %get3A_542 = vector.shape_cast %get3A_541 : vector<1x16xf32> to vector<16xf32>
        %mul3A_543 = arith.mulf %get3A_536, %get3A_542 : vector<16xf32>
        %add3A_544 = arith.addf %add3A_488, %mul3A_543 : vector<16xf32>
        %add3A_545 = arith.constant 3 : i32
        %add3A_546 = arith.addi %mul3A_335, %add3A_545 : i32
        %get3A_547 = arith.index_cast %add3A_546 : i32 to index
        %get3A_548 = arith.constant 48 : index
        %get3A_549 = tpu.vector_load %arg8[%get3A_547, %get3A_548] {strides = array<i32>} : memref<200x64xf32, #tpu.memory_space<vmem>>, vector<1x16xf32>,
        %get3A_550 = vector.shape_cast %get3A_549 : vector<1x16xf32> to vector<16xf32>
        %add3A_551 = arith.constant 3 : i32
        %add3A_552 = arith.addi %mul3A_335, %add3A_551 : i32
        %get3A_553 = arith.index_cast %add3A_552 : i32 to index
        %get3A_554 = arith.constant 48 : index
        %get3A_555 = tpu.vector_load %arg7[%get3A_553, %get3A_554] {strides = array<i32>} : memref<200x64xf32, #tpu.memory_space<vmem>>, vector<1x16xf32>,
        %get3A_556 = vector.shape_cast %get3A_555 : vector<1x16xf32> to vector<16xf32>
        %mul3A_557 = arith.mulf %get3A_550, %get3A_556 : vector<16xf32>
        %add3A_558 = arith.addf %add3A_502, %mul3A_557 : vector<16xf32>
        %add3A_559 = arith.constant 4 : i32
        %add3A_560 = arith.addi %mul3A_335, %add3A_559 : i32
        %get3A_561 = arith.index_cast %add3A_560 : i32 to index
        %get3A_562 = arith.constant 0 : index
        %get3A_563 = tpu.vector_load %arg8[%get3A_561, %get3A_562] {strides = array<i32>} : memref<200x64xf32, #tpu.memory_space<vmem>>, vector<1x16xf32>,
        %get3A_564 = vector.shape_cast %get3A_563 : vector<1x16xf32> to vector<16xf32>
        %add3A_565 = arith.constant 4 : i32
        %add3A_566 = arith.addi %mul3A_335, %add3A_565 : i32
        %get3A_567 = arith.index_cast %add3A_566 : i32 to index
        %get3A_568 = arith.constant 0 : index
        %get3A_569 = tpu.vector_load %arg7[%get3A_567, %get3A_568] {strides = array<i32>} : memref<200x64xf32, #tpu.memory_space<vmem>>, vector<1x16xf32>,
        %get3A_570 = vector.shape_cast %get3A_569 : vector<1x16xf32> to vector<16xf32>
        %mul3A_571 = arith.mulf %get3A_564, %get3A_570 : vector<16xf32>
        %add3A_572 = arith.addf %add3A_516, %mul3A_571 : vector<16xf32>
        %add3A_573 = arith.constant 4 : i32
        %add3A_574 = arith.addi %mul3A_335, %add3A_573 : i32
        %get3A_575 = arith.index_cast %add3A_574 : i32 to index
        %get3A_576 = arith.constant 16 : index
        %get3A_577 = tpu.vector_load %arg8[%get3A_575, %get3A_576] {strides = array<i32>} : memref<200x64xf32, #tpu.memory_space<vmem>>, vector<1x16xf32>,
        %get3A_578 = vector.shape_cast %get3A_577 : vector<1x16xf32> to vector<16xf32>
        %add3A_579 = arith.constant 4 : i32
        %add3A_580 = arith.addi %mul3A_335, %add3A_579 : i32
        %get3A_581 = arith.index_cast %add3A_580 : i32 to index
        %get3A_582 = arith.constant 16 : index
        %get3A_583 = tpu.vector_load %arg7[%get3A_581, %get3A_582] {strides = array<i32>} : memref<200x64xf32, #tpu.memory_space<vmem>>, vector<1x16xf32>,
        %get3A_584 = vector.shape_cast %get3A_583 : vector<1x16xf32> to vector<16xf32>
        %mul3A_585 = arith.mulf %get3A_578, %get3A_584 : vector<16xf32>
        %add3A_586 = arith.addf %add3A_530, %mul3A_585 : vector<16xf32>
        %add3A_587 = arith.constant 4 : i32
        %add3A_588 = arith.addi %mul3A_335, %add3A_587 : i32
        %get3A_589 = arith.index_cast %add3A_588 : i32 to index
        %get3A_590 = arith.constant 32 : index
        %get3A_591 = tpu.vector_load %arg8[%get3A_589, %get3A_590] {strides = array<i32>} : memref<200x64xf32, #tpu.memory_space<vmem>>, vector<1x16xf32>,
        %get3A_592 = vector.shape_cast %get3A_591 : vector<1x16xf32> to vector<16xf32>
        %add3A_593 = arith.constant 4 : i32
        %add3A_594 = arith.addi %mul3A_335, %add3A_593 : i32
        %get3A_595 = arith.index_cast %add3A_594 : i32 to index
        %get3A_596 = arith.constant 32 : index
        %get3A_597 = tpu.vector_load %arg7[%get3A_595, %get3A_596] {strides = array<i32>} : memref<200x64xf32, #tpu.memory_space<vmem>>, vector<1x16xf32>,
        %get3A_598 = vector.shape_cast %get3A_597 : vector<1x16xf32> to vector<16xf32>
        %mul3A_599 = arith.mulf %get3A_592, %get3A_598 : vector<16xf32>
        %add3A_600 = arith.addf %add3A_544, %mul3A_599 : vector<16xf32>
        %add3A_601 = arith.constant 4 : i32
        %add3A_602 = arith.addi %mul3A_335, %add3A_601 : i32
        %get3A_603 = arith.index_cast %add3A_602 : i32 to index
        %get3A_604 = arith.constant 48 : index
        %get3A_605 = tpu.vector_load %arg8[%get3A_603, %get3A_604] {strides = array<i32>} : memref<200x64xf32, #tpu.memory_space<vmem>>, vector<1x16xf32>,
        %get3A_606 = vector.shape_cast %get3A_605 : vector<1x16xf32> to vector<16xf32>
        %add3A_607 = arith.constant 4 : i32
        %add3A_608 = arith.addi %mul3A_335, %add3A_607 : i32
        %get3A_609 = arith.index_cast %add3A_608 : i32 to index
        %get3A_610 = arith.constant 48 : index
        %get3A_611 = tpu.vector_load %arg7[%get3A_609, %get3A_610] {strides = array<i32>} : memref<200x64xf32, #tpu.memory_space<vmem>>, vector<1x16xf32>,
        %get3A_612 = vector.shape_cast %get3A_611 : vector<1x16xf32> to vector<16xf32>
        %mul3A_613 = arith.mulf %get3A_606, %get3A_612 : vector<16xf32>
        %add3A_614 = arith.addf %add3A_558, %mul3A_613 : vector<16xf32>
        %add3A_615 = arith.constant 5 : i32
        %add3A_616 = arith.addi %mul3A_335, %add3A_615 : i32
        %get3A_617 = arith.index_cast %add3A_616 : i32 to index
        %get3A_618 = arith.constant 0 : index
        %get3A_619 = tpu.vector_load %arg8[%get3A_617, %get3A_618] {strides = array<i32>} : memref<200x64xf32, #tpu.memory_space<vmem>>, vector<1x16xf32>,
        %get3A_620 = vector.shape_cast %get3A_619 : vector<1x16xf32> to vector<16xf32>
        %add3A_621 = arith.constant 5 : i32
        %add3A_622 = arith.addi %mul3A_335, %add3A_621 : i32
        %get3A_623 = arith.index_cast %add3A_622 : i32 to index
        %get3A_624 = arith.constant 0 : index
        %get3A_625 = tpu.vector_load %arg7[%get3A_623, %get3A_624] {strides = array<i32>} : memref<200x64xf32, #tpu.memory_space<vmem>>, vector<1x16xf32>,
        %get3A_626 = vector.shape_cast %get3A_625 : vector<1x16xf32> to vector<16xf32>
        %mul3A_627 = arith.mulf %get3A_620, %get3A_626 : vector<16xf32>
        %add3A_628 = arith.addf %add3A_572, %mul3A_627 : vector<16xf32>
        %add3A_629 = arith.constant 5 : i32
        %add3A_630 = arith.addi %mul3A_335, %add3A_629 : i32
        %get3A_631 = arith.index_cast %add3A_630 : i32 to index
        %get3A_632 = arith.constant 16 : index
        %get3A_633 = tpu.vector_load %arg8[%get3A_631, %get3A_632] {strides = array<i32>} : memref<200x64xf32, #tpu.memory_space<vmem>>, vector<1x16xf32>,
        %get3A_634 = vector.shape_cast %get3A_633 : vector<1x16xf32> to vector<16xf32>
        %add3A_635 = arith.constant 5 : i32
        %add3A_636 = arith.addi %mul3A_335, %add3A_635 : i32
        %get3A_637 = arith.index_cast %add3A_636 : i32 to index
        %get3A_638 = arith.constant 16 : index
        %get3A_639 = tpu.vector_load %arg7[%get3A_637, %get3A_638] {strides = array<i32>} : memref<200x64xf32, #tpu.memory_space<vmem>>, vector<1x16xf32>,
        %get3A_640 = vector.shape_cast %get3A_639 : vector<1x16xf32> to vector<16xf32>
        %mul3A_641 = arith.mulf %get3A_634, %get3A_640 : vector<16xf32>
        %add3A_642 = arith.addf %add3A_586, %mul3A_641 : vector<16xf32>
        %add3A_643 = arith.constant 5 : i32
        %add3A_644 = arith.addi %mul3A_335, %add3A_643 : i32
        %get3A_645 = arith.index_cast %add3A_644 : i32 to index
        %get3A_646 = arith.constant 32 : index
        %get3A_647 = tpu.vector_load %arg8[%get3A_645, %get3A_646] {strides = array<i32>} : memref<200x64xf32, #tpu.memory_space<vmem>>, vector<1x16xf32>,
        %get3A_648 = vector.shape_cast %get3A_647 : vector<1x16xf32> to vector<16xf32>
        %add3A_649 = arith.constant 5 : i32
        %add3A_650 = arith.addi %mul3A_335, %add3A_649 : i32
        %get3A_651 = arith.index_cast %add3A_650 : i32 to index
        %get3A_652 = arith.constant 32 : index
        %get3A_653 = tpu.vector_load %arg7[%get3A_651, %get3A_652] {strides = array<i32>} : memref<200x64xf32, #tpu.memory_space<vmem>>, vector<1x16xf32>,
        %get3A_654 = vector.shape_cast %get3A_653 : vector<1x16xf32> to vector<16xf32>
        %mul3A_655 = arith.mulf %get3A_648, %get3A_654 : vector<16xf32>
        %add3A_656 = arith.addf %add3A_600, %mul3A_655 : vector<16xf32>
        %add3A_657 = arith.constant 5 : i32
        %add3A_658 = arith.addi %mul3A_335, %add3A_657 : i32
        %get3A_659 = arith.index_cast %add3A_658 : i32 to index
        %get3A_660 = arith.constant 48 : index
        %get3A_661 = tpu.vector_load %arg8[%get3A_659, %get3A_660] {strides = array<i32>} : memref<200x64xf32, #tpu.memory_space<vmem>>, vector<1x16xf32>,
        %get3A_662 = vector.shape_cast %get3A_661 : vector<1x16xf32> to vector<16xf32>
        %add3A_663 = arith.constant 5 : i32
        %add3A_664 = arith.addi %mul3A_335, %add3A_663 : i32
        %get3A_665 = arith.index_cast %add3A_664 : i32 to index
        %get3A_666 = arith.constant 48 : index
        %get3A_667 = tpu.vector_load %arg7[%get3A_665, %get3A_666] {strides = array<i32>} : memref<200x64xf32, #tpu.memory_space<vmem>>, vector<1x16xf32>,
        %get3A_668 = vector.shape_cast %get3A_667 : vector<1x16xf32> to vector<16xf32>
        %mul3A_669 = arith.mulf %get3A_662, %get3A_668 : vector<16xf32>
        %add3A_670 = arith.addf %add3A_614, %mul3A_669 : vector<16xf32>
        %add3A_671 = arith.constant 6 : i32
        %add3A_672 = arith.addi %mul3A_335, %add3A_671 : i32
        %get3A_673 = arith.index_cast %add3A_672 : i32 to index
        %get3A_674 = arith.constant 0 : index
        %get3A_675 = tpu.vector_load %arg8[%get3A_673, %get3A_674] {strides = array<i32>} : memref<200x64xf32, #tpu.memory_space<vmem>>, vector<1x16xf32>,
        %get3A_676 = vector.shape_cast %get3A_675 : vector<1x16xf32> to vector<16xf32>
        %add3A_677 = arith.constant 6 : i32
        %add3A_678 = arith.addi %mul3A_335, %add3A_677 : i32
        %get3A_679 = arith.index_cast %add3A_678 : i32 to index
        %get3A_680 = arith.constant 0 : index
        %get3A_681 = tpu.vector_load %arg7[%get3A_679, %get3A_680] {strides = array<i32>} : memref<200x64xf32, #tpu.memory_space<vmem>>, vector<1x16xf32>,
        %get3A_682 = vector.shape_cast %get3A_681 : vector<1x16xf32> to vector<16xf32>
        %mul3A_683 = arith.mulf %get3A_676, %get3A_682 : vector<16xf32>
        %add3A_684 = arith.addf %add3A_628, %mul3A_683 : vector<16xf32>
        %add3A_685 = arith.constant 6 : i32
        %add3A_686 = arith.addi %mul3A_335, %add3A_685 : i32
        %get3A_687 = arith.index_cast %add3A_686 : i32 to index
        %get3A_688 = arith.constant 16 : index
        %get3A_689 = tpu.vector_load %arg8[%get3A_687, %get3A_688] {strides = array<i32>} : memref<200x64xf32, #tpu.memory_space<vmem>>, vector<1x16xf32>,
        %get3A_690 = vector.shape_cast %get3A_689 : vector<1x16xf32> to vector<16xf32>
        %add3A_691 = arith.constant 6 : i32
        %add3A_692 = arith.addi %mul3A_335, %add3A_691 : i32
        %get3A_693 = arith.index_cast %add3A_692 : i32 to index
        %get3A_694 = arith.constant 16 : index
        %get3A_695 = tpu.vector_load %arg7[%get3A_693, %get3A_694] {strides = array<i32>} : memref<200x64xf32, #tpu.memory_space<vmem>>, vector<1x16xf32>,
        %get3A_696 = vector.shape_cast %get3A_695 : vector<1x16xf32> to vector<16xf32>
        %mul3A_697 = arith.mulf %get3A_690, %get3A_696 : vector<16xf32>
        %add3A_698 = arith.addf %add3A_642, %mul3A_697 : vector<16xf32>
        %add3A_699 = arith.constant 6 : i32
        %add3A_700 = arith.addi %mul3A_335, %add3A_699 : i32
        %get3A_701 = arith.index_cast %add3A_700 : i32 to index
        %get3A_702 = arith.constant 32 : index
        %get3A_703 = tpu.vector_load %arg8[%get3A_701, %get3A_702] {strides = array<i32>} : memref<200x64xf32, #tpu.memory_space<vmem>>, vector<1x16xf32>,
        %get3A_704 = vector.shape_cast %get3A_703 : vector<1x16xf32> to vector<16xf32>
        %add3A_705 = arith.constant 6 : i32
        %add3A_706 = arith.addi %mul3A_335, %add3A_705 : i32
        %get3A_707 = arith.index_cast %add3A_706 : i32 to index
        %get3A_708 = arith.constant 32 : index
        %get3A_709 = tpu.vector_load %arg7[%get3A_707, %get3A_708] {strides = array<i32>} : memref<200x64xf32, #tpu.memory_space<vmem>>, vector<1x16xf32>,
        %get3A_710 = vector.shape_cast %get3A_709 : vector<1x16xf32> to vector<16xf32>
        %mul3A_711 = arith.mulf %get3A_704, %get3A_710 : vector<16xf32>
        %add3A_712 = arith.addf %add3A_656, %mul3A_711 : vector<16xf32>
        %add3A_713 = arith.constant 6 : i32
        %add3A_714 = arith.addi %mul3A_335, %add3A_713 : i32
        %get3A_715 = arith.index_cast %add3A_714 : i32 to index
        %get3A_716 = arith.constant 48 : index
        %get3A_717 = tpu.vector_load %arg8[%get3A_715, %get3A_716] {strides = array<i32>} : memref<200x64xf32, #tpu.memory_space<vmem>>, vector<1x16xf32>,
        %get3A_718 = vector.shape_cast %get3A_717 : vector<1x16xf32> to vector<16xf32>
        %add3A_719 = arith.constant 6 : i32
        %add3A_720 = arith.addi %mul3A_335, %add3A_719 : i32
        %get3A_721 = arith.index_cast %add3A_720 : i32 to index
        %get3A_722 = arith.constant 48 : index
        %get3A_723 = tpu.vector_load %arg7[%get3A_721, %get3A_722] {strides = array<i32>} : memref<200x64xf32, #tpu.memory_space<vmem>>, vector<1x16xf32>,
        %get3A_724 = vector.shape_cast %get3A_723 : vector<1x16xf32> to vector<16xf32>
        %mul3A_725 = arith.mulf %get3A_718, %get3A_724 : vector<16xf32>
        %add3A_726 = arith.addf %add3A_670, %mul3A_725 : vector<16xf32>
        %add3A_727 = arith.constant 7 : i32
        %add3A_728 = arith.addi %mul3A_335, %add3A_727 : i32
        %get3A_729 = arith.index_cast %add3A_728 : i32 to index
        %get3A_730 = arith.constant 0 : index
        %get3A_731 = tpu.vector_load %arg8[%get3A_729, %get3A_730] {strides = array<i32>} : memref<200x64xf32, #tpu.memory_space<vmem>>, vector<1x16xf32>,
        %get3A_732 = vector.shape_cast %get3A_731 : vector<1x16xf32> to vector<16xf32>
        %add3A_733 = arith.constant 7 : i32
        %add3A_734 = arith.addi %mul3A_335, %add3A_733 : i32
        %get3A_735 = arith.index_cast %add3A_734 : i32 to index
        %get3A_736 = arith.constant 0 : index
        %get3A_737 = tpu.vector_load %arg7[%get3A_735, %get3A_736] {strides = array<i32>} : memref<200x64xf32, #tpu.memory_space<vmem>>, vector<1x16xf32>,
        %get3A_738 = vector.shape_cast %get3A_737 : vector<1x16xf32> to vector<16xf32>
        %mul3A_739 = arith.mulf %get3A_732, %get3A_738 : vector<16xf32>
        %add3A_740 = arith.addf %add3A_684, %mul3A_739 : vector<16xf32>
        %add3A_741 = arith.constant 7 : i32
        %add3A_742 = arith.addi %mul3A_335, %add3A_741 : i32
        %get3A_743 = arith.index_cast %add3A_742 : i32 to index
        %get3A_744 = arith.constant 16 : index
        %get3A_745 = tpu.vector_load %arg8[%get3A_743, %get3A_744] {strides = array<i32>} : memref<200x64xf32, #tpu.memory_space<vmem>>, vector<1x16xf32>,
        %get3A_746 = vector.shape_cast %get3A_745 : vector<1x16xf32> to vector<16xf32>
        %add3A_747 = arith.constant 7 : i32
        %add3A_748 = arith.addi %mul3A_335, %add3A_747 : i32
        %get3A_749 = arith.index_cast %add3A_748 : i32 to index
        %get3A_750 = arith.constant 16 : index
        %get3A_751 = tpu.vector_load %arg7[%get3A_749, %get3A_750] {strides = array<i32>} : memref<200x64xf32, #tpu.memory_space<vmem>>, vector<1x16xf32>,
        %get3A_752 = vector.shape_cast %get3A_751 : vector<1x16xf32> to vector<16xf32>
        %mul3A_753 = arith.mulf %get3A_746, %get3A_752 : vector<16xf32>
        %add3A_754 = arith.addf %add3A_698, %mul3A_753 : vector<16xf32>
        %add3A_755 = arith.constant 7 : i32
        %add3A_756 = arith.addi %mul3A_335, %add3A_755 : i32
        %get3A_757 = arith.index_cast %add3A_756 : i32 to index
        %get3A_758 = arith.constant 32 : index
        %get3A_759 = tpu.vector_load %arg8[%get3A_757, %get3A_758] {strides = array<i32>} : memref<200x64xf32, #tpu.memory_space<vmem>>, vector<1x16xf32>,
        %get3A_760 = vector.shape_cast %get3A_759 : vector<1x16xf32> to vector<16xf32>
        %add3A_761 = arith.constant 7 : i32
        %add3A_762 = arith.addi %mul3A_335, %add3A_761 : i32
        %get3A_763 = arith.index_cast %add3A_762 : i32 to index
        %get3A_764 = arith.constant 32 : index
        %get3A_765 = tpu.vector_load %arg7[%get3A_763, %get3A_764] {strides = array<i32>} : memref<200x64xf32, #tpu.memory_space<vmem>>, vector<1x16xf32>,
        %get3A_766 = vector.shape_cast %get3A_765 : vector<1x16xf32> to vector<16xf32>
        %mul3A_767 = arith.mulf %get3A_760, %get3A_766 : vector<16xf32>
        %add3A_768 = arith.addf %add3A_712, %mul3A_767 : vector<16xf32>
        %add3A_769 = arith.constant 7 : i32
        %add3A_770 = arith.addi %mul3A_335, %add3A_769 : i32
        %get3A_771 = arith.index_cast %add3A_770 : i32 to index
        %get3A_772 = arith.constant 48 : index
        %get3A_773 = tpu.vector_load %arg8[%get3A_771, %get3A_772] {strides = array<i32>} : memref<200x64xf32, #tpu.memory_space<vmem>>, vector<1x16xf32>,
        %get3A_774 = vector.shape_cast %get3A_773 : vector<1x16xf32> to vector<16xf32>
        %add3A_775 = arith.constant 7 : i32
        %add3A_776 = arith.addi %mul3A_335, %add3A_775 : i32
        %get3A_777 = arith.index_cast %add3A_776 : i32 to index
        %get3A_778 = arith.constant 48 : index
        %get3A_779 = tpu.vector_load %arg7[%get3A_777, %get3A_778] {strides = array<i32>} : memref<200x64xf32, #tpu.memory_space<vmem>>, vector<1x16xf32>,
        %get3A_780 = vector.shape_cast %get3A_779 : vector<1x16xf32> to vector<16xf32>
        %mul3A_781 = arith.mulf %get3A_774, %get3A_780 : vector<16xf32>
        %add3A_782 = arith.addf %add3A_726, %mul3A_781 : vector<16xf32>
        scf.yield %add3A_740, %add3A_754, %add3A_768, %add3A_782 : vector<16xf32>, vector<16xf32>, vector<16xf32>, vector<16xf32>
      }
      %scan3A_103 = arith.constant 25 : i32
      %swap3A = arith.index_cast %add3A_71 : i32 to index
      %swap3A_104 = arith.constant 0 : index
      %swap3A_105 = tpu.vector_load %arg12[%swap3A, %swap3A_104] {strides = array<i32>} : memref<128x64xf32, #tpu.memory_space<vmem>>, vector<1x16xf32>,
      %swap3A_106 = vector.shape_cast %swap3A_105 : vector<1x16xf32> to vector<16xf32>
      %swap3A_107 = vector.shape_cast %scan3A_102#0 : vector<16xf32> to vector<1x16xf32>
      tpu.vector_store %arg12[%swap3A, %swap3A_104], %swap3A_107 {strides = array<i32>} : memref<128x64xf32, #tpu.memory_space<vmem>>, vector<1x16xf32>,
      %swap3A_108 = arith.index_cast %add3A_71 : i32 to index
      %swap3A_109 = arith.constant 16 : index
      %swap3A_110 = tpu.vector_load %arg12[%swap3A_108, %swap3A_109] {strides = array<i32>} : memref<128x64xf32, #tpu.memory_space<vmem>>, vector<1x16xf32>,
      %swap3A_111 = vector.shape_cast %swap3A_110 : vector<1x16xf32> to vector<16xf32>
      %swap3A_112 = vector.shape_cast %scan3A_102#1 : vector<16xf32> to vector<1x16xf32>
      tpu.vector_store %arg12[%swap3A_108, %swap3A_109], %swap3A_112 {strides = array<i32>} : memref<128x64xf32, #tpu.memory_space<vmem>>, vector<1x16xf32>,
      %swap3A_113 = arith.index_cast %add3A_71 : i32 to index
      %swap3A_114 = arith.constant 32 : index
      %swap3A_115 = tpu.vector_load %arg12[%swap3A_113, %swap3A_114] {strides = array<i32>} : memref<128x64xf32, #tpu.memory_space<vmem>>, vector<1x16xf32>,
      %swap3A_116 = vector.shape_cast %swap3A_115 : vector<1x16xf32> to vector<16xf32>
      %swap3A_117 = vector.shape_cast %scan3A_102#2 : vector<16xf32> to vector<1x16xf32>
      tpu.vector_store %arg12[%swap3A_113, %swap3A_114], %swap3A_117 {strides = array<i32>} : memref<128x64xf32, #tpu.memory_space<vmem>>, vector<1x16xf32>,
      %swap3A_118 = arith.index_cast %add3A_71 : i32 to index
      %swap3A_119 = arith.constant 48 : index
      %swap3A_120 = tpu.vector_load %arg12[%swap3A_118, %swap3A_119] {strides = array<i32>} : memref<128x64xf32, #tpu.memory_space<vmem>>, vector<1x16xf32>,
      %swap3A_121 = vector.shape_cast %swap3A_120 : vector<1x16xf32> to vector<16xf32>
      %swap3A_122 = vector.shape_cast %scan3A_102#3 : vector<16xf32> to vector<1x16xf32>
      tpu.vector_store %arg12[%swap3A_118, %swap3A_119], %swap3A_122 {strides = array<i32>} : memref<128x64xf32, #tpu.memory_space<vmem>>, vector<1x16xf32>,
      %add3A_123 = arith.constant 4 : i32
      %add3A_124 = arith.addi %add3A_71, %add3A_123 : i32
      %sub3A = arith.constant 1 : i32
      %sub3A_125 = arith.subi %add3A_124, %sub3A : i32
      %lt3A = arith.constant 128 : i32
      %lt3A_126 = arith.cmpi slt, %sub3A_125, %lt3A : i32
      %convert_element_type3A = arith.extui %lt3A_126 : i1 to i32
      %cond3A = arith.constant 0 : i32
      %cond3A_127 = arith.cmpi ne, %convert_element_type3A, %cond3A : i32
      scf.if %cond3A_127 {
        %add3A_329 = arith.constant 4 : i32
        %add3A_330 = arith.addi %add3A_71, %add3A_329 : i32
        %sub3A_331 = arith.constant 1 : i32
        %sub3A_332 = arith.subi %add3A_330, %sub3A_331 : i32
        %dma_start3A_333 = arith.constant 0 : i32
        %dma_start3A_334 = arith.constant 0 : i32
        %dma_start3A_335 = tpu.memref_slice %arg11[%dma_start3A_333, %dma_start3A_334] : memref<200x64xf32, #tpu.memory_space<vmem>> -> memref<104x64xf32, #tpu.memory_space<vmem>>
        %dma_start3A_336 = arith.constant 0 : i32
        %dma_start3A_337 = tpu.memref_slice %arg6[%sub3A_332, %dma_start3A_336] : memref<128x200xi32, #tpu.memory_space<vmem>> -> memref<1x104xi32, #tpu.memory_space<vmem>>
        %dma_start3A_338 = tpu.memref_squeeze %dma_start3A_337 : memref<1x104xi32, #tpu.memory_space<vmem>> -> memref<104xi32, #tpu.memory_space<vmem>>
        %dma_start3A_339 = arith.constant 0 : i32
        %dma_start3A_340 = arith.constant 0 : i32
        %dma_start3A_341 = tpu.memref_slice %arg3[%dma_start3A_339, %dma_start3A_340] : memref<1000000x64xf32, #tpu.memory_space<hbm>> -> memref<1000000x64xf32, #tpu.memory_space<hbm>>
        tpu.enqueue_indirect_dma source(%dma_start3A_341 : memref<1000000x64xf32, #tpu.memory_space<hbm>>) target(%dma_start3A_335 : memref<104x64xf32, #tpu.memory_space<vmem>>) offsets(%dma_start3A_338 : memref<104xi32, #tpu.memory_space<vmem>>) semaphore(%arg16 : memref<!tpu.dma_semaphore, #tpu.memory_space<semaphore_mem>>)
        %dma_start3A_342 = arith.constant 104 : i32
        %dma_start3A_343 = arith.constant 0 : i32
        %dma_start3A_344 = tpu.memref_slice %arg11[%dma_start3A_342, %dma_start3A_343] : memref<200x64xf32, #tpu.memory_space<vmem>> -> memref<96x64xf32, #tpu.memory_space<vmem>>
        %dma_start3A_345 = arith.constant 104 : i32
        %dma_start3A_346 = tpu.memref_slice %arg6[%sub3A_332, %dma_start3A_345] : memref<128x200xi32, #tpu.memory_space<vmem>> -> memref<1x96xi32, #tpu.memory_space<vmem>>
        %dma_start3A_347 = tpu.memref_squeeze %dma_start3A_346 : memref<1x96xi32, #tpu.memory_space<vmem>> -> memref<96xi32, #tpu.memory_space<vmem>>
        %dma_start3A_348 = arith.constant 0 : i32
        %dma_start3A_349 = arith.constant 0 : i32
        %dma_start3A_350 = tpu.memref_slice %arg3[%dma_start3A_348, %dma_start3A_349] : memref<1000000x64xf32, #tpu.memory_space<hbm>> -> memref<1000000x64xf32, #tpu.memory_space<hbm>>
        tpu.enqueue_indirect_dma source(%dma_start3A_350 : memref<1000000x64xf32, #tpu.memory_space<hbm>>) target(%dma_start3A_344 : memref<96x64xf32, #tpu.memory_space<vmem>>) offsets(%dma_start3A_347 : memref<96xi32, #tpu.memory_space<vmem>>) semaphore(%arg16 : memref<!tpu.dma_semaphore, #tpu.memory_space<semaphore_mem>>)
      } else {
      }
      %mul3A_128 = arith.constant 4 : i32
      %mul3A_129 = arith.muli %mul3A_128, %scan3A_67 : i32
      %add3A_130 = arith.constant 1 : i32
      %add3A_131 = arith.addi %mul3A_129, %add3A_130 : i32
      %dma_wait3A_132 = arith.constant 0 : i32
      %dma_wait3A_133 = arith.constant 0 : i32
      %dma_wait3A_134 = arith.constant 0 : i32
      %dma_wait3A_135 = tpu.memref_slice %arg9[%dma_wait3A_133, %dma_wait3A_134] : memref<200x64xf32, #tpu.memory_space<vmem>> -> memref<104x64xf32, #tpu.memory_space<vmem>>
      %dma_wait3A_136 = arith.constant 0 : i32
      %dma_wait3A_137 = tpu.memref_slice %arg6[%dma_wait3A_132, %dma_wait3A_136] : memref<128x200xi32, #tpu.memory_space<vmem>> -> memref<1x104xi32, #tpu.memory_space<vmem>>
      %dma_wait3A_138 = tpu.memref_squeeze %dma_wait3A_137 : memref<1x104xi32, #tpu.memory_space<vmem>> -> memref<104xi32, #tpu.memory_space<vmem>>
      %dma_wait3A_139 = arith.constant 0 : i32
      %dma_wait3A_140 = arith.constant 0 : i32
      %dma_wait3A_141 = tpu.memref_slice %arg3[%dma_wait3A_139, %dma_wait3A_140] : memref<1000000x64xf32, #tpu.memory_space<hbm>> -> memref<1000000x64xf32, #tpu.memory_space<hbm>>
      tpu.wait_indirect_dma semaphore(%arg14 : memref<!tpu.dma_semaphore, #tpu.memory_space<semaphore_mem>>) src(%dma_wait3A_141 : memref<1000000x64xf32, #tpu.memory_space<hbm>>) dst(%dma_wait3A_135 : memref<104x64xf32, #tpu.memory_space<vmem>>)
      %dma_wait3A_142 = arith.constant 0 : i32
      %dma_wait3A_143 = arith.constant 104 : i32
      %dma_wait3A_144 = arith.constant 0 : i32
      %dma_wait3A_145 = tpu.memref_slice %arg9[%dma_wait3A_143, %dma_wait3A_144] : memref<200x64xf32, #tpu.memory_space<vmem>> -> memref<96x64xf32, #tpu.memory_space<vmem>>
      %dma_wait3A_146 = arith.constant 104 : i32
      %dma_wait3A_147 = tpu.memref_slice %arg6[%dma_wait3A_142, %dma_wait3A_146] : memref<128x200xi32, #tpu.memory_space<vmem>> -> memref<1x96xi32, #tpu.memory_space<vmem>>
      %dma_wait3A_148 = tpu.memref_squeeze %dma_wait3A_147 : memref<1x96xi32, #tpu.memory_space<vmem>> -> memref<96xi32, #tpu.memory_space<vmem>>
      %dma_wait3A_149 = arith.constant 0 : i32
      %dma_wait3A_150 = arith.constant 0 : i32
      %dma_wait3A_151 = tpu.memref_slice %arg3[%dma_wait3A_149, %dma_wait3A_150] : memref<1000000x64xf32, #tpu.memory_space<hbm>> -> memref<1000000x64xf32, #tpu.memory_space<hbm>>
      tpu.wait_indirect_dma semaphore(%arg14 : memref<!tpu.dma_semaphore, #tpu.memory_space<semaphore_mem>>) src(%dma_wait3A_151 : memref<1000000x64xf32, #tpu.memory_space<hbm>>) dst(%dma_wait3A_145 : memref<96x64xf32, #tpu.memory_space<vmem>>)
      %broadcast_in_dim3A_152 = arith.constant 0.000000e+00 : f32
      %broadcast_in_dim3A_153 = vector.broadcast %broadcast_in_dim3A_152 : f32 to vector<16xf32>
      %broadcast_in_dim3A_154 = arith.constant 0.000000e+00 : f32
      %broadcast_in_dim3A_155 = vector.broadcast %broadcast_in_dim3A_154 : f32 to vector<16xf32>
      %broadcast_in_dim3A_156 = arith.constant 0.000000e+00 : f32
      %broadcast_in_dim3A_157 = vector.broadcast %broadcast_in_dim3A_156 : f32 to vector<16xf32>
      %broadcast_in_dim3A_158 = arith.constant 0.000000e+00 : f32
      %broadcast_in_dim3A_159 = vector.broadcast %broadcast_in_dim3A_158 : f32 to vector<16xf32>
      %scan3A_160 = arith.constant 0 : i32
      %scan3A_161 = arith.constant 25 : i32
      %scan3A_162 = arith.addi %scan3A_160, %scan3A_161 : i32
      %scan3A_163 = arith.constant 1 : i32
      %scan3A_164:4 = scf.for %scan3A_329 = %scan3A_160 to %scan3A_162 step %scan3A_163 iter_args(%scan3A_330 = %broadcast_in_dim3A_153, %scan3A_331 = %broadcast_in_dim3A_155, %scan3A_332 = %broadcast_in_dim3A_157, %scan3A_333 = %broadcast_in_dim3A_159) -> (vector<16xf32>, vector<16xf32>, vector<16xf32>, vector<16xf32>)  : i32 {
        %mul3A_334 = arith.constant 8 : i32
        %mul3A_335 = arith.muli %scan3A_329, %mul3A_334 : i32
        %add3A_336 = arith.constant 0 : i32
        %add3A_337 = arith.addi %mul3A_335, %add3A_336 : i32
        %get3A = arith.index_cast %add3A_337 : i32 to index
        %get3A_338 = arith.constant 0 : index
        %get3A_339 = tpu.vector_load %arg9[%get3A, %get3A_338] {strides = array<i32>} : memref<200x64xf32, #tpu.memory_space<vmem>>, vector<1x16xf32>,
        %get3A_340 = vector.shape_cast %get3A_339 : vector<1x16xf32> to vector<16xf32>
        %add3A_341 = arith.constant 0 : i32
        %add3A_342 = arith.addi %mul3A_335, %add3A_341 : i32
        %get3A_343 = arith.index_cast %add3A_342 : i32 to index
        %get3A_344 = arith.constant 0 : index
        %get3A_345 = tpu.vector_load %arg7[%get3A_343, %get3A_344] {strides = array<i32>} : memref<200x64xf32, #tpu.memory_space<vmem>>, vector<1x16xf32>,
        %get3A_346 = vector.shape_cast %get3A_345 : vector<1x16xf32> to vector<16xf32>
        %mul3A_347 = arith.mulf %get3A_340, %get3A_346 : vector<16xf32>
        %add3A_348 = arith.addf %scan3A_330, %mul3A_347 : vector<16xf32>
        %add3A_349 = arith.constant 0 : i32
        %add3A_350 = arith.addi %mul3A_335, %add3A_349 : i32
        %get3A_351 = arith.index_cast %add3A_350 : i32 to index
        %get3A_352 = arith.constant 16 : index
        %get3A_353 = tpu.vector_load %arg9[%get3A_351, %get3A_352] {strides = array<i32>} : memref<200x64xf32, #tpu.memory_space<vmem>>, vector<1x16xf32>,
        %get3A_354 = vector.shape_cast %get3A_353 : vector<1x16xf32> to vector<16xf32>
        %add3A_355 = arith.constant 0 : i32
        %add3A_356 = arith.addi %mul3A_335, %add3A_355 : i32
        %get3A_357 = arith.index_cast %add3A_356 : i32 to index
        %get3A_358 = arith.constant 16 : index
        %get3A_359 = tpu.vector_load %arg7[%get3A_357, %get3A_358] {strides = array<i32>} : memref<200x64xf32, #tpu.memory_space<vmem>>, vector<1x16xf32>,
        %get3A_360 = vector.shape_cast %get3A_359 : vector<1x16xf32> to vector<16xf32>
        %mul3A_361 = arith.mulf %get3A_354, %get3A_360 : vector<16xf32>
        %add3A_362 = arith.addf %scan3A_331, %mul3A_361 : vector<16xf32>
        %add3A_363 = arith.constant 0 : i32
        %add3A_364 = arith.addi %mul3A_335, %add3A_363 : i32
        %get3A_365 = arith.index_cast %add3A_364 : i32 to index
        %get3A_366 = arith.constant 32 : index
        %get3A_367 = tpu.vector_load %arg9[%get3A_365, %get3A_366] {strides = array<i32>} : memref<200x64xf32, #tpu.memory_space<vmem>>, vector<1x16xf32>,
        %get3A_368 = vector.shape_cast %get3A_367 : vector<1x16xf32> to vector<16xf32>
        %add3A_369 = arith.constant 0 : i32
        %add3A_370 = arith.addi %mul3A_335, %add3A_369 : i32
        %get3A_371 = arith.index_cast %add3A_370 : i32 to index
        %get3A_372 = arith.constant 32 : index
        %get3A_373 = tpu.vector_load %arg7[%get3A_371, %get3A_372] {strides = array<i32>} : memref<200x64xf32, #tpu.memory_space<vmem>>, vector<1x16xf32>,
        %get3A_374 = vector.shape_cast %get3A_373 : vector<1x16xf32> to vector<16xf32>
        %mul3A_375 = arith.mulf %get3A_368, %get3A_374 : vector<16xf32>
        %add3A_376 = arith.addf %scan3A_332, %mul3A_375 : vector<16xf32>
        %add3A_377 = arith.constant 0 : i32
        %add3A_378 = arith.addi %mul3A_335, %add3A_377 : i32
        %get3A_379 = arith.index_cast %add3A_378 : i32 to index
        %get3A_380 = arith.constant 48 : index
        %get3A_381 = tpu.vector_load %arg9[%get3A_379, %get3A_380] {strides = array<i32>} : memref<200x64xf32, #tpu.memory_space<vmem>>, vector<1x16xf32>,
        %get3A_382 = vector.shape_cast %get3A_381 : vector<1x16xf32> to vector<16xf32>
        %add3A_383 = arith.constant 0 : i32
        %add3A_384 = arith.addi %mul3A_335, %add3A_383 : i32
        %get3A_385 = arith.index_cast %add3A_384 : i32 to index
        %get3A_386 = arith.constant 48 : index
        %get3A_387 = tpu.vector_load %arg7[%get3A_385, %get3A_386] {strides = array<i32>} : memref<200x64xf32, #tpu.memory_space<vmem>>, vector<1x16xf32>,
        %get3A_388 = vector.shape_cast %get3A_387 : vector<1x16xf32> to vector<16xf32>
        %mul3A_389 = arith.mulf %get3A_382, %get3A_388 : vector<16xf32>
        %add3A_390 = arith.addf %scan3A_333, %mul3A_389 : vector<16xf32>
        %add3A_391 = arith.constant 1 : i32
        %add3A_392 = arith.addi %mul3A_335, %add3A_391 : i32
        %get3A_393 = arith.index_cast %add3A_392 : i32 to index
        %get3A_394 = arith.constant 0 : index
        %get3A_395 = tpu.vector_load %arg9[%get3A_393, %get3A_394] {strides = array<i32>} : memref<200x64xf32, #tpu.memory_space<vmem>>, vector<1x16xf32>,
        %get3A_396 = vector.shape_cast %get3A_395 : vector<1x16xf32> to vector<16xf32>
        %add3A_397 = arith.constant 1 : i32
        %add3A_398 = arith.addi %mul3A_335, %add3A_397 : i32
        %get3A_399 = arith.index_cast %add3A_398 : i32 to index
        %get3A_400 = arith.constant 0 : index
        %get3A_401 = tpu.vector_load %arg7[%get3A_399, %get3A_400] {strides = array<i32>} : memref<200x64xf32, #tpu.memory_space<vmem>>, vector<1x16xf32>,
        %get3A_402 = vector.shape_cast %get3A_401 : vector<1x16xf32> to vector<16xf32>
        %mul3A_403 = arith.mulf %get3A_396, %get3A_402 : vector<16xf32>
        %add3A_404 = arith.addf %add3A_348, %mul3A_403 : vector<16xf32>
        %add3A_405 = arith.constant 1 : i32
        %add3A_406 = arith.addi %mul3A_335, %add3A_405 : i32
        %get3A_407 = arith.index_cast %add3A_406 : i32 to index
        %get3A_408 = arith.constant 16 : index
        %get3A_409 = tpu.vector_load %arg9[%get3A_407, %get3A_408] {strides = array<i32>} : memref<200x64xf32, #tpu.memory_space<vmem>>, vector<1x16xf32>,
        %get3A_410 = vector.shape_cast %get3A_409 : vector<1x16xf32> to vector<16xf32>
        %add3A_411 = arith.constant 1 : i32
        %add3A_412 = arith.addi %mul3A_335, %add3A_411 : i32
        %get3A_413 = arith.index_cast %add3A_412 : i32 to index
        %get3A_414 = arith.constant 16 : index
        %get3A_415 = tpu.vector_load %arg7[%get3A_413, %get3A_414] {strides = array<i32>} : memref<200x64xf32, #tpu.memory_space<vmem>>, vector<1x16xf32>,
        %get3A_416 = vector.shape_cast %get3A_415 : vector<1x16xf32> to vector<16xf32>
        %mul3A_417 = arith.mulf %get3A_410, %get3A_416 : vector<16xf32>
        %add3A_418 = arith.addf %add3A_362, %mul3A_417 : vector<16xf32>
        %add3A_419 = arith.constant 1 : i32
        %add3A_420 = arith.addi %mul3A_335, %add3A_419 : i32
        %get3A_421 = arith.index_cast %add3A_420 : i32 to index
        %get3A_422 = arith.constant 32 : index
        %get3A_423 = tpu.vector_load %arg9[%get3A_421, %get3A_422] {strides = array<i32>} : memref<200x64xf32, #tpu.memory_space<vmem>>, vector<1x16xf32>,
        %get3A_424 = vector.shape_cast %get3A_423 : vector<1x16xf32> to vector<16xf32>
        %add3A_425 = arith.constant 1 : i32
        %add3A_426 = arith.addi %mul3A_335, %add3A_425 : i32
        %get3A_427 = arith.index_cast %add3A_426 : i32 to index
        %get3A_428 = arith.constant 32 : index
        %get3A_429 = tpu.vector_load %arg7[%get3A_427, %get3A_428] {strides = array<i32>} : memref<200x64xf32, #tpu.memory_space<vmem>>, vector<1x16xf32>,
        %get3A_430 = vector.shape_cast %get3A_429 : vector<1x16xf32> to vector<16xf32>
        %mul3A_431 = arith.mulf %get3A_424, %get3A_430 : vector<16xf32>
        %add3A_432 = arith.addf %add3A_376, %mul3A_431 : vector<16xf32>
        %add3A_433 = arith.constant 1 : i32
        %add3A_434 = arith.addi %mul3A_335, %add3A_433 : i32
        %get3A_435 = arith.index_cast %add3A_434 : i32 to index
        %get3A_436 = arith.constant 48 : index
        %get3A_437 = tpu.vector_load %arg9[%get3A_435, %get3A_436] {strides = array<i32>} : memref<200x64xf32, #tpu.memory_space<vmem>>, vector<1x16xf32>,
        %get3A_438 = vector.shape_cast %get3A_437 : vector<1x16xf32> to vector<16xf32>
        %add3A_439 = arith.constant 1 : i32
        %add3A_440 = arith.addi %mul3A_335, %add3A_439 : i32
        %get3A_441 = arith.index_cast %add3A_440 : i32 to index
        %get3A_442 = arith.constant 48 : index
        %get3A_443 = tpu.vector_load %arg7[%get3A_441, %get3A_442] {strides = array<i32>} : memref<200x64xf32, #tpu.memory_space<vmem>>, vector<1x16xf32>,
        %get3A_444 = vector.shape_cast %get3A_443 : vector<1x16xf32> to vector<16xf32>
        %mul3A_445 = arith.mulf %get3A_438, %get3A_444 : vector<16xf32>
        %add3A_446 = arith.addf %add3A_390, %mul3A_445 : vector<16xf32>
        %add3A_447 = arith.constant 2 : i32
        %add3A_448 = arith.addi %mul3A_335, %add3A_447 : i32
        %get3A_449 = arith.index_cast %add3A_448 : i32 to index
        %get3A_450 = arith.constant 0 : index
        %get3A_451 = tpu.vector_load %arg9[%get3A_449, %get3A_450] {strides = array<i32>} : memref<200x64xf32, #tpu.memory_space<vmem>>, vector<1x16xf32>,
        %get3A_452 = vector.shape_cast %get3A_451 : vector<1x16xf32> to vector<16xf32>
        %add3A_453 = arith.constant 2 : i32
        %add3A_454 = arith.addi %mul3A_335, %add3A_453 : i32
        %get3A_455 = arith.index_cast %add3A_454 : i32 to index
        %get3A_456 = arith.constant 0 : index
        %get3A_457 = tpu.vector_load %arg7[%get3A_455, %get3A_456] {strides = array<i32>} : memref<200x64xf32, #tpu.memory_space<vmem>>, vector<1x16xf32>,
        %get3A_458 = vector.shape_cast %get3A_457 : vector<1x16xf32> to vector<16xf32>
        %mul3A_459 = arith.mulf %get3A_452, %get3A_458 : vector<16xf32>
        %add3A_460 = arith.addf %add3A_404, %mul3A_459 : vector<16xf32>
        %add3A_461 = arith.constant 2 : i32
        %add3A_462 = arith.addi %mul3A_335, %add3A_461 : i32
        %get3A_463 = arith.index_cast %add3A_462 : i32 to index
        %get3A_464 = arith.constant 16 : index
        %get3A_465 = tpu.vector_load %arg9[%get3A_463, %get3A_464] {strides = array<i32>} : memref<200x64xf32, #tpu.memory_space<vmem>>, vector<1x16xf32>,
        %get3A_466 = vector.shape_cast %get3A_465 : vector<1x16xf32> to vector<16xf32>
        %add3A_467 = arith.constant 2 : i32
        %add3A_468 = arith.addi %mul3A_335, %add3A_467 : i32
        %get3A_469 = arith.index_cast %add3A_468 : i32 to index
        %get3A_470 = arith.constant 16 : index
        %get3A_471 = tpu.vector_load %arg7[%get3A_469, %get3A_470] {strides = array<i32>} : memref<200x64xf32, #tpu.memory_space<vmem>>, vector<1x16xf32>,
        %get3A_472 = vector.shape_cast %get3A_471 : vector<1x16xf32> to vector<16xf32>
        %mul3A_473 = arith.mulf %get3A_466, %get3A_472 : vector<16xf32>
        %add3A_474 = arith.addf %add3A_418, %mul3A_473 : vector<16xf32>
        %add3A_475 = arith.constant 2 : i32
        %add3A_476 = arith.addi %mul3A_335, %add3A_475 : i32
        %get3A_477 = arith.index_cast %add3A_476 : i32 to index
        %get3A_478 = arith.constant 32 : index
        %get3A_479 = tpu.vector_load %arg9[%get3A_477, %get3A_478] {strides = array<i32>} : memref<200x64xf32, #tpu.memory_space<vmem>>, vector<1x16xf32>,
        %get3A_480 = vector.shape_cast %get3A_479 : vector<1x16xf32> to vector<16xf32>
        %add3A_481 = arith.constant 2 : i32
        %add3A_482 = arith.addi %mul3A_335, %add3A_481 : i32
        %get3A_483 = arith.index_cast %add3A_482 : i32 to index
        %get3A_484 = arith.constant 32 : index
        %get3A_485 = tpu.vector_load %arg7[%get3A_483, %get3A_484] {strides = array<i32>} : memref<200x64xf32, #tpu.memory_space<vmem>>, vector<1x16xf32>,
        %get3A_486 = vector.shape_cast %get3A_485 : vector<1x16xf32> to vector<16xf32>
        %mul3A_487 = arith.mulf %get3A_480, %get3A_486 : vector<16xf32>
        %add3A_488 = arith.addf %add3A_432, %mul3A_487 : vector<16xf32>
        %add3A_489 = arith.constant 2 : i32
        %add3A_490 = arith.addi %mul3A_335, %add3A_489 : i32
        %get3A_491 = arith.index_cast %add3A_490 : i32 to index
        %get3A_492 = arith.constant 48 : index
        %get3A_493 = tpu.vector_load %arg9[%get3A_491, %get3A_492] {strides = array<i32>} : memref<200x64xf32, #tpu.memory_space<vmem>>, vector<1x16xf32>,
        %get3A_494 = vector.shape_cast %get3A_493 : vector<1x16xf32> to vector<16xf32>
        %add3A_495 = arith.constant 2 : i32
        %add3A_496 = arith.addi %mul3A_335, %add3A_495 : i32
        %get3A_497 = arith.index_cast %add3A_496 : i32 to index
        %get3A_498 = arith.constant 48 : index
        %get3A_499 = tpu.vector_load %arg7[%get3A_497, %get3A_498] {strides = array<i32>} : memref<200x64xf32, #tpu.memory_space<vmem>>, vector<1x16xf32>,
        %get3A_500 = vector.shape_cast %get3A_499 : vector<1x16xf32> to vector<16xf32>
        %mul3A_501 = arith.mulf %get3A_494, %get3A_500 : vector<16xf32>
        %add3A_502 = arith.addf %add3A_446, %mul3A_501 : vector<16xf32>
        %add3A_503 = arith.constant 3 : i32
        %add3A_504 = arith.addi %mul3A_335, %add3A_503 : i32
        %get3A_505 = arith.index_cast %add3A_504 : i32 to index
        %get3A_506 = arith.constant 0 : index
        %get3A_507 = tpu.vector_load %arg9[%get3A_505, %get3A_506] {strides = array<i32>} : memref<200x64xf32, #tpu.memory_space<vmem>>, vector<1x16xf32>,
        %get3A_508 = vector.shape_cast %get3A_507 : vector<1x16xf32> to vector<16xf32>
        %add3A_509 = arith.constant 3 : i32
        %add3A_510 = arith.addi %mul3A_335, %add3A_509 : i32
        %get3A_511 = arith.index_cast %add3A_510 : i32 to index
        %get3A_512 = arith.constant 0 : index
        %get3A_513 = tpu.vector_load %arg7[%get3A_511, %get3A_512] {strides = array<i32>} : memref<200x64xf32, #tpu.memory_space<vmem>>, vector<1x16xf32>,
        %get3A_514 = vector.shape_cast %get3A_513 : vector<1x16xf32> to vector<16xf32>
        %mul3A_515 = arith.mulf %get3A_508, %get3A_514 : vector<16xf32>
        %add3A_516 = arith.addf %add3A_460, %mul3A_515 : vector<16xf32>
        %add3A_517 = arith.constant 3 : i32
        %add3A_518 = arith.addi %mul3A_335, %add3A_517 : i32
        %get3A_519 = arith.index_cast %add3A_518 : i32 to index
        %get3A_520 = arith.constant 16 : index
        %get3A_521 = tpu.vector_load %arg9[%get3A_519, %get3A_520] {strides = array<i32>} : memref<200x64xf32, #tpu.memory_space<vmem>>, vector<1x16xf32>,
        %get3A_522 = vector.shape_cast %get3A_521 : vector<1x16xf32> to vector<16xf32>
        %add3A_523 = arith.constant 3 : i32
        %add3A_524 = arith.addi %mul3A_335, %add3A_523 : i32
        %get3A_525 = arith.index_cast %add3A_524 : i32 to index
        %get3A_526 = arith.constant 16 : index
        %get3A_527 = tpu.vector_load %arg7[%get3A_525, %get3A_526] {strides = array<i32>} : memref<200x64xf32, #tpu.memory_space<vmem>>, vector<1x16xf32>,
        %get3A_528 = vector.shape_cast %get3A_527 : vector<1x16xf32> to vector<16xf32>
        %mul3A_529 = arith.mulf %get3A_522, %get3A_528 : vector<16xf32>
        %add3A_530 = arith.addf %add3A_474, %mul3A_529 : vector<16xf32>
        %add3A_531 = arith.constant 3 : i32
        %add3A_532 = arith.addi %mul3A_335, %add3A_531 : i32
        %get3A_533 = arith.index_cast %add3A_532 : i32 to index
        %get3A_534 = arith.constant 32 : index
        %get3A_535 = tpu.vector_load %arg9[%get3A_533, %get3A_534] {strides = array<i32>} : memref<200x64xf32, #tpu.memory_space<vmem>>, vector<1x16xf32>,
        %get3A_536 = vector.shape_cast %get3A_535 : vector<1x16xf32> to vector<16xf32>
        %add3A_537 = arith.constant 3 : i32
        %add3A_538 = arith.addi %mul3A_335, %add3A_537 : i32
        %get3A_539 = arith.index_cast %add3A_538 : i32 to index
        %get3A_540 = arith.constant 32 : index
        %get3A_541 = tpu.vector_load %arg7[%get3A_539, %get3A_540] {strides = array<i32>} : memref<200x64xf32, #tpu.memory_space<vmem>>, vector<1x16xf32>,
        %get3A_542 = vector.shape_cast %get3A_541 : vector<1x16xf32> to vector<16xf32>
        %mul3A_543 = arith.mulf %get3A_536, %get3A_542 : vector<16xf32>
        %add3A_544 = arith.addf %add3A_488, %mul3A_543 : vector<16xf32>
        %add3A_545 = arith.constant 3 : i32
        %add3A_546 = arith.addi %mul3A_335, %add3A_545 : i32
        %get3A_547 = arith.index_cast %add3A_546 : i32 to index
        %get3A_548 = arith.constant 48 : index
        %get3A_549 = tpu.vector_load %arg9[%get3A_547, %get3A_548] {strides = array<i32>} : memref<200x64xf32, #tpu.memory_space<vmem>>, vector<1x16xf32>,
        %get3A_550 = vector.shape_cast %get3A_549 : vector<1x16xf32> to vector<16xf32>
        %add3A_551 = arith.constant 3 : i32
        %add3A_552 = arith.addi %mul3A_335, %add3A_551 : i32
        %get3A_553 = arith.index_cast %add3A_552 : i32 to index
        %get3A_554 = arith.constant 48 : index
        %get3A_555 = tpu.vector_load %arg7[%get3A_553, %get3A_554] {strides = array<i32>} : memref<200x64xf32, #tpu.memory_space<vmem>>, vector<1x16xf32>,
        %get3A_556 = vector.shape_cast %get3A_555 : vector<1x16xf32> to vector<16xf32>
        %mul3A_557 = arith.mulf %get3A_550, %get3A_556 : vector<16xf32>
        %add3A_558 = arith.addf %add3A_502, %mul3A_557 : vector<16xf32>
        %add3A_559 = arith.constant 4 : i32
        %add3A_560 = arith.addi %mul3A_335, %add3A_559 : i32
        %get3A_561 = arith.index_cast %add3A_560 : i32 to index
        %get3A_562 = arith.constant 0 : index
        %get3A_563 = tpu.vector_load %arg9[%get3A_561, %get3A_562] {strides = array<i32>} : memref<200x64xf32, #tpu.memory_space<vmem>>, vector<1x16xf32>,
        %get3A_564 = vector.shape_cast %get3A_563 : vector<1x16xf32> to vector<16xf32>
        %add3A_565 = arith.constant 4 : i32
        %add3A_566 = arith.addi %mul3A_335, %add3A_565 : i32
        %get3A_567 = arith.index_cast %add3A_566 : i32 to index
        %get3A_568 = arith.constant 0 : index
        %get3A_569 = tpu.vector_load %arg7[%get3A_567, %get3A_568] {strides = array<i32>} : memref<200x64xf32, #tpu.memory_space<vmem>>, vector<1x16xf32>,
        %get3A_570 = vector.shape_cast %get3A_569 : vector<1x16xf32> to vector<16xf32>
        %mul3A_571 = arith.mulf %get3A_564, %get3A_570 : vector<16xf32>
        %add3A_572 = arith.addf %add3A_516, %mul3A_571 : vector<16xf32>
        %add3A_573 = arith.constant 4 : i32
        %add3A_574 = arith.addi %mul3A_335, %add3A_573 : i32
        %get3A_575 = arith.index_cast %add3A_574 : i32 to index
        %get3A_576 = arith.constant 16 : index
        %get3A_577 = tpu.vector_load %arg9[%get3A_575, %get3A_576] {strides = array<i32>} : memref<200x64xf32, #tpu.memory_space<vmem>>, vector<1x16xf32>,
        %get3A_578 = vector.shape_cast %get3A_577 : vector<1x16xf32> to vector<16xf32>
        %add3A_579 = arith.constant 4 : i32
        %add3A_580 = arith.addi %mul3A_335, %add3A_579 : i32
        %get3A_581 = arith.index_cast %add3A_580 : i32 to index
        %get3A_582 = arith.constant 16 : index
        %get3A_583 = tpu.vector_load %arg7[%get3A_581, %get3A_582] {strides = array<i32>} : memref<200x64xf32, #tpu.memory_space<vmem>>, vector<1x16xf32>,
        %get3A_584 = vector.shape_cast %get3A_583 : vector<1x16xf32> to vector<16xf32>
        %mul3A_585 = arith.mulf %get3A_578, %get3A_584 : vector<16xf32>
        %add3A_586 = arith.addf %add3A_530, %mul3A_585 : vector<16xf32>
        %add3A_587 = arith.constant 4 : i32
        %add3A_588 = arith.addi %mul3A_335, %add3A_587 : i32
        %get3A_589 = arith.index_cast %add3A_588 : i32 to index
        %get3A_590 = arith.constant 32 : index
        %get3A_591 = tpu.vector_load %arg9[%get3A_589, %get3A_590] {strides = array<i32>} : memref<200x64xf32, #tpu.memory_space<vmem>>, vector<1x16xf32>,
        %get3A_592 = vector.shape_cast %get3A_591 : vector<1x16xf32> to vector<16xf32>
        %add3A_593 = arith.constant 4 : i32
        %add3A_594 = arith.addi %mul3A_335, %add3A_593 : i32
        %get3A_595 = arith.index_cast %add3A_594 : i32 to index
        %get3A_596 = arith.constant 32 : index
        %get3A_597 = tpu.vector_load %arg7[%get3A_595, %get3A_596] {strides = array<i32>} : memref<200x64xf32, #tpu.memory_space<vmem>>, vector<1x16xf32>,
        %get3A_598 = vector.shape_cast %get3A_597 : vector<1x16xf32> to vector<16xf32>
        %mul3A_599 = arith.mulf %get3A_592, %get3A_598 : vector<16xf32>
        %add3A_600 = arith.addf %add3A_544, %mul3A_599 : vector<16xf32>
        %add3A_601 = arith.constant 4 : i32
        %add3A_602 = arith.addi %mul3A_335, %add3A_601 : i32
        %get3A_603 = arith.index_cast %add3A_602 : i32 to index
        %get3A_604 = arith.constant 48 : index
        %get3A_605 = tpu.vector_load %arg9[%get3A_603, %get3A_604] {strides = array<i32>} : memref<200x64xf32, #tpu.memory_space<vmem>>, vector<1x16xf32>,
        %get3A_606 = vector.shape_cast %get3A_605 : vector<1x16xf32> to vector<16xf32>
        %add3A_607 = arith.constant 4 : i32
        %add3A_608 = arith.addi %mul3A_335, %add3A_607 : i32
        %get3A_609 = arith.index_cast %add3A_608 : i32 to index
        %get3A_610 = arith.constant 48 : index
        %get3A_611 = tpu.vector_load %arg7[%get3A_609, %get3A_610] {strides = array<i32>} : memref<200x64xf32, #tpu.memory_space<vmem>>, vector<1x16xf32>,
        %get3A_612 = vector.shape_cast %get3A_611 : vector<1x16xf32> to vector<16xf32>
        %mul3A_613 = arith.mulf %get3A_606, %get3A_612 : vector<16xf32>
        %add3A_614 = arith.addf %add3A_558, %mul3A_613 : vector<16xf32>
        %add3A_615 = arith.constant 5 : i32
        %add3A_616 = arith.addi %mul3A_335, %add3A_615 : i32
        %get3A_617 = arith.index_cast %add3A_616 : i32 to index
        %get3A_618 = arith.constant 0 : index
        %get3A_619 = tpu.vector_load %arg9[%get3A_617, %get3A_618] {strides = array<i32>} : memref<200x64xf32, #tpu.memory_space<vmem>>, vector<1x16xf32>,
        %get3A_620 = vector.shape_cast %get3A_619 : vector<1x16xf32> to vector<16xf32>
        %add3A_621 = arith.constant 5 : i32
        %add3A_622 = arith.addi %mul3A_335, %add3A_621 : i32
        %get3A_623 = arith.index_cast %add3A_622 : i32 to index
        %get3A_624 = arith.constant 0 : index
        %get3A_625 = tpu.vector_load %arg7[%get3A_623, %get3A_624] {strides = array<i32>} : memref<200x64xf32, #tpu.memory_space<vmem>>, vector<1x16xf32>,
        %get3A_626 = vector.shape_cast %get3A_625 : vector<1x16xf32> to vector<16xf32>
        %mul3A_627 = arith.mulf %get3A_620, %get3A_626 : vector<16xf32>
        %add3A_628 = arith.addf %add3A_572, %mul3A_627 : vector<16xf32>
        %add3A_629 = arith.constant 5 : i32
        %add3A_630 = arith.addi %mul3A_335, %add3A_629 : i32
        %get3A_631 = arith.index_cast %add3A_630 : i32 to index
        %get3A_632 = arith.constant 16 : index
        %get3A_633 = tpu.vector_load %arg9[%get3A_631, %get3A_632] {strides = array<i32>} : memref<200x64xf32, #tpu.memory_space<vmem>>, vector<1x16xf32>,
        %get3A_634 = vector.shape_cast %get3A_633 : vector<1x16xf32> to vector<16xf32>
        %add3A_635 = arith.constant 5 : i32
        %add3A_636 = arith.addi %mul3A_335, %add3A_635 : i32
        %get3A_637 = arith.index_cast %add3A_636 : i32 to index
        %get3A_638 = arith.constant 16 : index
        %get3A_639 = tpu.vector_load %arg7[%get3A_637, %get3A_638] {strides = array<i32>} : memref<200x64xf32, #tpu.memory_space<vmem>>, vector<1x16xf32>,
        %get3A_640 = vector.shape_cast %get3A_639 : vector<1x16xf32> to vector<16xf32>
        %mul3A_641 = arith.mulf %get3A_634, %get3A_640 : vector<16xf32>
        %add3A_642 = arith.addf %add3A_586, %mul3A_641 : vector<16xf32>
        %add3A_643 = arith.constant 5 : i32
        %add3A_644 = arith.addi %mul3A_335, %add3A_643 : i32
        %get3A_645 = arith.index_cast %add3A_644 : i32 to index
        %get3A_646 = arith.constant 32 : index
        %get3A_647 = tpu.vector_load %arg9[%get3A_645, %get3A_646] {strides = array<i32>} : memref<200x64xf32, #tpu.memory_space<vmem>>, vector<1x16xf32>,
        %get3A_648 = vector.shape_cast %get3A_647 : vector<1x16xf32> to vector<16xf32>
        %add3A_649 = arith.constant 5 : i32
        %add3A_650 = arith.addi %mul3A_335, %add3A_649 : i32
        %get3A_651 = arith.index_cast %add3A_650 : i32 to index
        %get3A_652 = arith.constant 32 : index
        %get3A_653 = tpu.vector_load %arg7[%get3A_651, %get3A_652] {strides = array<i32>} : memref<200x64xf32, #tpu.memory_space<vmem>>, vector<1x16xf32>,
        %get3A_654 = vector.shape_cast %get3A_653 : vector<1x16xf32> to vector<16xf32>
        %mul3A_655 = arith.mulf %get3A_648, %get3A_654 : vector<16xf32>
        %add3A_656 = arith.addf %add3A_600, %mul3A_655 : vector<16xf32>
        %add3A_657 = arith.constant 5 : i32
        %add3A_658 = arith.addi %mul3A_335, %add3A_657 : i32
        %get3A_659 = arith.index_cast %add3A_658 : i32 to index
        %get3A_660 = arith.constant 48 : index
        %get3A_661 = tpu.vector_load %arg9[%get3A_659, %get3A_660] {strides = array<i32>} : memref<200x64xf32, #tpu.memory_space<vmem>>, vector<1x16xf32>,
        %get3A_662 = vector.shape_cast %get3A_661 : vector<1x16xf32> to vector<16xf32>
        %add3A_663 = arith.constant 5 : i32
        %add3A_664 = arith.addi %mul3A_335, %add3A_663 : i32
        %get3A_665 = arith.index_cast %add3A_664 : i32 to index
        %get3A_666 = arith.constant 48 : index
        %get3A_667 = tpu.vector_load %arg7[%get3A_665, %get3A_666] {strides = array<i32>} : memref<200x64xf32, #tpu.memory_space<vmem>>, vector<1x16xf32>,
        %get3A_668 = vector.shape_cast %get3A_667 : vector<1x16xf32> to vector<16xf32>
        %mul3A_669 = arith.mulf %get3A_662, %get3A_668 : vector<16xf32>
        %add3A_670 = arith.addf %add3A_614, %mul3A_669 : vector<16xf32>
        %add3A_671 = arith.constant 6 : i32
        %add3A_672 = arith.addi %mul3A_335, %add3A_671 : i32
        %get3A_673 = arith.index_cast %add3A_672 : i32 to index
        %get3A_674 = arith.constant 0 : index
        %get3A_675 = tpu.vector_load %arg9[%get3A_673, %get3A_674] {strides = array<i32>} : memref<200x64xf32, #tpu.memory_space<vmem>>, vector<1x16xf32>,
        %get3A_676 = vector.shape_cast %get3A_675 : vector<1x16xf32> to vector<16xf32>
        %add3A_677 = arith.constant 6 : i32
        %add3A_678 = arith.addi %mul3A_335, %add3A_677 : i32
        %get3A_679 = arith.index_cast %add3A_678 : i32 to index
        %get3A_680 = arith.constant 0 : index
        %get3A_681 = tpu.vector_load %arg7[%get3A_679, %get3A_680] {strides = array<i32>} : memref<200x64xf32, #tpu.memory_space<vmem>>, vector<1x16xf32>,
        %get3A_682 = vector.shape_cast %get3A_681 : vector<1x16xf32> to vector<16xf32>
        %mul3A_683 = arith.mulf %get3A_676, %get3A_682 : vector<16xf32>
        %add3A_684 = arith.addf %add3A_628, %mul3A_683 : vector<16xf32>
        %add3A_685 = arith.constant 6 : i32
        %add3A_686 = arith.addi %mul3A_335, %add3A_685 : i32
        %get3A_687 = arith.index_cast %add3A_686 : i32 to index
        %get3A_688 = arith.constant 16 : index
        %get3A_689 = tpu.vector_load %arg9[%get3A_687, %get3A_688] {strides = array<i32>} : memref<200x64xf32, #tpu.memory_space<vmem>>, vector<1x16xf32>,
        %get3A_690 = vector.shape_cast %get3A_689 : vector<1x16xf32> to vector<16xf32>
        %add3A_691 = arith.constant 6 : i32
        %add3A_692 = arith.addi %mul3A_335, %add3A_691 : i32
        %get3A_693 = arith.index_cast %add3A_692 : i32 to index
        %get3A_694 = arith.constant 16 : index
        %get3A_695 = tpu.vector_load %arg7[%get3A_693, %get3A_694] {strides = array<i32>} : memref<200x64xf32, #tpu.memory_space<vmem>>, vector<1x16xf32>,
        %get3A_696 = vector.shape_cast %get3A_695 : vector<1x16xf32> to vector<16xf32>
        %mul3A_697 = arith.mulf %get3A_690, %get3A_696 : vector<16xf32>
        %add3A_698 = arith.addf %add3A_642, %mul3A_697 : vector<16xf32>
        %add3A_699 = arith.constant 6 : i32
        %add3A_700 = arith.addi %mul3A_335, %add3A_699 : i32
        %get3A_701 = arith.index_cast %add3A_700 : i32 to index
        %get3A_702 = arith.constant 32 : index
        %get3A_703 = tpu.vector_load %arg9[%get3A_701, %get3A_702] {strides = array<i32>} : memref<200x64xf32, #tpu.memory_space<vmem>>, vector<1x16xf32>,
        %get3A_704 = vector.shape_cast %get3A_703 : vector<1x16xf32> to vector<16xf32>
        %add3A_705 = arith.constant 6 : i32
        %add3A_706 = arith.addi %mul3A_335, %add3A_705 : i32
        %get3A_707 = arith.index_cast %add3A_706 : i32 to index
        %get3A_708 = arith.constant 32 : index
        %get3A_709 = tpu.vector_load %arg7[%get3A_707, %get3A_708] {strides = array<i32>} : memref<200x64xf32, #tpu.memory_space<vmem>>, vector<1x16xf32>,
        %get3A_710 = vector.shape_cast %get3A_709 : vector<1x16xf32> to vector<16xf32>
        %mul3A_711 = arith.mulf %get3A_704, %get3A_710 : vector<16xf32>
        %add3A_712 = arith.addf %add3A_656, %mul3A_711 : vector<16xf32>
        %add3A_713 = arith.constant 6 : i32
        %add3A_714 = arith.addi %mul3A_335, %add3A_713 : i32
        %get3A_715 = arith.index_cast %add3A_714 : i32 to index
        %get3A_716 = arith.constant 48 : index
        %get3A_717 = tpu.vector_load %arg9[%get3A_715, %get3A_716] {strides = array<i32>} : memref<200x64xf32, #tpu.memory_space<vmem>>, vector<1x16xf32>,
        %get3A_718 = vector.shape_cast %get3A_717 : vector<1x16xf32> to vector<16xf32>
        %add3A_719 = arith.constant 6 : i32
        %add3A_720 = arith.addi %mul3A_335, %add3A_719 : i32
        %get3A_721 = arith.index_cast %add3A_720 : i32 to index
        %get3A_722 = arith.constant 48 : index
        %get3A_723 = tpu.vector_load %arg7[%get3A_721, %get3A_722] {strides = array<i32>} : memref<200x64xf32, #tpu.memory_space<vmem>>, vector<1x16xf32>,
        %get3A_724 = vector.shape_cast %get3A_723 : vector<1x16xf32> to vector<16xf32>
        %mul3A_725 = arith.mulf %get3A_718, %get3A_724 : vector<16xf32>
        %add3A_726 = arith.addf %add3A_670, %mul3A_725 : vector<16xf32>
        %add3A_727 = arith.constant 7 : i32
        %add3A_728 = arith.addi %mul3A_335, %add3A_727 : i32
        %get3A_729 = arith.index_cast %add3A_728 : i32 to index
        %get3A_730 = arith.constant 0 : index
        %get3A_731 = tpu.vector_load %arg9[%get3A_729, %get3A_730] {strides = array<i32>} : memref<200x64xf32, #tpu.memory_space<vmem>>, vector<1x16xf32>,
        %get3A_732 = vector.shape_cast %get3A_731 : vector<1x16xf32> to vector<16xf32>
        %add3A_733 = arith.constant 7 : i32
        %add3A_734 = arith.addi %mul3A_335, %add3A_733 : i32
        %get3A_735 = arith.index_cast %add3A_734 : i32 to index
        %get3A_736 = arith.constant 0 : index
        %get3A_737 = tpu.vector_load %arg7[%get3A_735, %get3A_736] {strides = array<i32>} : memref<200x64xf32, #tpu.memory_space<vmem>>, vector<1x16xf32>,
        %get3A_738 = vector.shape_cast %get3A_737 : vector<1x16xf32> to vector<16xf32>
        %mul3A_739 = arith.mulf %get3A_732, %get3A_738 : vector<16xf32>
        %add3A_740 = arith.addf %add3A_684, %mul3A_739 : vector<16xf32>
        %add3A_741 = arith.constant 7 : i32
        %add3A_742 = arith.addi %mul3A_335, %add3A_741 : i32
        %get3A_743 = arith.index_cast %add3A_742 : i32 to index
        %get3A_744 = arith.constant 16 : index
        %get3A_745 = tpu.vector_load %arg9[%get3A_743, %get3A_744] {strides = array<i32>} : memref<200x64xf32, #tpu.memory_space<vmem>>, vector<1x16xf32>,
        %get3A_746 = vector.shape_cast %get3A_745 : vector<1x16xf32> to vector<16xf32>
        %add3A_747 = arith.constant 7 : i32
        %add3A_748 = arith.addi %mul3A_335, %add3A_747 : i32
        %get3A_749 = arith.index_cast %add3A_748 : i32 to index
        %get3A_750 = arith.constant 16 : index
        %get3A_751 = tpu.vector_load %arg7[%get3A_749, %get3A_750] {strides = array<i32>} : memref<200x64xf32, #tpu.memory_space<vmem>>, vector<1x16xf32>,
        %get3A_752 = vector.shape_cast %get3A_751 : vector<1x16xf32> to vector<16xf32>
        %mul3A_753 = arith.mulf %get3A_746, %get3A_752 : vector<16xf32>
        %add3A_754 = arith.addf %add3A_698, %mul3A_753 : vector<16xf32>
        %add3A_755 = arith.constant 7 : i32
        %add3A_756 = arith.addi %mul3A_335, %add3A_755 : i32
        %get3A_757 = arith.index_cast %add3A_756 : i32 to index
        %get3A_758 = arith.constant 32 : index
        %get3A_759 = tpu.vector_load %arg9[%get3A_757, %get3A_758] {strides = array<i32>} : memref<200x64xf32, #tpu.memory_space<vmem>>, vector<1x16xf32>,
        %get3A_760 = vector.shape_cast %get3A_759 : vector<1x16xf32> to vector<16xf32>
        %add3A_761 = arith.constant 7 : i32
        %add3A_762 = arith.addi %mul3A_335, %add3A_761 : i32
        %get3A_763 = arith.index_cast %add3A_762 : i32 to index
        %get3A_764 = arith.constant 32 : index
        %get3A_765 = tpu.vector_load %arg7[%get3A_763, %get3A_764] {strides = array<i32>} : memref<200x64xf32, #tpu.memory_space<vmem>>, vector<1x16xf32>,
        %get3A_766 = vector.shape_cast %get3A_765 : vector<1x16xf32> to vector<16xf32>
        %mul3A_767 = arith.mulf %get3A_760, %get3A_766 : vector<16xf32>
        %add3A_768 = arith.addf %add3A_712, %mul3A_767 : vector<16xf32>
        %add3A_769 = arith.constant 7 : i32
        %add3A_770 = arith.addi %mul3A_335, %add3A_769 : i32
        %get3A_771 = arith.index_cast %add3A_770 : i32 to index
        %get3A_772 = arith.constant 48 : index
        %get3A_773 = tpu.vector_load %arg9[%get3A_771, %get3A_772] {strides = array<i32>} : memref<200x64xf32, #tpu.memory_space<vmem>>, vector<1x16xf32>,
        %get3A_774 = vector.shape_cast %get3A_773 : vector<1x16xf32> to vector<16xf32>
        %add3A_775 = arith.constant 7 : i32
        %add3A_776 = arith.addi %mul3A_335, %add3A_775 : i32
        %get3A_777 = arith.index_cast %add3A_776 : i32 to index
        %get3A_778 = arith.constant 48 : index
        %get3A_779 = tpu.vector_load %arg7[%get3A_777, %get3A_778] {strides = array<i32>} : memref<200x64xf32, #tpu.memory_space<vmem>>, vector<1x16xf32>,
        %get3A_780 = vector.shape_cast %get3A_779 : vector<1x16xf32> to vector<16xf32>
        %mul3A_781 = arith.mulf %get3A_774, %get3A_780 : vector<16xf32>
        %add3A_782 = arith.addf %add3A_726, %mul3A_781 : vector<16xf32>
        scf.yield %add3A_740, %add3A_754, %add3A_768, %add3A_782 : vector<16xf32>, vector<16xf32>, vector<16xf32>, vector<16xf32>
      }
      %scan3A_165 = arith.constant 25 : i32
      %swap3A_166 = arith.index_cast %add3A_131 : i32 to index
      %swap3A_167 = arith.constant 0 : index
      %swap3A_168 = tpu.vector_load %arg12[%swap3A_166, %swap3A_167] {strides = array<i32>} : memref<128x64xf32, #tpu.memory_space<vmem>>, vector<1x16xf32>,
      %swap3A_169 = vector.shape_cast %swap3A_168 : vector<1x16xf32> to vector<16xf32>
      %swap3A_170 = vector.shape_cast %scan3A_164#0 : vector<16xf32> to vector<1x16xf32>
      tpu.vector_store %arg12[%swap3A_166, %swap3A_167], %swap3A_170 {strides = array<i32>} : memref<128x64xf32, #tpu.memory_space<vmem>>, vector<1x16xf32>,
      %swap3A_171 = arith.index_cast %add3A_131 : i32 to index
      %swap3A_172 = arith.constant 16 : index
      %swap3A_173 = tpu.vector_load %arg12[%swap3A_171, %swap3A_172] {strides = array<i32>} : memref<128x64xf32, #tpu.memory_space<vmem>>, vector<1x16xf32>,
      %swap3A_174 = vector.shape_cast %swap3A_173 : vector<1x16xf32> to vector<16xf32>
      %swap3A_175 = vector.shape_cast %scan3A_164#1 : vector<16xf32> to vector<1x16xf32>
      tpu.vector_store %arg12[%swap3A_171, %swap3A_172], %swap3A_175 {strides = array<i32>} : memref<128x64xf32, #tpu.memory_space<vmem>>, vector<1x16xf32>,
      %swap3A_176 = arith.index_cast %add3A_131 : i32 to index
      %swap3A_177 = arith.constant 32 : index
      %swap3A_178 = tpu.vector_load %arg12[%swap3A_176, %swap3A_177] {strides = array<i32>} : memref<128x64xf32, #tpu.memory_space<vmem>>, vector<1x16xf32>,
      %swap3A_179 = vector.shape_cast %swap3A_178 : vector<1x16xf32> to vector<16xf32>
      %swap3A_180 = vector.shape_cast %scan3A_164#2 : vector<16xf32> to vector<1x16xf32>
      tpu.vector_store %arg12[%swap3A_176, %swap3A_177], %swap3A_180 {strides = array<i32>} : memref<128x64xf32, #tpu.memory_space<vmem>>, vector<1x16xf32>,
      %swap3A_181 = arith.index_cast %add3A_131 : i32 to index
      %swap3A_182 = arith.constant 48 : index
      %swap3A_183 = tpu.vector_load %arg12[%swap3A_181, %swap3A_182] {strides = array<i32>} : memref<128x64xf32, #tpu.memory_space<vmem>>, vector<1x16xf32>,
      %swap3A_184 = vector.shape_cast %swap3A_183 : vector<1x16xf32> to vector<16xf32>
      %swap3A_185 = vector.shape_cast %scan3A_164#3 : vector<16xf32> to vector<1x16xf32>
      tpu.vector_store %arg12[%swap3A_181, %swap3A_182], %swap3A_185 {strides = array<i32>} : memref<128x64xf32, #tpu.memory_space<vmem>>, vector<1x16xf32>,
      %add3A_186 = arith.constant 4 : i32
      %add3A_187 = arith.addi %add3A_131, %add3A_186 : i32
      %sub3A_188 = arith.constant 1 : i32
      %sub3A_189 = arith.subi %add3A_187, %sub3A_188 : i32
      %lt3A_190 = arith.constant 128 : i32
      %lt3A_191 = arith.cmpi slt, %sub3A_189, %lt3A_190 : i32
      %convert_element_type3A_192 = arith.extui %lt3A_191 : i1 to i32
      %cond3A_193 = arith.constant 0 : i32
      %cond3A_194 = arith.cmpi ne, %convert_element_type3A_192, %cond3A_193 : i32
      scf.if %cond3A_194 {
        %add3A_329 = arith.constant 4 : i32
        %add3A_330 = arith.addi %add3A_131, %add3A_329 : i32
        %sub3A_331 = arith.constant 1 : i32
        %sub3A_332 = arith.subi %add3A_330, %sub3A_331 : i32
        %dma_start3A_333 = arith.constant 0 : i32
        %dma_start3A_334 = arith.constant 0 : i32
        %dma_start3A_335 = tpu.memref_slice %arg8[%dma_start3A_333, %dma_start3A_334] : memref<200x64xf32, #tpu.memory_space<vmem>> -> memref<104x64xf32, #tpu.memory_space<vmem>>
        %dma_start3A_336 = arith.constant 0 : i32
        %dma_start3A_337 = tpu.memref_slice %arg6[%sub3A_332, %dma_start3A_336] : memref<128x200xi32, #tpu.memory_space<vmem>> -> memref<1x104xi32, #tpu.memory_space<vmem>>
        %dma_start3A_338 = tpu.memref_squeeze %dma_start3A_337 : memref<1x104xi32, #tpu.memory_space<vmem>> -> memref<104xi32, #tpu.memory_space<vmem>>
        %dma_start3A_339 = arith.constant 0 : i32
        %dma_start3A_340 = arith.constant 0 : i32
        %dma_start3A_341 = tpu.memref_slice %arg3[%dma_start3A_339, %dma_start3A_340] : memref<1000000x64xf32, #tpu.memory_space<hbm>> -> memref<1000000x64xf32, #tpu.memory_space<hbm>>
        tpu.enqueue_indirect_dma source(%dma_start3A_341 : memref<1000000x64xf32, #tpu.memory_space<hbm>>) target(%dma_start3A_335 : memref<104x64xf32, #tpu.memory_space<vmem>>) offsets(%dma_start3A_338 : memref<104xi32, #tpu.memory_space<vmem>>) semaphore(%arg13 : memref<!tpu.dma_semaphore, #tpu.memory_space<semaphore_mem>>)
        %dma_start3A_342 = arith.constant 104 : i32
        %dma_start3A_343 = arith.constant 0 : i32
        %dma_start3A_344 = tpu.memref_slice %arg8[%dma_start3A_342, %dma_start3A_343] : memref<200x64xf32, #tpu.memory_space<vmem>> -> memref<96x64xf32, #tpu.memory_space<vmem>>
        %dma_start3A_345 = arith.constant 104 : i32
        %dma_start3A_346 = tpu.memref_slice %arg6[%sub3A_332, %dma_start3A_345] : memref<128x200xi32, #tpu.memory_space<vmem>> -> memref<1x96xi32, #tpu.memory_space<vmem>>
        %dma_start3A_347 = tpu.memref_squeeze %dma_start3A_346 : memref<1x96xi32, #tpu.memory_space<vmem>> -> memref<96xi32, #tpu.memory_space<vmem>>
        %dma_start3A_348 = arith.constant 0 : i32
        %dma_start3A_349 = arith.constant 0 : i32
        %dma_start3A_350 = tpu.memref_slice %arg3[%dma_start3A_348, %dma_start3A_349] : memref<1000000x64xf32, #tpu.memory_space<hbm>> -> memref<1000000x64xf32, #tpu.memory_space<hbm>>
        tpu.enqueue_indirect_dma source(%dma_start3A_350 : memref<1000000x64xf32, #tpu.memory_space<hbm>>) target(%dma_start3A_344 : memref<96x64xf32, #tpu.memory_space<vmem>>) offsets(%dma_start3A_347 : memref<96xi32, #tpu.memory_space<vmem>>) semaphore(%arg13 : memref<!tpu.dma_semaphore, #tpu.memory_space<semaphore_mem>>)
      } else {
      }
      %mul3A_195 = arith.constant 4 : i32
      %mul3A_196 = arith.muli %mul3A_195, %scan3A_67 : i32
      %add3A_197 = arith.constant 2 : i32
      %add3A_198 = arith.addi %mul3A_196, %add3A_197 : i32
      %dma_wait3A_199 = arith.constant 0 : i32
      %dma_wait3A_200 = arith.constant 0 : i32
      %dma_wait3A_201 = arith.constant 0 : i32
      %dma_wait3A_202 = tpu.memref_slice %arg10[%dma_wait3A_200, %dma_wait3A_201] : memref<200x64xf32, #tpu.memory_space<vmem>> -> memref<104x64xf32, #tpu.memory_space<vmem>>
      %dma_wait3A_203 = arith.constant 0 : i32
      %dma_wait3A_204 = tpu.memref_slice %arg6[%dma_wait3A_199, %dma_wait3A_203] : memref<128x200xi32, #tpu.memory_space<vmem>> -> memref<1x104xi32, #tpu.memory_space<vmem>>
      %dma_wait3A_205 = tpu.memref_squeeze %dma_wait3A_204 : memref<1x104xi32, #tpu.memory_space<vmem>> -> memref<104xi32, #tpu.memory_space<vmem>>
      %dma_wait3A_206 = arith.constant 0 : i32
      %dma_wait3A_207 = arith.constant 0 : i32
      %dma_wait3A_208 = tpu.memref_slice %arg3[%dma_wait3A_206, %dma_wait3A_207] : memref<1000000x64xf32, #tpu.memory_space<hbm>> -> memref<1000000x64xf32, #tpu.memory_space<hbm>>
      tpu.wait_indirect_dma semaphore(%arg15 : memref<!tpu.dma_semaphore, #tpu.memory_space<semaphore_mem>>) src(%dma_wait3A_208 : memref<1000000x64xf32, #tpu.memory_space<hbm>>) dst(%dma_wait3A_202 : memref<104x64xf32, #tpu.memory_space<vmem>>)
      %dma_wait3A_209 = arith.constant 0 : i32
      %dma_wait3A_210 = arith.constant 104 : i32
      %dma_wait3A_211 = arith.constant 0 : i32
      %dma_wait3A_212 = tpu.memref_slice %arg10[%dma_wait3A_210, %dma_wait3A_211] : memref<200x64xf32, #tpu.memory_space<vmem>> -> memref<96x64xf32, #tpu.memory_space<vmem>>
      %dma_wait3A_213 = arith.constant 104 : i32
      %dma_wait3A_214 = tpu.memref_slice %arg6[%dma_wait3A_209, %dma_wait3A_213] : memref<128x200xi32, #tpu.memory_space<vmem>> -> memref<1x96xi32, #tpu.memory_space<vmem>>
      %dma_wait3A_215 = tpu.memref_squeeze %dma_wait3A_214 : memref<1x96xi32, #tpu.memory_space<vmem>> -> memref<96xi32, #tpu.memory_space<vmem>>
      %dma_wait3A_216 = arith.constant 0 : i32
      %dma_wait3A_217 = arith.constant 0 : i32
      %dma_wait3A_218 = tpu.memref_slice %arg3[%dma_wait3A_216, %dma_wait3A_217] : memref<1000000x64xf32, #tpu.memory_space<hbm>> -> memref<1000000x64xf32, #tpu.memory_space<hbm>>
      tpu.wait_indirect_dma semaphore(%arg15 : memref<!tpu.dma_semaphore, #tpu.memory_space<semaphore_mem>>) src(%dma_wait3A_218 : memref<1000000x64xf32, #tpu.memory_space<hbm>>) dst(%dma_wait3A_212 : memref<96x64xf32, #tpu.memory_space<vmem>>)
      %broadcast_in_dim3A_219 = arith.constant 0.000000e+00 : f32
      %broadcast_in_dim3A_220 = vector.broadcast %broadcast_in_dim3A_219 : f32 to vector<16xf32>
      %broadcast_in_dim3A_221 = arith.constant 0.000000e+00 : f32
      %broadcast_in_dim3A_222 = vector.broadcast %broadcast_in_dim3A_221 : f32 to vector<16xf32>
      %broadcast_in_dim3A_223 = arith.constant 0.000000e+00 : f32
      %broadcast_in_dim3A_224 = vector.broadcast %broadcast_in_dim3A_223 : f32 to vector<16xf32>
      %broadcast_in_dim3A_225 = arith.constant 0.000000e+00 : f32
      %broadcast_in_dim3A_226 = vector.broadcast %broadcast_in_dim3A_225 : f32 to vector<16xf32>
      %scan3A_227 = arith.constant 0 : i32
      %scan3A_228 = arith.constant 25 : i32
      %scan3A_229 = arith.addi %scan3A_227, %scan3A_228 : i32
      %scan3A_230 = arith.constant 1 : i32
      %scan3A_231:4 = scf.for %scan3A_329 = %scan3A_227 to %scan3A_229 step %scan3A_230 iter_args(%scan3A_330 = %broadcast_in_dim3A_220, %scan3A_331 = %broadcast_in_dim3A_222, %scan3A_332 = %broadcast_in_dim3A_224, %scan3A_333 = %broadcast_in_dim3A_226) -> (vector<16xf32>, vector<16xf32>, vector<16xf32>, vector<16xf32>)  : i32 {
        %mul3A_334 = arith.constant 8 : i32
        %mul3A_335 = arith.muli %scan3A_329, %mul3A_334 : i32
        %add3A_336 = arith.constant 0 : i32
        %add3A_337 = arith.addi %mul3A_335, %add3A_336 : i32
        %get3A = arith.index_cast %add3A_337 : i32 to index
        %get3A_338 = arith.constant 0 : index
        %get3A_339 = tpu.vector_load %arg10[%get3A, %get3A_338] {strides = array<i32>} : memref<200x64xf32, #tpu.memory_space<vmem>>, vector<1x16xf32>,
        %get3A_340 = vector.shape_cast %get3A_339 : vector<1x16xf32> to vector<16xf32>
        %add3A_341 = arith.constant 0 : i32
        %add3A_342 = arith.addi %mul3A_335, %add3A_341 : i32
        %get3A_343 = arith.index_cast %add3A_342 : i32 to index
        %get3A_344 = arith.constant 0 : index
        %get3A_345 = tpu.vector_load %arg7[%get3A_343, %get3A_344] {strides = array<i32>} : memref<200x64xf32, #tpu.memory_space<vmem>>, vector<1x16xf32>,
        %get3A_346 = vector.shape_cast %get3A_345 : vector<1x16xf32> to vector<16xf32>
        %mul3A_347 = arith.mulf %get3A_340, %get3A_346 : vector<16xf32>
        %add3A_348 = arith.addf %scan3A_330, %mul3A_347 : vector<16xf32>
        %add3A_349 = arith.constant 0 : i32
        %add3A_350 = arith.addi %mul3A_335, %add3A_349 : i32
        %get3A_351 = arith.index_cast %add3A_350 : i32 to index
        %get3A_352 = arith.constant 16 : index
        %get3A_353 = tpu.vector_load %arg10[%get3A_351, %get3A_352] {strides = array<i32>} : memref<200x64xf32, #tpu.memory_space<vmem>>, vector<1x16xf32>,
        %get3A_354 = vector.shape_cast %get3A_353 : vector<1x16xf32> to vector<16xf32>
        %add3A_355 = arith.constant 0 : i32
        %add3A_356 = arith.addi %mul3A_335, %add3A_355 : i32
        %get3A_357 = arith.index_cast %add3A_356 : i32 to index
        %get3A_358 = arith.constant 16 : index
        %get3A_359 = tpu.vector_load %arg7[%get3A_357, %get3A_358] {strides = array<i32>} : memref<200x64xf32, #tpu.memory_space<vmem>>, vector<1x16xf32>,
        %get3A_360 = vector.shape_cast %get3A_359 : vector<1x16xf32> to vector<16xf32>
        %mul3A_361 = arith.mulf %get3A_354, %get3A_360 : vector<16xf32>
        %add3A_362 = arith.addf %scan3A_331, %mul3A_361 : vector<16xf32>
        %add3A_363 = arith.constant 0 : i32
        %add3A_364 = arith.addi %mul3A_335, %add3A_363 : i32
        %get3A_365 = arith.index_cast %add3A_364 : i32 to index
        %get3A_366 = arith.constant 32 : index
        %get3A_367 = tpu.vector_load %arg10[%get3A_365, %get3A_366] {strides = array<i32>} : memref<200x64xf32, #tpu.memory_space<vmem>>, vector<1x16xf32>,
        %get3A_368 = vector.shape_cast %get3A_367 : vector<1x16xf32> to vector<16xf32>
        %add3A_369 = arith.constant 0 : i32
        %add3A_370 = arith.addi %mul3A_335, %add3A_369 : i32
        %get3A_371 = arith.index_cast %add3A_370 : i32 to index
        %get3A_372 = arith.constant 32 : index
        %get3A_373 = tpu.vector_load %arg7[%get3A_371, %get3A_372] {strides = array<i32>} : memref<200x64xf32, #tpu.memory_space<vmem>>, vector<1x16xf32>,
        %get3A_374 = vector.shape_cast %get3A_373 : vector<1x16xf32> to vector<16xf32>
        %mul3A_375 = arith.mulf %get3A_368, %get3A_374 : vector<16xf32>
        %add3A_376 = arith.addf %scan3A_332, %mul3A_375 : vector<16xf32>
        %add3A_377 = arith.constant 0 : i32
        %add3A_378 = arith.addi %mul3A_335, %add3A_377 : i32
        %get3A_379 = arith.index_cast %add3A_378 : i32 to index
        %get3A_380 = arith.constant 48 : index
        %get3A_381 = tpu.vector_load %arg10[%get3A_379, %get3A_380] {strides = array<i32>} : memref<200x64xf32, #tpu.memory_space<vmem>>, vector<1x16xf32>,
        %get3A_382 = vector.shape_cast %get3A_381 : vector<1x16xf32> to vector<16xf32>
        %add3A_383 = arith.constant 0 : i32
        %add3A_384 = arith.addi %mul3A_335, %add3A_383 : i32
        %get3A_385 = arith.index_cast %add3A_384 : i32 to index
        %get3A_386 = arith.constant 48 : index
        %get3A_387 = tpu.vector_load %arg7[%get3A_385, %get3A_386] {strides = array<i32>} : memref<200x64xf32, #tpu.memory_space<vmem>>, vector<1x16xf32>,
        %get3A_388 = vector.shape_cast %get3A_387 : vector<1x16xf32> to vector<16xf32>
        %mul3A_389 = arith.mulf %get3A_382, %get3A_388 : vector<16xf32>
        %add3A_390 = arith.addf %scan3A_333, %mul3A_389 : vector<16xf32>
        %add3A_391 = arith.constant 1 : i32
        %add3A_392 = arith.addi %mul3A_335, %add3A_391 : i32
        %get3A_393 = arith.index_cast %add3A_392 : i32 to index
        %get3A_394 = arith.constant 0 : index
        %get3A_395 = tpu.vector_load %arg10[%get3A_393, %get3A_394] {strides = array<i32>} : memref<200x64xf32, #tpu.memory_space<vmem>>, vector<1x16xf32>,
        %get3A_396 = vector.shape_cast %get3A_395 : vector<1x16xf32> to vector<16xf32>
        %add3A_397 = arith.constant 1 : i32
        %add3A_398 = arith.addi %mul3A_335, %add3A_397 : i32
        %get3A_399 = arith.index_cast %add3A_398 : i32 to index
        %get3A_400 = arith.constant 0 : index
        %get3A_401 = tpu.vector_load %arg7[%get3A_399, %get3A_400] {strides = array<i32>} : memref<200x64xf32, #tpu.memory_space<vmem>>, vector<1x16xf32>,
        %get3A_402 = vector.shape_cast %get3A_401 : vector<1x16xf32> to vector<16xf32>
        %mul3A_403 = arith.mulf %get3A_396, %get3A_402 : vector<16xf32>
        %add3A_404 = arith.addf %add3A_348, %mul3A_403 : vector<16xf32>
        %add3A_405 = arith.constant 1 : i32
        %add3A_406 = arith.addi %mul3A_335, %add3A_405 : i32
        %get3A_407 = arith.index_cast %add3A_406 : i32 to index
        %get3A_408 = arith.constant 16 : index
        %get3A_409 = tpu.vector_load %arg10[%get3A_407, %get3A_408] {strides = array<i32>} : memref<200x64xf32, #tpu.memory_space<vmem>>, vector<1x16xf32>,
        %get3A_410 = vector.shape_cast %get3A_409 : vector<1x16xf32> to vector<16xf32>
        %add3A_411 = arith.constant 1 : i32
        %add3A_412 = arith.addi %mul3A_335, %add3A_411 : i32
        %get3A_413 = arith.index_cast %add3A_412 : i32 to index
        %get3A_414 = arith.constant 16 : index
        %get3A_415 = tpu.vector_load %arg7[%get3A_413, %get3A_414] {strides = array<i32>} : memref<200x64xf32, #tpu.memory_space<vmem>>, vector<1x16xf32>,
        %get3A_416 = vector.shape_cast %get3A_415 : vector<1x16xf32> to vector<16xf32>
        %mul3A_417 = arith.mulf %get3A_410, %get3A_416 : vector<16xf32>
        %add3A_418 = arith.addf %add3A_362, %mul3A_417 : vector<16xf32>
        %add3A_419 = arith.constant 1 : i32
        %add3A_420 = arith.addi %mul3A_335, %add3A_419 : i32
        %get3A_421 = arith.index_cast %add3A_420 : i32 to index
        %get3A_422 = arith.constant 32 : index
        %get3A_423 = tpu.vector_load %arg10[%get3A_421, %get3A_422] {strides = array<i32>} : memref<200x64xf32, #tpu.memory_space<vmem>>, vector<1x16xf32>,
        %get3A_424 = vector.shape_cast %get3A_423 : vector<1x16xf32> to vector<16xf32>
        %add3A_425 = arith.constant 1 : i32
        %add3A_426 = arith.addi %mul3A_335, %add3A_425 : i32
        %get3A_427 = arith.index_cast %add3A_426 : i32 to index
        %get3A_428 = arith.constant 32 : index
        %get3A_429 = tpu.vector_load %arg7[%get3A_427, %get3A_428] {strides = array<i32>} : memref<200x64xf32, #tpu.memory_space<vmem>>, vector<1x16xf32>,
        %get3A_430 = vector.shape_cast %get3A_429 : vector<1x16xf32> to vector<16xf32>
        %mul3A_431 = arith.mulf %get3A_424, %get3A_430 : vector<16xf32>
        %add3A_432 = arith.addf %add3A_376, %mul3A_431 : vector<16xf32>
        %add3A_433 = arith.constant 1 : i32
        %add3A_434 = arith.addi %mul3A_335, %add3A_433 : i32
        %get3A_435 = arith.index_cast %add3A_434 : i32 to index
        %get3A_436 = arith.constant 48 : index
        %get3A_437 = tpu.vector_load %arg10[%get3A_435, %get3A_436] {strides = array<i32>} : memref<200x64xf32, #tpu.memory_space<vmem>>, vector<1x16xf32>,
        %get3A_438 = vector.shape_cast %get3A_437 : vector<1x16xf32> to vector<16xf32>
        %add3A_439 = arith.constant 1 : i32
        %add3A_440 = arith.addi %mul3A_335, %add3A_439 : i32
        %get3A_441 = arith.index_cast %add3A_440 : i32 to index
        %get3A_442 = arith.constant 48 : index
        %get3A_443 = tpu.vector_load %arg7[%get3A_441, %get3A_442] {strides = array<i32>} : memref<200x64xf32, #tpu.memory_space<vmem>>, vector<1x16xf32>,
        %get3A_444 = vector.shape_cast %get3A_443 : vector<1x16xf32> to vector<16xf32>
        %mul3A_445 = arith.mulf %get3A_438, %get3A_444 : vector<16xf32>
        %add3A_446 = arith.addf %add3A_390, %mul3A_445 : vector<16xf32>
        %add3A_447 = arith.constant 2 : i32
        %add3A_448 = arith.addi %mul3A_335, %add3A_447 : i32
        %get3A_449 = arith.index_cast %add3A_448 : i32 to index
        %get3A_450 = arith.constant 0 : index
        %get3A_451 = tpu.vector_load %arg10[%get3A_449, %get3A_450] {strides = array<i32>} : memref<200x64xf32, #tpu.memory_space<vmem>>, vector<1x16xf32>,
        %get3A_452 = vector.shape_cast %get3A_451 : vector<1x16xf32> to vector<16xf32>
        %add3A_453 = arith.constant 2 : i32
        %add3A_454 = arith.addi %mul3A_335, %add3A_453 : i32
        %get3A_455 = arith.index_cast %add3A_454 : i32 to index
        %get3A_456 = arith.constant 0 : index
        %get3A_457 = tpu.vector_load %arg7[%get3A_455, %get3A_456] {strides = array<i32>} : memref<200x64xf32, #tpu.memory_space<vmem>>, vector<1x16xf32>,
        %get3A_458 = vector.shape_cast %get3A_457 : vector<1x16xf32> to vector<16xf32>
        %mul3A_459 = arith.mulf %get3A_452, %get3A_458 : vector<16xf32>
        %add3A_460 = arith.addf %add3A_404, %mul3A_459 : vector<16xf32>
        %add3A_461 = arith.constant 2 : i32
        %add3A_462 = arith.addi %mul3A_335, %add3A_461 : i32
        %get3A_463 = arith.index_cast %add3A_462 : i32 to index
        %get3A_464 = arith.constant 16 : index
        %get3A_465 = tpu.vector_load %arg10[%get3A_463, %get3A_464] {strides = array<i32>} : memref<200x64xf32, #tpu.memory_space<vmem>>, vector<1x16xf32>,
        %get3A_466 = vector.shape_cast %get3A_465 : vector<1x16xf32> to vector<16xf32>
        %add3A_467 = arith.constant 2 : i32
        %add3A_468 = arith.addi %mul3A_335, %add3A_467 : i32
        %get3A_469 = arith.index_cast %add3A_468 : i32 to index
        %get3A_470 = arith.constant 16 : index
        %get3A_471 = tpu.vector_load %arg7[%get3A_469, %get3A_470] {strides = array<i32>} : memref<200x64xf32, #tpu.memory_space<vmem>>, vector<1x16xf32>,
        %get3A_472 = vector.shape_cast %get3A_471 : vector<1x16xf32> to vector<16xf32>
        %mul3A_473 = arith.mulf %get3A_466, %get3A_472 : vector<16xf32>
        %add3A_474 = arith.addf %add3A_418, %mul3A_473 : vector<16xf32>
        %add3A_475 = arith.constant 2 : i32
        %add3A_476 = arith.addi %mul3A_335, %add3A_475 : i32
        %get3A_477 = arith.index_cast %add3A_476 : i32 to index
        %get3A_478 = arith.constant 32 : index
        %get3A_479 = tpu.vector_load %arg10[%get3A_477, %get3A_478] {strides = array<i32>} : memref<200x64xf32, #tpu.memory_space<vmem>>, vector<1x16xf32>,
        %get3A_480 = vector.shape_cast %get3A_479 : vector<1x16xf32> to vector<16xf32>
        %add3A_481 = arith.constant 2 : i32
        %add3A_482 = arith.addi %mul3A_335, %add3A_481 : i32
        %get3A_483 = arith.index_cast %add3A_482 : i32 to index
        %get3A_484 = arith.constant 32 : index
        %get3A_485 = tpu.vector_load %arg7[%get3A_483, %get3A_484] {strides = array<i32>} : memref<200x64xf32, #tpu.memory_space<vmem>>, vector<1x16xf32>,
        %get3A_486 = vector.shape_cast %get3A_485 : vector<1x16xf32> to vector<16xf32>
        %mul3A_487 = arith.mulf %get3A_480, %get3A_486 : vector<16xf32>
        %add3A_488 = arith.addf %add3A_432, %mul3A_487 : vector<16xf32>
        %add3A_489 = arith.constant 2 : i32
        %add3A_490 = arith.addi %mul3A_335, %add3A_489 : i32
        %get3A_491 = arith.index_cast %add3A_490 : i32 to index
        %get3A_492 = arith.constant 48 : index
        %get3A_493 = tpu.vector_load %arg10[%get3A_491, %get3A_492] {strides = array<i32>} : memref<200x64xf32, #tpu.memory_space<vmem>>, vector<1x16xf32>,
        %get3A_494 = vector.shape_cast %get3A_493 : vector<1x16xf32> to vector<16xf32>
        %add3A_495 = arith.constant 2 : i32
        %add3A_496 = arith.addi %mul3A_335, %add3A_495 : i32
        %get3A_497 = arith.index_cast %add3A_496 : i32 to index
        %get3A_498 = arith.constant 48 : index
        %get3A_499 = tpu.vector_load %arg7[%get3A_497, %get3A_498] {strides = array<i32>} : memref<200x64xf32, #tpu.memory_space<vmem>>, vector<1x16xf32>,
        %get3A_500 = vector.shape_cast %get3A_499 : vector<1x16xf32> to vector<16xf32>
        %mul3A_501 = arith.mulf %get3A_494, %get3A_500 : vector<16xf32>
        %add3A_502 = arith.addf %add3A_446, %mul3A_501 : vector<16xf32>
        %add3A_503 = arith.constant 3 : i32
        %add3A_504 = arith.addi %mul3A_335, %add3A_503 : i32
        %get3A_505 = arith.index_cast %add3A_504 : i32 to index
        %get3A_506 = arith.constant 0 : index
        %get3A_507 = tpu.vector_load %arg10[%get3A_505, %get3A_506] {strides = array<i32>} : memref<200x64xf32, #tpu.memory_space<vmem>>, vector<1x16xf32>,
        %get3A_508 = vector.shape_cast %get3A_507 : vector<1x16xf32> to vector<16xf32>
        %add3A_509 = arith.constant 3 : i32
        %add3A_510 = arith.addi %mul3A_335, %add3A_509 : i32
        %get3A_511 = arith.index_cast %add3A_510 : i32 to index
        %get3A_512 = arith.constant 0 : index
        %get3A_513 = tpu.vector_load %arg7[%get3A_511, %get3A_512] {strides = array<i32>} : memref<200x64xf32, #tpu.memory_space<vmem>>, vector<1x16xf32>,
        %get3A_514 = vector.shape_cast %get3A_513 : vector<1x16xf32> to vector<16xf32>
        %mul3A_515 = arith.mulf %get3A_508, %get3A_514 : vector<16xf32>
        %add3A_516 = arith.addf %add3A_460, %mul3A_515 : vector<16xf32>
        %add3A_517 = arith.constant 3 : i32
        %add3A_518 = arith.addi %mul3A_335, %add3A_517 : i32
        %get3A_519 = arith.index_cast %add3A_518 : i32 to index
        %get3A_520 = arith.constant 16 : index
        %get3A_521 = tpu.vector_load %arg10[%get3A_519, %get3A_520] {strides = array<i32>} : memref<200x64xf32, #tpu.memory_space<vmem>>, vector<1x16xf32>,
        %get3A_522 = vector.shape_cast %get3A_521 : vector<1x16xf32> to vector<16xf32>
        %add3A_523 = arith.constant 3 : i32
        %add3A_524 = arith.addi %mul3A_335, %add3A_523 : i32
        %get3A_525 = arith.index_cast %add3A_524 : i32 to index
        %get3A_526 = arith.constant 16 : index
        %get3A_527 = tpu.vector_load %arg7[%get3A_525, %get3A_526] {strides = array<i32>} : memref<200x64xf32, #tpu.memory_space<vmem>>, vector<1x16xf32>,
        %get3A_528 = vector.shape_cast %get3A_527 : vector<1x16xf32> to vector<16xf32>
        %mul3A_529 = arith.mulf %get3A_522, %get3A_528 : vector<16xf32>
        %add3A_530 = arith.addf %add3A_474, %mul3A_529 : vector<16xf32>
        %add3A_531 = arith.constant 3 : i32
        %add3A_532 = arith.addi %mul3A_335, %add3A_531 : i32
        %get3A_533 = arith.index_cast %add3A_532 : i32 to index
        %get3A_534 = arith.constant 32 : index
        %get3A_535 = tpu.vector_load %arg10[%get3A_533, %get3A_534] {strides = array<i32>} : memref<200x64xf32, #tpu.memory_space<vmem>>, vector<1x16xf32>,
        %get3A_536 = vector.shape_cast %get3A_535 : vector<1x16xf32> to vector<16xf32>
        %add3A_537 = arith.constant 3 : i32
        %add3A_538 = arith.addi %mul3A_335, %add3A_537 : i32
        %get3A_539 = arith.index_cast %add3A_538 : i32 to index
        %get3A_540 = arith.constant 32 : index
        %get3A_541 = tpu.vector_load %arg7[%get3A_539, %get3A_540] {strides = array<i32>} : memref<200x64xf32, #tpu.memory_space<vmem>>, vector<1x16xf32>,
        %get3A_542 = vector.shape_cast %get3A_541 : vector<1x16xf32> to vector<16xf32>
        %mul3A_543 = arith.mulf %get3A_536, %get3A_542 : vector<16xf32>
        %add3A_544 = arith.addf %add3A_488, %mul3A_543 : vector<16xf32>
        %add3A_545 = arith.constant 3 : i32
        %add3A_546 = arith.addi %mul3A_335, %add3A_545 : i32
        %get3A_547 = arith.index_cast %add3A_546 : i32 to index
        %get3A_548 = arith.constant 48 : index
        %get3A_549 = tpu.vector_load %arg10[%get3A_547, %get3A_548] {strides = array<i32>} : memref<200x64xf32, #tpu.memory_space<vmem>>, vector<1x16xf32>,
        %get3A_550 = vector.shape_cast %get3A_549 : vector<1x16xf32> to vector<16xf32>
        %add3A_551 = arith.constant 3 : i32
        %add3A_552 = arith.addi %mul3A_335, %add3A_551 : i32
        %get3A_553 = arith.index_cast %add3A_552 : i32 to index
        %get3A_554 = arith.constant 48 : index
        %get3A_555 = tpu.vector_load %arg7[%get3A_553, %get3A_554] {strides = array<i32>} : memref<200x64xf32, #tpu.memory_space<vmem>>, vector<1x16xf32>,
        %get3A_556 = vector.shape_cast %get3A_555 : vector<1x16xf32> to vector<16xf32>
        %mul3A_557 = arith.mulf %get3A_550, %get3A_556 : vector<16xf32>
        %add3A_558 = arith.addf %add3A_502, %mul3A_557 : vector<16xf32>
        %add3A_559 = arith.constant 4 : i32
        %add3A_560 = arith.addi %mul3A_335, %add3A_559 : i32
        %get3A_561 = arith.index_cast %add3A_560 : i32 to index
        %get3A_562 = arith.constant 0 : index
        %get3A_563 = tpu.vector_load %arg10[%get3A_561, %get3A_562] {strides = array<i32>} : memref<200x64xf32, #tpu.memory_space<vmem>>, vector<1x16xf32>,
        %get3A_564 = vector.shape_cast %get3A_563 : vector<1x16xf32> to vector<16xf32>
        %add3A_565 = arith.constant 4 : i32
        %add3A_566 = arith.addi %mul3A_335, %add3A_565 : i32
        %get3A_567 = arith.index_cast %add3A_566 : i32 to index
        %get3A_568 = arith.constant 0 : index
        %get3A_569 = tpu.vector_load %arg7[%get3A_567, %get3A_568] {strides = array<i32>} : memref<200x64xf32, #tpu.memory_space<vmem>>, vector<1x16xf32>,
        %get3A_570 = vector.shape_cast %get3A_569 : vector<1x16xf32> to vector<16xf32>
        %mul3A_571 = arith.mulf %get3A_564, %get3A_570 : vector<16xf32>
        %add3A_572 = arith.addf %add3A_516, %mul3A_571 : vector<16xf32>
        %add3A_573 = arith.constant 4 : i32
        %add3A_574 = arith.addi %mul3A_335, %add3A_573 : i32
        %get3A_575 = arith.index_cast %add3A_574 : i32 to index
        %get3A_576 = arith.constant 16 : index
        %get3A_577 = tpu.vector_load %arg10[%get3A_575, %get3A_576] {strides = array<i32>} : memref<200x64xf32, #tpu.memory_space<vmem>>, vector<1x16xf32>,
        %get3A_578 = vector.shape_cast %get3A_577 : vector<1x16xf32> to vector<16xf32>
        %add3A_579 = arith.constant 4 : i32
        %add3A_580 = arith.addi %mul3A_335, %add3A_579 : i32
        %get3A_581 = arith.index_cast %add3A_580 : i32 to index
        %get3A_582 = arith.constant 16 : index
        %get3A_583 = tpu.vector_load %arg7[%get3A_581, %get3A_582] {strides = array<i32>} : memref<200x64xf32, #tpu.memory_space<vmem>>, vector<1x16xf32>,
        %get3A_584 = vector.shape_cast %get3A_583 : vector<1x16xf32> to vector<16xf32>
        %mul3A_585 = arith.mulf %get3A_578, %get3A_584 : vector<16xf32>
        %add3A_586 = arith.addf %add3A_530, %mul3A_585 : vector<16xf32>
        %add3A_587 = arith.constant 4 : i32
        %add3A_588 = arith.addi %mul3A_335, %add3A_587 : i32
        %get3A_589 = arith.index_cast %add3A_588 : i32 to index
        %get3A_590 = arith.constant 32 : index
        %get3A_591 = tpu.vector_load %arg10[%get3A_589, %get3A_590] {strides = array<i32>} : memref<200x64xf32, #tpu.memory_space<vmem>>, vector<1x16xf32>,
        %get3A_592 = vector.shape_cast %get3A_591 : vector<1x16xf32> to vector<16xf32>
        %add3A_593 = arith.constant 4 : i32
        %add3A_594 = arith.addi %mul3A_335, %add3A_593 : i32
        %get3A_595 = arith.index_cast %add3A_594 : i32 to index
        %get3A_596 = arith.constant 32 : index
        %get3A_597 = tpu.vector_load %arg7[%get3A_595, %get3A_596] {strides = array<i32>} : memref<200x64xf32, #tpu.memory_space<vmem>>, vector<1x16xf32>,
        %get3A_598 = vector.shape_cast %get3A_597 : vector<1x16xf32> to vector<16xf32>
        %mul3A_599 = arith.mulf %get3A_592, %get3A_598 : vector<16xf32>
        %add3A_600 = arith.addf %add3A_544, %mul3A_599 : vector<16xf32>
        %add3A_601 = arith.constant 4 : i32
        %add3A_602 = arith.addi %mul3A_335, %add3A_601 : i32
        %get3A_603 = arith.index_cast %add3A_602 : i32 to index
        %get3A_604 = arith.constant 48 : index
        %get3A_605 = tpu.vector_load %arg10[%get3A_603, %get3A_604] {strides = array<i32>} : memref<200x64xf32, #tpu.memory_space<vmem>>, vector<1x16xf32>,
        %get3A_606 = vector.shape_cast %get3A_605 : vector<1x16xf32> to vector<16xf32>
        %add3A_607 = arith.constant 4 : i32
        %add3A_608 = arith.addi %mul3A_335, %add3A_607 : i32
        %get3A_609 = arith.index_cast %add3A_608 : i32 to index
        %get3A_610 = arith.constant 48 : index
        %get3A_611 = tpu.vector_load %arg7[%get3A_609, %get3A_610] {strides = array<i32>} : memref<200x64xf32, #tpu.memory_space<vmem>>, vector<1x16xf32>,
        %get3A_612 = vector.shape_cast %get3A_611 : vector<1x16xf32> to vector<16xf32>
        %mul3A_613 = arith.mulf %get3A_606, %get3A_612 : vector<16xf32>
        %add3A_614 = arith.addf %add3A_558, %mul3A_613 : vector<16xf32>
        %add3A_615 = arith.constant 5 : i32
        %add3A_616 = arith.addi %mul3A_335, %add3A_615 : i32
        %get3A_617 = arith.index_cast %add3A_616 : i32 to index
        %get3A_618 = arith.constant 0 : index
        %get3A_619 = tpu.vector_load %arg10[%get3A_617, %get3A_618] {strides = array<i32>} : memref<200x64xf32, #tpu.memory_space<vmem>>, vector<1x16xf32>,
        %get3A_620 = vector.shape_cast %get3A_619 : vector<1x16xf32> to vector<16xf32>
        %add3A_621 = arith.constant 5 : i32
        %add3A_622 = arith.addi %mul3A_335, %add3A_621 : i32
        %get3A_623 = arith.index_cast %add3A_622 : i32 to index
        %get3A_624 = arith.constant 0 : index
        %get3A_625 = tpu.vector_load %arg7[%get3A_623, %get3A_624] {strides = array<i32>} : memref<200x64xf32, #tpu.memory_space<vmem>>, vector<1x16xf32>,
        %get3A_626 = vector.shape_cast %get3A_625 : vector<1x16xf32> to vector<16xf32>
        %mul3A_627 = arith.mulf %get3A_620, %get3A_626 : vector<16xf32>
        %add3A_628 = arith.addf %add3A_572, %mul3A_627 : vector<16xf32>
        %add3A_629 = arith.constant 5 : i32
        %add3A_630 = arith.addi %mul3A_335, %add3A_629 : i32
        %get3A_631 = arith.index_cast %add3A_630 : i32 to index
        %get3A_632 = arith.constant 16 : index
        %get3A_633 = tpu.vector_load %arg10[%get3A_631, %get3A_632] {strides = array<i32>} : memref<200x64xf32, #tpu.memory_space<vmem>>, vector<1x16xf32>,
        %get3A_634 = vector.shape_cast %get3A_633 : vector<1x16xf32> to vector<16xf32>
        %add3A_635 = arith.constant 5 : i32
        %add3A_636 = arith.addi %mul3A_335, %add3A_635 : i32
        %get3A_637 = arith.index_cast %add3A_636 : i32 to index
        %get3A_638 = arith.constant 16 : index
        %get3A_639 = tpu.vector_load %arg7[%get3A_637, %get3A_638] {strides = array<i32>} : memref<200x64xf32, #tpu.memory_space<vmem>>, vector<1x16xf32>,
        %get3A_640 = vector.shape_cast %get3A_639 : vector<1x16xf32> to vector<16xf32>
        %mul3A_641 = arith.mulf %get3A_634, %get3A_640 : vector<16xf32>
        %add3A_642 = arith.addf %add3A_586, %mul3A_641 : vector<16xf32>
        %add3A_643 = arith.constant 5 : i32
        %add3A_644 = arith.addi %mul3A_335, %add3A_643 : i32
        %get3A_645 = arith.index_cast %add3A_644 : i32 to index
        %get3A_646 = arith.constant 32 : index
        %get3A_647 = tpu.vector_load %arg10[%get3A_645, %get3A_646] {strides = array<i32>} : memref<200x64xf32, #tpu.memory_space<vmem>>, vector<1x16xf32>,
        %get3A_648 = vector.shape_cast %get3A_647 : vector<1x16xf32> to vector<16xf32>
        %add3A_649 = arith.constant 5 : i32
        %add3A_650 = arith.addi %mul3A_335, %add3A_649 : i32
        %get3A_651 = arith.index_cast %add3A_650 : i32 to index
        %get3A_652 = arith.constant 32 : index
        %get3A_653 = tpu.vector_load %arg7[%get3A_651, %get3A_652] {strides = array<i32>} : memref<200x64xf32, #tpu.memory_space<vmem>>, vector<1x16xf32>,
        %get3A_654 = vector.shape_cast %get3A_653 : vector<1x16xf32> to vector<16xf32>
        %mul3A_655 = arith.mulf %get3A_648, %get3A_654 : vector<16xf32>
        %add3A_656 = arith.addf %add3A_600, %mul3A_655 : vector<16xf32>
        %add3A_657 = arith.constant 5 : i32
        %add3A_658 = arith.addi %mul3A_335, %add3A_657 : i32
        %get3A_659 = arith.index_cast %add3A_658 : i32 to index
        %get3A_660 = arith.constant 48 : index
        %get3A_661 = tpu.vector_load %arg10[%get3A_659, %get3A_660] {strides = array<i32>} : memref<200x64xf32, #tpu.memory_space<vmem>>, vector<1x16xf32>,
        %get3A_662 = vector.shape_cast %get3A_661 : vector<1x16xf32> to vector<16xf32>
        %add3A_663 = arith.constant 5 : i32
        %add3A_664 = arith.addi %mul3A_335, %add3A_663 : i32
        %get3A_665 = arith.index_cast %add3A_664 : i32 to index
        %get3A_666 = arith.constant 48 : index
        %get3A_667 = tpu.vector_load %arg7[%get3A_665, %get3A_666] {strides = array<i32>} : memref<200x64xf32, #tpu.memory_space<vmem>>, vector<1x16xf32>,
        %get3A_668 = vector.shape_cast %get3A_667 : vector<1x16xf32> to vector<16xf32>
        %mul3A_669 = arith.mulf %get3A_662, %get3A_668 : vector<16xf32>
        %add3A_670 = arith.addf %add3A_614, %mul3A_669 : vector<16xf32>
        %add3A_671 = arith.constant 6 : i32
        %add3A_672 = arith.addi %mul3A_335, %add3A_671 : i32
        %get3A_673 = arith.index_cast %add3A_672 : i32 to index
        %get3A_674 = arith.constant 0 : index
        %get3A_675 = tpu.vector_load %arg10[%get3A_673, %get3A_674] {strides = array<i32>} : memref<200x64xf32, #tpu.memory_space<vmem>>, vector<1x16xf32>,
        %get3A_676 = vector.shape_cast %get3A_675 : vector<1x16xf32> to vector<16xf32>
        %add3A_677 = arith.constant 6 : i32
        %add3A_678 = arith.addi %mul3A_335, %add3A_677 : i32
        %get3A_679 = arith.index_cast %add3A_678 : i32 to index
        %get3A_680 = arith.constant 0 : index
        %get3A_681 = tpu.vector_load %arg7[%get3A_679, %get3A_680] {strides = array<i32>} : memref<200x64xf32, #tpu.memory_space<vmem>>, vector<1x16xf32>,
        %get3A_682 = vector.shape_cast %get3A_681 : vector<1x16xf32> to vector<16xf32>
        %mul3A_683 = arith.mulf %get3A_676, %get3A_682 : vector<16xf32>
        %add3A_684 = arith.addf %add3A_628, %mul3A_683 : vector<16xf32>
        %add3A_685 = arith.constant 6 : i32
        %add3A_686 = arith.addi %mul3A_335, %add3A_685 : i32
        %get3A_687 = arith.index_cast %add3A_686 : i32 to index
        %get3A_688 = arith.constant 16 : index
        %get3A_689 = tpu.vector_load %arg10[%get3A_687, %get3A_688] {strides = array<i32>} : memref<200x64xf32, #tpu.memory_space<vmem>>, vector<1x16xf32>,
        %get3A_690 = vector.shape_cast %get3A_689 : vector<1x16xf32> to vector<16xf32>
        %add3A_691 = arith.constant 6 : i32
        %add3A_692 = arith.addi %mul3A_335, %add3A_691 : i32
        %get3A_693 = arith.index_cast %add3A_692 : i32 to index
        %get3A_694 = arith.constant 16 : index
        %get3A_695 = tpu.vector_load %arg7[%get3A_693, %get3A_694] {strides = array<i32>} : memref<200x64xf32, #tpu.memory_space<vmem>>, vector<1x16xf32>,
        %get3A_696 = vector.shape_cast %get3A_695 : vector<1x16xf32> to vector<16xf32>
        %mul3A_697 = arith.mulf %get3A_690, %get3A_696 : vector<16xf32>
        %add3A_698 = arith.addf %add3A_642, %mul3A_697 : vector<16xf32>
        %add3A_699 = arith.constant 6 : i32
        %add3A_700 = arith.addi %mul3A_335, %add3A_699 : i32
        %get3A_701 = arith.index_cast %add3A_700 : i32 to index
        %get3A_702 = arith.constant 32 : index
        %get3A_703 = tpu.vector_load %arg10[%get3A_701, %get3A_702] {strides = array<i32>} : memref<200x64xf32, #tpu.memory_space<vmem>>, vector<1x16xf32>,
        %get3A_704 = vector.shape_cast %get3A_703 : vector<1x16xf32> to vector<16xf32>
        %add3A_705 = arith.constant 6 : i32
        %add3A_706 = arith.addi %mul3A_335, %add3A_705 : i32
        %get3A_707 = arith.index_cast %add3A_706 : i32 to index
        %get3A_708 = arith.constant 32 : index
        %get3A_709 = tpu.vector_load %arg7[%get3A_707, %get3A_708] {strides = array<i32>} : memref<200x64xf32, #tpu.memory_space<vmem>>, vector<1x16xf32>,
        %get3A_710 = vector.shape_cast %get3A_709 : vector<1x16xf32> to vector<16xf32>
        %mul3A_711 = arith.mulf %get3A_704, %get3A_710 : vector<16xf32>
        %add3A_712 = arith.addf %add3A_656, %mul3A_711 : vector<16xf32>
        %add3A_713 = arith.constant 6 : i32
        %add3A_714 = arith.addi %mul3A_335, %add3A_713 : i32
        %get3A_715 = arith.index_cast %add3A_714 : i32 to index
        %get3A_716 = arith.constant 48 : index
        %get3A_717 = tpu.vector_load %arg10[%get3A_715, %get3A_716] {strides = array<i32>} : memref<200x64xf32, #tpu.memory_space<vmem>>, vector<1x16xf32>,
        %get3A_718 = vector.shape_cast %get3A_717 : vector<1x16xf32> to vector<16xf32>
        %add3A_719 = arith.constant 6 : i32
        %add3A_720 = arith.addi %mul3A_335, %add3A_719 : i32
        %get3A_721 = arith.index_cast %add3A_720 : i32 to index
        %get3A_722 = arith.constant 48 : index
        %get3A_723 = tpu.vector_load %arg7[%get3A_721, %get3A_722] {strides = array<i32>} : memref<200x64xf32, #tpu.memory_space<vmem>>, vector<1x16xf32>,
        %get3A_724 = vector.shape_cast %get3A_723 : vector<1x16xf32> to vector<16xf32>
        %mul3A_725 = arith.mulf %get3A_718, %get3A_724 : vector<16xf32>
        %add3A_726 = arith.addf %add3A_670, %mul3A_725 : vector<16xf32>
        %add3A_727 = arith.constant 7 : i32
        %add3A_728 = arith.addi %mul3A_335, %add3A_727 : i32
        %get3A_729 = arith.index_cast %add3A_728 : i32 to index
        %get3A_730 = arith.constant 0 : index
        %get3A_731 = tpu.vector_load %arg10[%get3A_729, %get3A_730] {strides = array<i32>} : memref<200x64xf32, #tpu.memory_space<vmem>>, vector<1x16xf32>,
        %get3A_732 = vector.shape_cast %get3A_731 : vector<1x16xf32> to vector<16xf32>
        %add3A_733 = arith.constant 7 : i32
        %add3A_734 = arith.addi %mul3A_335, %add3A_733 : i32
        %get3A_735 = arith.index_cast %add3A_734 : i32 to index
        %get3A_736 = arith.constant 0 : index
        %get3A_737 = tpu.vector_load %arg7[%get3A_735, %get3A_736] {strides = array<i32>} : memref<200x64xf32, #tpu.memory_space<vmem>>, vector<1x16xf32>,
        %get3A_738 = vector.shape_cast %get3A_737 : vector<1x16xf32> to vector<16xf32>
        %mul3A_739 = arith.mulf %get3A_732, %get3A_738 : vector<16xf32>
        %add3A_740 = arith.addf %add3A_684, %mul3A_739 : vector<16xf32>
        %add3A_741 = arith.constant 7 : i32
        %add3A_742 = arith.addi %mul3A_335, %add3A_741 : i32
        %get3A_743 = arith.index_cast %add3A_742 : i32 to index
        %get3A_744 = arith.constant 16 : index
        %get3A_745 = tpu.vector_load %arg10[%get3A_743, %get3A_744] {strides = array<i32>} : memref<200x64xf32, #tpu.memory_space<vmem>>, vector<1x16xf32>,
        %get3A_746 = vector.shape_cast %get3A_745 : vector<1x16xf32> to vector<16xf32>
        %add3A_747 = arith.constant 7 : i32
        %add3A_748 = arith.addi %mul3A_335, %add3A_747 : i32
        %get3A_749 = arith.index_cast %add3A_748 : i32 to index
        %get3A_750 = arith.constant 16 : index
        %get3A_751 = tpu.vector_load %arg7[%get3A_749, %get3A_750] {strides = array<i32>} : memref<200x64xf32, #tpu.memory_space<vmem>>, vector<1x16xf32>,
        %get3A_752 = vector.shape_cast %get3A_751 : vector<1x16xf32> to vector<16xf32>
        %mul3A_753 = arith.mulf %get3A_746, %get3A_752 : vector<16xf32>
        %add3A_754 = arith.addf %add3A_698, %mul3A_753 : vector<16xf32>
        %add3A_755 = arith.constant 7 : i32
        %add3A_756 = arith.addi %mul3A_335, %add3A_755 : i32
        %get3A_757 = arith.index_cast %add3A_756 : i32 to index
        %get3A_758 = arith.constant 32 : index
        %get3A_759 = tpu.vector_load %arg10[%get3A_757, %get3A_758] {strides = array<i32>} : memref<200x64xf32, #tpu.memory_space<vmem>>, vector<1x16xf32>,
        %get3A_760 = vector.shape_cast %get3A_759 : vector<1x16xf32> to vector<16xf32>
        %add3A_761 = arith.constant 7 : i32
        %add3A_762 = arith.addi %mul3A_335, %add3A_761 : i32
        %get3A_763 = arith.index_cast %add3A_762 : i32 to index
        %get3A_764 = arith.constant 32 : index
        %get3A_765 = tpu.vector_load %arg7[%get3A_763, %get3A_764] {strides = array<i32>} : memref<200x64xf32, #tpu.memory_space<vmem>>, vector<1x16xf32>,
        %get3A_766 = vector.shape_cast %get3A_765 : vector<1x16xf32> to vector<16xf32>
        %mul3A_767 = arith.mulf %get3A_760, %get3A_766 : vector<16xf32>
        %add3A_768 = arith.addf %add3A_712, %mul3A_767 : vector<16xf32>
        %add3A_769 = arith.constant 7 : i32
        %add3A_770 = arith.addi %mul3A_335, %add3A_769 : i32
        %get3A_771 = arith.index_cast %add3A_770 : i32 to index
        %get3A_772 = arith.constant 48 : index
        %get3A_773 = tpu.vector_load %arg10[%get3A_771, %get3A_772] {strides = array<i32>} : memref<200x64xf32, #tpu.memory_space<vmem>>, vector<1x16xf32>,
        %get3A_774 = vector.shape_cast %get3A_773 : vector<1x16xf32> to vector<16xf32>
        %add3A_775 = arith.constant 7 : i32
        %add3A_776 = arith.addi %mul3A_335, %add3A_775 : i32
        %get3A_777 = arith.index_cast %add3A_776 : i32 to index
        %get3A_778 = arith.constant 48 : index
        %get3A_779 = tpu.vector_load %arg7[%get3A_777, %get3A_778] {strides = array<i32>} : memref<200x64xf32, #tpu.memory_space<vmem>>, vector<1x16xf32>,
        %get3A_780 = vector.shape_cast %get3A_779 : vector<1x16xf32> to vector<16xf32>
        %mul3A_781 = arith.mulf %get3A_774, %get3A_780 : vector<16xf32>
        %add3A_782 = arith.addf %add3A_726, %mul3A_781 : vector<16xf32>
        scf.yield %add3A_740, %add3A_754, %add3A_768, %add3A_782 : vector<16xf32>, vector<16xf32>, vector<16xf32>, vector<16xf32>
      }
      %scan3A_232 = arith.constant 25 : i32
      %swap3A_233 = arith.index_cast %add3A_198 : i32 to index
      %swap3A_234 = arith.constant 0 : index
      %swap3A_235 = tpu.vector_load %arg12[%swap3A_233, %swap3A_234] {strides = array<i32>} : memref<128x64xf32, #tpu.memory_space<vmem>>, vector<1x16xf32>,
      %swap3A_236 = vector.shape_cast %swap3A_235 : vector<1x16xf32> to vector<16xf32>
      %swap3A_237 = vector.shape_cast %scan3A_231#0 : vector<16xf32> to vector<1x16xf32>
      tpu.vector_store %arg12[%swap3A_233, %swap3A_234], %swap3A_237 {strides = array<i32>} : memref<128x64xf32, #tpu.memory_space<vmem>>, vector<1x16xf32>,
      %swap3A_238 = arith.index_cast %add3A_198 : i32 to index
      %swap3A_239 = arith.constant 16 : index
      %swap3A_240 = tpu.vector_load %arg12[%swap3A_238, %swap3A_239] {strides = array<i32>} : memref<128x64xf32, #tpu.memory_space<vmem>>, vector<1x16xf32>,
      %swap3A_241 = vector.shape_cast %swap3A_240 : vector<1x16xf32> to vector<16xf32>
      %swap3A_242 = vector.shape_cast %scan3A_231#1 : vector<16xf32> to vector<1x16xf32>
      tpu.vector_store %arg12[%swap3A_238, %swap3A_239], %swap3A_242 {strides = array<i32>} : memref<128x64xf32, #tpu.memory_space<vmem>>, vector<1x16xf32>,
      %swap3A_243 = arith.index_cast %add3A_198 : i32 to index
      %swap3A_244 = arith.constant 32 : index
      %swap3A_245 = tpu.vector_load %arg12[%swap3A_243, %swap3A_244] {strides = array<i32>} : memref<128x64xf32, #tpu.memory_space<vmem>>, vector<1x16xf32>,
      %swap3A_246 = vector.shape_cast %swap3A_245 : vector<1x16xf32> to vector<16xf32>
      %swap3A_247 = vector.shape_cast %scan3A_231#2 : vector<16xf32> to vector<1x16xf32>
      tpu.vector_store %arg12[%swap3A_243, %swap3A_244], %swap3A_247 {strides = array<i32>} : memref<128x64xf32, #tpu.memory_space<vmem>>, vector<1x16xf32>,
      %swap3A_248 = arith.index_cast %add3A_198 : i32 to index
      %swap3A_249 = arith.constant 48 : index
      %swap3A_250 = tpu.vector_load %arg12[%swap3A_248, %swap3A_249] {strides = array<i32>} : memref<128x64xf32, #tpu.memory_space<vmem>>, vector<1x16xf32>,
      %swap3A_251 = vector.shape_cast %swap3A_250 : vector<1x16xf32> to vector<16xf32>
      %swap3A_252 = vector.shape_cast %scan3A_231#3 : vector<16xf32> to vector<1x16xf32>
      tpu.vector_store %arg12[%swap3A_248, %swap3A_249], %swap3A_252 {strides = array<i32>} : memref<128x64xf32, #tpu.memory_space<vmem>>, vector<1x16xf32>,
      %add3A_253 = arith.constant 4 : i32
      %add3A_254 = arith.addi %add3A_198, %add3A_253 : i32
      %sub3A_255 = arith.constant 1 : i32
      %sub3A_256 = arith.subi %add3A_254, %sub3A_255 : i32
      %lt3A_257 = arith.constant 128 : i32
      %lt3A_258 = arith.cmpi slt, %sub3A_256, %lt3A_257 : i32
      %convert_element_type3A_259 = arith.extui %lt3A_258 : i1 to i32
      %cond3A_260 = arith.constant 0 : i32
      %cond3A_261 = arith.cmpi ne, %convert_element_type3A_259, %cond3A_260 : i32
      scf.if %cond3A_261 {
        %add3A_329 = arith.constant 4 : i32
        %add3A_330 = arith.addi %add3A_198, %add3A_329 : i32
        %sub3A_331 = arith.constant 1 : i32
        %sub3A_332 = arith.subi %add3A_330, %sub3A_331 : i32
        %dma_start3A_333 = arith.constant 0 : i32
        %dma_start3A_334 = arith.constant 0 : i32
        %dma_start3A_335 = tpu.memref_slice %arg9[%dma_start3A_333, %dma_start3A_334] : memref<200x64xf32, #tpu.memory_space<vmem>> -> memref<104x64xf32, #tpu.memory_space<vmem>>
        %dma_start3A_336 = arith.constant 0 : i32
        %dma_start3A_337 = tpu.memref_slice %arg6[%sub3A_332, %dma_start3A_336] : memref<128x200xi32, #tpu.memory_space<vmem>> -> memref<1x104xi32, #tpu.memory_space<vmem>>
        %dma_start3A_338 = tpu.memref_squeeze %dma_start3A_337 : memref<1x104xi32, #tpu.memory_space<vmem>> -> memref<104xi32, #tpu.memory_space<vmem>>
        %dma_start3A_339 = arith.constant 0 : i32
        %dma_start3A_340 = arith.constant 0 : i32
        %dma_start3A_341 = tpu.memref_slice %arg3[%dma_start3A_339, %dma_start3A_340] : memref<1000000x64xf32, #tpu.memory_space<hbm>> -> memref<1000000x64xf32, #tpu.memory_space<hbm>>
        tpu.enqueue_indirect_dma source(%dma_start3A_341 : memref<1000000x64xf32, #tpu.memory_space<hbm>>) target(%dma_start3A_335 : memref<104x64xf32, #tpu.memory_space<vmem>>) offsets(%dma_start3A_338 : memref<104xi32, #tpu.memory_space<vmem>>) semaphore(%arg14 : memref<!tpu.dma_semaphore, #tpu.memory_space<semaphore_mem>>)
        %dma_start3A_342 = arith.constant 104 : i32
        %dma_start3A_343 = arith.constant 0 : i32
        %dma_start3A_344 = tpu.memref_slice %arg9[%dma_start3A_342, %dma_start3A_343] : memref<200x64xf32, #tpu.memory_space<vmem>> -> memref<96x64xf32, #tpu.memory_space<vmem>>
        %dma_start3A_345 = arith.constant 104 : i32
        %dma_start3A_346 = tpu.memref_slice %arg6[%sub3A_332, %dma_start3A_345] : memref<128x200xi32, #tpu.memory_space<vmem>> -> memref<1x96xi32, #tpu.memory_space<vmem>>
        %dma_start3A_347 = tpu.memref_squeeze %dma_start3A_346 : memref<1x96xi32, #tpu.memory_space<vmem>> -> memref<96xi32, #tpu.memory_space<vmem>>
        %dma_start3A_348 = arith.constant 0 : i32
        %dma_start3A_349 = arith.constant 0 : i32
        %dma_start3A_350 = tpu.memref_slice %arg3[%dma_start3A_348, %dma_start3A_349] : memref<1000000x64xf32, #tpu.memory_space<hbm>> -> memref<1000000x64xf32, #tpu.memory_space<hbm>>
        tpu.enqueue_indirect_dma source(%dma_start3A_350 : memref<1000000x64xf32, #tpu.memory_space<hbm>>) target(%dma_start3A_344 : memref<96x64xf32, #tpu.memory_space<vmem>>) offsets(%dma_start3A_347 : memref<96xi32, #tpu.memory_space<vmem>>) semaphore(%arg14 : memref<!tpu.dma_semaphore, #tpu.memory_space<semaphore_mem>>)
      } else {
      }
      %mul3A_262 = arith.constant 4 : i32
      %mul3A_263 = arith.muli %mul3A_262, %scan3A_67 : i32
      %add3A_264 = arith.constant 3 : i32
      %add3A_265 = arith.addi %mul3A_263, %add3A_264 : i32
      %dma_wait3A_266 = arith.constant 0 : i32
      %dma_wait3A_267 = arith.constant 0 : i32
      %dma_wait3A_268 = arith.constant 0 : i32
      %dma_wait3A_269 = tpu.memref_slice %arg11[%dma_wait3A_267, %dma_wait3A_268] : memref<200x64xf32, #tpu.memory_space<vmem>> -> memref<104x64xf32, #tpu.memory_space<vmem>>
      %dma_wait3A_270 = arith.constant 0 : i32
      %dma_wait3A_271 = tpu.memref_slice %arg6[%dma_wait3A_266, %dma_wait3A_270] : memref<128x200xi32, #tpu.memory_space<vmem>> -> memref<1x104xi32, #tpu.memory_space<vmem>>
      %dma_wait3A_272 = tpu.memref_squeeze %dma_wait3A_271 : memref<1x104xi32, #tpu.memory_space<vmem>> -> memref<104xi32, #tpu.memory_space<vmem>>
      %dma_wait3A_273 = arith.constant 0 : i32
      %dma_wait3A_274 = arith.constant 0 : i32
      %dma_wait3A_275 = tpu.memref_slice %arg3[%dma_wait3A_273, %dma_wait3A_274] : memref<1000000x64xf32, #tpu.memory_space<hbm>> -> memref<1000000x64xf32, #tpu.memory_space<hbm>>
      tpu.wait_indirect_dma semaphore(%arg16 : memref<!tpu.dma_semaphore, #tpu.memory_space<semaphore_mem>>) src(%dma_wait3A_275 : memref<1000000x64xf32, #tpu.memory_space<hbm>>) dst(%dma_wait3A_269 : memref<104x64xf32, #tpu.memory_space<vmem>>)
      %dma_wait3A_276 = arith.constant 0 : i32
      %dma_wait3A_277 = arith.constant 104 : i32
      %dma_wait3A_278 = arith.constant 0 : i32
      %dma_wait3A_279 = tpu.memref_slice %arg11[%dma_wait3A_277, %dma_wait3A_278] : memref<200x64xf32, #tpu.memory_space<vmem>> -> memref<96x64xf32, #tpu.memory_space<vmem>>
      %dma_wait3A_280 = arith.constant 104 : i32
      %dma_wait3A_281 = tpu.memref_slice %arg6[%dma_wait3A_276, %dma_wait3A_280] : memref<128x200xi32, #tpu.memory_space<vmem>> -> memref<1x96xi32, #tpu.memory_space<vmem>>
      %dma_wait3A_282 = tpu.memref_squeeze %dma_wait3A_281 : memref<1x96xi32, #tpu.memory_space<vmem>> -> memref<96xi32, #tpu.memory_space<vmem>>
      %dma_wait3A_283 = arith.constant 0 : i32
      %dma_wait3A_284 = arith.constant 0 : i32
      %dma_wait3A_285 = tpu.memref_slice %arg3[%dma_wait3A_283, %dma_wait3A_284] : memref<1000000x64xf32, #tpu.memory_space<hbm>> -> memref<1000000x64xf32, #tpu.memory_space<hbm>>
      tpu.wait_indirect_dma semaphore(%arg16 : memref<!tpu.dma_semaphore, #tpu.memory_space<semaphore_mem>>) src(%dma_wait3A_285 : memref<1000000x64xf32, #tpu.memory_space<hbm>>) dst(%dma_wait3A_279 : memref<96x64xf32, #tpu.memory_space<vmem>>)
      %broadcast_in_dim3A_286 = arith.constant 0.000000e+00 : f32
      %broadcast_in_dim3A_287 = vector.broadcast %broadcast_in_dim3A_286 : f32 to vector<16xf32>
      %broadcast_in_dim3A_288 = arith.constant 0.000000e+00 : f32
      %broadcast_in_dim3A_289 = vector.broadcast %broadcast_in_dim3A_288 : f32 to vector<16xf32>
      %broadcast_in_dim3A_290 = arith.constant 0.000000e+00 : f32
      %broadcast_in_dim3A_291 = vector.broadcast %broadcast_in_dim3A_290 : f32 to vector<16xf32>
      %broadcast_in_dim3A_292 = arith.constant 0.000000e+00 : f32
      %broadcast_in_dim3A_293 = vector.broadcast %broadcast_in_dim3A_292 : f32 to vector<16xf32>
      %scan3A_294 = arith.constant 0 : i32
      %scan3A_295 = arith.constant 25 : i32
      %scan3A_296 = arith.addi %scan3A_294, %scan3A_295 : i32
      %scan3A_297 = arith.constant 1 : i32
      %scan3A_298:4 = scf.for %scan3A_329 = %scan3A_294 to %scan3A_296 step %scan3A_297 iter_args(%scan3A_330 = %broadcast_in_dim3A_287, %scan3A_331 = %broadcast_in_dim3A_289, %scan3A_332 = %broadcast_in_dim3A_291, %scan3A_333 = %broadcast_in_dim3A_293) -> (vector<16xf32>, vector<16xf32>, vector<16xf32>, vector<16xf32>)  : i32 {
        %mul3A_334 = arith.constant 8 : i32
        %mul3A_335 = arith.muli %scan3A_329, %mul3A_334 : i32
        %add3A_336 = arith.constant 0 : i32
        %add3A_337 = arith.addi %mul3A_335, %add3A_336 : i32
        %get3A = arith.index_cast %add3A_337 : i32 to index
        %get3A_338 = arith.constant 0 : index
        %get3A_339 = tpu.vector_load %arg11[%get3A, %get3A_338] {strides = array<i32>} : memref<200x64xf32, #tpu.memory_space<vmem>>, vector<1x16xf32>,
        %get3A_340 = vector.shape_cast %get3A_339 : vector<1x16xf32> to vector<16xf32>
        %add3A_341 = arith.constant 0 : i32
        %add3A_342 = arith.addi %mul3A_335, %add3A_341 : i32
        %get3A_343 = arith.index_cast %add3A_342 : i32 to index
        %get3A_344 = arith.constant 0 : index
        %get3A_345 = tpu.vector_load %arg7[%get3A_343, %get3A_344] {strides = array<i32>} : memref<200x64xf32, #tpu.memory_space<vmem>>, vector<1x16xf32>,
        %get3A_346 = vector.shape_cast %get3A_345 : vector<1x16xf32> to vector<16xf32>
        %mul3A_347 = arith.mulf %get3A_340, %get3A_346 : vector<16xf32>
        %add3A_348 = arith.addf %scan3A_330, %mul3A_347 : vector<16xf32>
        %add3A_349 = arith.constant 0 : i32
        %add3A_350 = arith.addi %mul3A_335, %add3A_349 : i32
        %get3A_351 = arith.index_cast %add3A_350 : i32 to index
        %get3A_352 = arith.constant 16 : index
        %get3A_353 = tpu.vector_load %arg11[%get3A_351, %get3A_352] {strides = array<i32>} : memref<200x64xf32, #tpu.memory_space<vmem>>, vector<1x16xf32>,
        %get3A_354 = vector.shape_cast %get3A_353 : vector<1x16xf32> to vector<16xf32>
        %add3A_355 = arith.constant 0 : i32
        %add3A_356 = arith.addi %mul3A_335, %add3A_355 : i32
        %get3A_357 = arith.index_cast %add3A_356 : i32 to index
        %get3A_358 = arith.constant 16 : index
        %get3A_359 = tpu.vector_load %arg7[%get3A_357, %get3A_358] {strides = array<i32>} : memref<200x64xf32, #tpu.memory_space<vmem>>, vector<1x16xf32>,
        %get3A_360 = vector.shape_cast %get3A_359 : vector<1x16xf32> to vector<16xf32>
        %mul3A_361 = arith.mulf %get3A_354, %get3A_360 : vector<16xf32>
        %add3A_362 = arith.addf %scan3A_331, %mul3A_361 : vector<16xf32>
        %add3A_363 = arith.constant 0 : i32
        %add3A_364 = arith.addi %mul3A_335, %add3A_363 : i32
        %get3A_365 = arith.index_cast %add3A_364 : i32 to index
        %get3A_366 = arith.constant 32 : index
        %get3A_367 = tpu.vector_load %arg11[%get3A_365, %get3A_366] {strides = array<i32>} : memref<200x64xf32, #tpu.memory_space<vmem>>, vector<1x16xf32>,
        %get3A_368 = vector.shape_cast %get3A_367 : vector<1x16xf32> to vector<16xf32>
        %add3A_369 = arith.constant 0 : i32
        %add3A_370 = arith.addi %mul3A_335, %add3A_369 : i32
        %get3A_371 = arith.index_cast %add3A_370 : i32 to index
        %get3A_372 = arith.constant 32 : index
        %get3A_373 = tpu.vector_load %arg7[%get3A_371, %get3A_372] {strides = array<i32>} : memref<200x64xf32, #tpu.memory_space<vmem>>, vector<1x16xf32>,
        %get3A_374 = vector.shape_cast %get3A_373 : vector<1x16xf32> to vector<16xf32>
        %mul3A_375 = arith.mulf %get3A_368, %get3A_374 : vector<16xf32>
        %add3A_376 = arith.addf %scan3A_332, %mul3A_375 : vector<16xf32>
        %add3A_377 = arith.constant 0 : i32
        %add3A_378 = arith.addi %mul3A_335, %add3A_377 : i32
        %get3A_379 = arith.index_cast %add3A_378 : i32 to index
        %get3A_380 = arith.constant 48 : index
        %get3A_381 = tpu.vector_load %arg11[%get3A_379, %get3A_380] {strides = array<i32>} : memref<200x64xf32, #tpu.memory_space<vmem>>, vector<1x16xf32>,
        %get3A_382 = vector.shape_cast %get3A_381 : vector<1x16xf32> to vector<16xf32>
        %add3A_383 = arith.constant 0 : i32
        %add3A_384 = arith.addi %mul3A_335, %add3A_383 : i32
        %get3A_385 = arith.index_cast %add3A_384 : i32 to index
        %get3A_386 = arith.constant 48 : index
        %get3A_387 = tpu.vector_load %arg7[%get3A_385, %get3A_386] {strides = array<i32>} : memref<200x64xf32, #tpu.memory_space<vmem>>, vector<1x16xf32>,
        %get3A_388 = vector.shape_cast %get3A_387 : vector<1x16xf32> to vector<16xf32>
        %mul3A_389 = arith.mulf %get3A_382, %get3A_388 : vector<16xf32>
        %add3A_390 = arith.addf %scan3A_333, %mul3A_389 : vector<16xf32>
        %add3A_391 = arith.constant 1 : i32
        %add3A_392 = arith.addi %mul3A_335, %add3A_391 : i32
        %get3A_393 = arith.index_cast %add3A_392 : i32 to index
        %get3A_394 = arith.constant 0 : index
        %get3A_395 = tpu.vector_load %arg11[%get3A_393, %get3A_394] {strides = array<i32>} : memref<200x64xf32, #tpu.memory_space<vmem>>, vector<1x16xf32>,
        %get3A_396 = vector.shape_cast %get3A_395 : vector<1x16xf32> to vector<16xf32>
        %add3A_397 = arith.constant 1 : i32
        %add3A_398 = arith.addi %mul3A_335, %add3A_397 : i32
        %get3A_399 = arith.index_cast %add3A_398 : i32 to index
        %get3A_400 = arith.constant 0 : index
        %get3A_401 = tpu.vector_load %arg7[%get3A_399, %get3A_400] {strides = array<i32>} : memref<200x64xf32, #tpu.memory_space<vmem>>, vector<1x16xf32>,
        %get3A_402 = vector.shape_cast %get3A_401 : vector<1x16xf32> to vector<16xf32>
        %mul3A_403 = arith.mulf %get3A_396, %get3A_402 : vector<16xf32>
        %add3A_404 = arith.addf %add3A_348, %mul3A_403 : vector<16xf32>
        %add3A_405 = arith.constant 1 : i32
        %add3A_406 = arith.addi %mul3A_335, %add3A_405 : i32
        %get3A_407 = arith.index_cast %add3A_406 : i32 to index
        %get3A_408 = arith.constant 16 : index
        %get3A_409 = tpu.vector_load %arg11[%get3A_407, %get3A_408] {strides = array<i32>} : memref<200x64xf32, #tpu.memory_space<vmem>>, vector<1x16xf32>,
        %get3A_410 = vector.shape_cast %get3A_409 : vector<1x16xf32> to vector<16xf32>
        %add3A_411 = arith.constant 1 : i32
        %add3A_412 = arith.addi %mul3A_335, %add3A_411 : i32
        %get3A_413 = arith.index_cast %add3A_412 : i32 to index
        %get3A_414 = arith.constant 16 : index
        %get3A_415 = tpu.vector_load %arg7[%get3A_413, %get3A_414] {strides = array<i32>} : memref<200x64xf32, #tpu.memory_space<vmem>>, vector<1x16xf32>,
        %get3A_416 = vector.shape_cast %get3A_415 : vector<1x16xf32> to vector<16xf32>
        %mul3A_417 = arith.mulf %get3A_410, %get3A_416 : vector<16xf32>
        %add3A_418 = arith.addf %add3A_362, %mul3A_417 : vector<16xf32>
        %add3A_419 = arith.constant 1 : i32
        %add3A_420 = arith.addi %mul3A_335, %add3A_419 : i32
        %get3A_421 = arith.index_cast %add3A_420 : i32 to index
        %get3A_422 = arith.constant 32 : index
        %get3A_423 = tpu.vector_load %arg11[%get3A_421, %get3A_422] {strides = array<i32>} : memref<200x64xf32, #tpu.memory_space<vmem>>, vector<1x16xf32>,
        %get3A_424 = vector.shape_cast %get3A_423 : vector<1x16xf32> to vector<16xf32>
        %add3A_425 = arith.constant 1 : i32
        %add3A_426 = arith.addi %mul3A_335, %add3A_425 : i32
        %get3A_427 = arith.index_cast %add3A_426 : i32 to index
        %get3A_428 = arith.constant 32 : index
        %get3A_429 = tpu.vector_load %arg7[%get3A_427, %get3A_428] {strides = array<i32>} : memref<200x64xf32, #tpu.memory_space<vmem>>, vector<1x16xf32>,
        %get3A_430 = vector.shape_cast %get3A_429 : vector<1x16xf32> to vector<16xf32>
        %mul3A_431 = arith.mulf %get3A_424, %get3A_430 : vector<16xf32>
        %add3A_432 = arith.addf %add3A_376, %mul3A_431 : vector<16xf32>
        %add3A_433 = arith.constant 1 : i32
        %add3A_434 = arith.addi %mul3A_335, %add3A_433 : i32
        %get3A_435 = arith.index_cast %add3A_434 : i32 to index
        %get3A_436 = arith.constant 48 : index
        %get3A_437 = tpu.vector_load %arg11[%get3A_435, %get3A_436] {strides = array<i32>} : memref<200x64xf32, #tpu.memory_space<vmem>>, vector<1x16xf32>,
        %get3A_438 = vector.shape_cast %get3A_437 : vector<1x16xf32> to vector<16xf32>
        %add3A_439 = arith.constant 1 : i32
        %add3A_440 = arith.addi %mul3A_335, %add3A_439 : i32
        %get3A_441 = arith.index_cast %add3A_440 : i32 to index
        %get3A_442 = arith.constant 48 : index
        %get3A_443 = tpu.vector_load %arg7[%get3A_441, %get3A_442] {strides = array<i32>} : memref<200x64xf32, #tpu.memory_space<vmem>>, vector<1x16xf32>,
        %get3A_444 = vector.shape_cast %get3A_443 : vector<1x16xf32> to vector<16xf32>
        %mul3A_445 = arith.mulf %get3A_438, %get3A_444 : vector<16xf32>
        %add3A_446 = arith.addf %add3A_390, %mul3A_445 : vector<16xf32>
        %add3A_447 = arith.constant 2 : i32
        %add3A_448 = arith.addi %mul3A_335, %add3A_447 : i32
        %get3A_449 = arith.index_cast %add3A_448 : i32 to index
        %get3A_450 = arith.constant 0 : index
        %get3A_451 = tpu.vector_load %arg11[%get3A_449, %get3A_450] {strides = array<i32>} : memref<200x64xf32, #tpu.memory_space<vmem>>, vector<1x16xf32>,
        %get3A_452 = vector.shape_cast %get3A_451 : vector<1x16xf32> to vector<16xf32>
        %add3A_453 = arith.constant 2 : i32
        %add3A_454 = arith.addi %mul3A_335, %add3A_453 : i32
        %get3A_455 = arith.index_cast %add3A_454 : i32 to index
        %get3A_456 = arith.constant 0 : index
        %get3A_457 = tpu.vector_load %arg7[%get3A_455, %get3A_456] {strides = array<i32>} : memref<200x64xf32, #tpu.memory_space<vmem>>, vector<1x16xf32>,
        %get3A_458 = vector.shape_cast %get3A_457 : vector<1x16xf32> to vector<16xf32>
        %mul3A_459 = arith.mulf %get3A_452, %get3A_458 : vector<16xf32>
        %add3A_460 = arith.addf %add3A_404, %mul3A_459 : vector<16xf32>
        %add3A_461 = arith.constant 2 : i32
        %add3A_462 = arith.addi %mul3A_335, %add3A_461 : i32
        %get3A_463 = arith.index_cast %add3A_462 : i32 to index
        %get3A_464 = arith.constant 16 : index
        %get3A_465 = tpu.vector_load %arg11[%get3A_463, %get3A_464] {strides = array<i32>} : memref<200x64xf32, #tpu.memory_space<vmem>>, vector<1x16xf32>,
        %get3A_466 = vector.shape_cast %get3A_465 : vector<1x16xf32> to vector<16xf32>
        %add3A_467 = arith.constant 2 : i32
        %add3A_468 = arith.addi %mul3A_335, %add3A_467 : i32
        %get3A_469 = arith.index_cast %add3A_468 : i32 to index
        %get3A_470 = arith.constant 16 : index
        %get3A_471 = tpu.vector_load %arg7[%get3A_469, %get3A_470] {strides = array<i32>} : memref<200x64xf32, #tpu.memory_space<vmem>>, vector<1x16xf32>,
        %get3A_472 = vector.shape_cast %get3A_471 : vector<1x16xf32> to vector<16xf32>
        %mul3A_473 = arith.mulf %get3A_466, %get3A_472 : vector<16xf32>
        %add3A_474 = arith.addf %add3A_418, %mul3A_473 : vector<16xf32>
        %add3A_475 = arith.constant 2 : i32
        %add3A_476 = arith.addi %mul3A_335, %add3A_475 : i32
        %get3A_477 = arith.index_cast %add3A_476 : i32 to index
        %get3A_478 = arith.constant 32 : index
        %get3A_479 = tpu.vector_load %arg11[%get3A_477, %get3A_478] {strides = array<i32>} : memref<200x64xf32, #tpu.memory_space<vmem>>, vector<1x16xf32>,
        %get3A_480 = vector.shape_cast %get3A_479 : vector<1x16xf32> to vector<16xf32>
        %add3A_481 = arith.constant 2 : i32
        %add3A_482 = arith.addi %mul3A_335, %add3A_481 : i32
        %get3A_483 = arith.index_cast %add3A_482 : i32 to index
        %get3A_484 = arith.constant 32 : index
        %get3A_485 = tpu.vector_load %arg7[%get3A_483, %get3A_484] {strides = array<i32>} : memref<200x64xf32, #tpu.memory_space<vmem>>, vector<1x16xf32>,
        %get3A_486 = vector.shape_cast %get3A_485 : vector<1x16xf32> to vector<16xf32>
        %mul3A_487 = arith.mulf %get3A_480, %get3A_486 : vector<16xf32>
        %add3A_488 = arith.addf %add3A_432, %mul3A_487 : vector<16xf32>
        %add3A_489 = arith.constant 2 : i32
        %add3A_490 = arith.addi %mul3A_335, %add3A_489 : i32
        %get3A_491 = arith.index_cast %add3A_490 : i32 to index
        %get3A_492 = arith.constant 48 : index
        %get3A_493 = tpu.vector_load %arg11[%get3A_491, %get3A_492] {strides = array<i32>} : memref<200x64xf32, #tpu.memory_space<vmem>>, vector<1x16xf32>,
        %get3A_494 = vector.shape_cast %get3A_493 : vector<1x16xf32> to vector<16xf32>
        %add3A_495 = arith.constant 2 : i32
        %add3A_496 = arith.addi %mul3A_335, %add3A_495 : i32
        %get3A_497 = arith.index_cast %add3A_496 : i32 to index
        %get3A_498 = arith.constant 48 : index
        %get3A_499 = tpu.vector_load %arg7[%get3A_497, %get3A_498] {strides = array<i32>} : memref<200x64xf32, #tpu.memory_space<vmem>>, vector<1x16xf32>,
        %get3A_500 = vector.shape_cast %get3A_499 : vector<1x16xf32> to vector<16xf32>
        %mul3A_501 = arith.mulf %get3A_494, %get3A_500 : vector<16xf32>
        %add3A_502 = arith.addf %add3A_446, %mul3A_501 : vector<16xf32>
        %add3A_503 = arith.constant 3 : i32
        %add3A_504 = arith.addi %mul3A_335, %add3A_503 : i32
        %get3A_505 = arith.index_cast %add3A_504 : i32 to index
        %get3A_506 = arith.constant 0 : index
        %get3A_507 = tpu.vector_load %arg11[%get3A_505, %get3A_506] {strides = array<i32>} : memref<200x64xf32, #tpu.memory_space<vmem>>, vector<1x16xf32>,
        %get3A_508 = vector.shape_cast %get3A_507 : vector<1x16xf32> to vector<16xf32>
        %add3A_509 = arith.constant 3 : i32
        %add3A_510 = arith.addi %mul3A_335, %add3A_509 : i32
        %get3A_511 = arith.index_cast %add3A_510 : i32 to index
        %get3A_512 = arith.constant 0 : index
        %get3A_513 = tpu.vector_load %arg7[%get3A_511, %get3A_512] {strides = array<i32>} : memref<200x64xf32, #tpu.memory_space<vmem>>, vector<1x16xf32>,
        %get3A_514 = vector.shape_cast %get3A_513 : vector<1x16xf32> to vector<16xf32>
        %mul3A_515 = arith.mulf %get3A_508, %get3A_514 : vector<16xf32>
        %add3A_516 = arith.addf %add3A_460, %mul3A_515 : vector<16xf32>
        %add3A_517 = arith.constant 3 : i32
        %add3A_518 = arith.addi %mul3A_335, %add3A_517 : i32
        %get3A_519 = arith.index_cast %add3A_518 : i32 to index
        %get3A_520 = arith.constant 16 : index
        %get3A_521 = tpu.vector_load %arg11[%get3A_519, %get3A_520] {strides = array<i32>} : memref<200x64xf32, #tpu.memory_space<vmem>>, vector<1x16xf32>,
        %get3A_522 = vector.shape_cast %get3A_521 : vector<1x16xf32> to vector<16xf32>
        %add3A_523 = arith.constant 3 : i32
        %add3A_524 = arith.addi %mul3A_335, %add3A_523 : i32
        %get3A_525 = arith.index_cast %add3A_524 : i32 to index
        %get3A_526 = arith.constant 16 : index
        %get3A_527 = tpu.vector_load %arg7[%get3A_525, %get3A_526] {strides = array<i32>} : memref<200x64xf32, #tpu.memory_space<vmem>>, vector<1x16xf32>,
        %get3A_528 = vector.shape_cast %get3A_527 : vector<1x16xf32> to vector<16xf32>
        %mul3A_529 = arith.mulf %get3A_522, %get3A_528 : vector<16xf32>
        %add3A_530 = arith.addf %add3A_474, %mul3A_529 : vector<16xf32>
        %add3A_531 = arith.constant 3 : i32
        %add3A_532 = arith.addi %mul3A_335, %add3A_531 : i32
        %get3A_533 = arith.index_cast %add3A_532 : i32 to index
        %get3A_534 = arith.constant 32 : index
        %get3A_535 = tpu.vector_load %arg11[%get3A_533, %get3A_534] {strides = array<i32>} : memref<200x64xf32, #tpu.memory_space<vmem>>, vector<1x16xf32>,
        %get3A_536 = vector.shape_cast %get3A_535 : vector<1x16xf32> to vector<16xf32>
        %add3A_537 = arith.constant 3 : i32
        %add3A_538 = arith.addi %mul3A_335, %add3A_537 : i32
        %get3A_539 = arith.index_cast %add3A_538 : i32 to index
        %get3A_540 = arith.constant 32 : index
        %get3A_541 = tpu.vector_load %arg7[%get3A_539, %get3A_540] {strides = array<i32>} : memref<200x64xf32, #tpu.memory_space<vmem>>, vector<1x16xf32>,
        %get3A_542 = vector.shape_cast %get3A_541 : vector<1x16xf32> to vector<16xf32>
        %mul3A_543 = arith.mulf %get3A_536, %get3A_542 : vector<16xf32>
        %add3A_544 = arith.addf %add3A_488, %mul3A_543 : vector<16xf32>
        %add3A_545 = arith.constant 3 : i32
        %add3A_546 = arith.addi %mul3A_335, %add3A_545 : i32
        %get3A_547 = arith.index_cast %add3A_546 : i32 to index
        %get3A_548 = arith.constant 48 : index
        %get3A_549 = tpu.vector_load %arg11[%get3A_547, %get3A_548] {strides = array<i32>} : memref<200x64xf32, #tpu.memory_space<vmem>>, vector<1x16xf32>,
        %get3A_550 = vector.shape_cast %get3A_549 : vector<1x16xf32> to vector<16xf32>
        %add3A_551 = arith.constant 3 : i32
        %add3A_552 = arith.addi %mul3A_335, %add3A_551 : i32
        %get3A_553 = arith.index_cast %add3A_552 : i32 to index
        %get3A_554 = arith.constant 48 : index
        %get3A_555 = tpu.vector_load %arg7[%get3A_553, %get3A_554] {strides = array<i32>} : memref<200x64xf32, #tpu.memory_space<vmem>>, vector<1x16xf32>,
        %get3A_556 = vector.shape_cast %get3A_555 : vector<1x16xf32> to vector<16xf32>
        %mul3A_557 = arith.mulf %get3A_550, %get3A_556 : vector<16xf32>
        %add3A_558 = arith.addf %add3A_502, %mul3A_557 : vector<16xf32>
        %add3A_559 = arith.constant 4 : i32
        %add3A_560 = arith.addi %mul3A_335, %add3A_559 : i32
        %get3A_561 = arith.index_cast %add3A_560 : i32 to index
        %get3A_562 = arith.constant 0 : index
        %get3A_563 = tpu.vector_load %arg11[%get3A_561, %get3A_562] {strides = array<i32>} : memref<200x64xf32, #tpu.memory_space<vmem>>, vector<1x16xf32>,
        %get3A_564 = vector.shape_cast %get3A_563 : vector<1x16xf32> to vector<16xf32>
        %add3A_565 = arith.constant 4 : i32
        %add3A_566 = arith.addi %mul3A_335, %add3A_565 : i32
        %get3A_567 = arith.index_cast %add3A_566 : i32 to index
        %get3A_568 = arith.constant 0 : index
        %get3A_569 = tpu.vector_load %arg7[%get3A_567, %get3A_568] {strides = array<i32>} : memref<200x64xf32, #tpu.memory_space<vmem>>, vector<1x16xf32>,
        %get3A_570 = vector.shape_cast %get3A_569 : vector<1x16xf32> to vector<16xf32>
        %mul3A_571 = arith.mulf %get3A_564, %get3A_570 : vector<16xf32>
        %add3A_572 = arith.addf %add3A_516, %mul3A_571 : vector<16xf32>
        %add3A_573 = arith.constant 4 : i32
        %add3A_574 = arith.addi %mul3A_335, %add3A_573 : i32
        %get3A_575 = arith.index_cast %add3A_574 : i32 to index
        %get3A_576 = arith.constant 16 : index
        %get3A_577 = tpu.vector_load %arg11[%get3A_575, %get3A_576] {strides = array<i32>} : memref<200x64xf32, #tpu.memory_space<vmem>>, vector<1x16xf32>,
        %get3A_578 = vector.shape_cast %get3A_577 : vector<1x16xf32> to vector<16xf32>
        %add3A_579 = arith.constant 4 : i32
        %add3A_580 = arith.addi %mul3A_335, %add3A_579 : i32
        %get3A_581 = arith.index_cast %add3A_580 : i32 to index
        %get3A_582 = arith.constant 16 : index
        %get3A_583 = tpu.vector_load %arg7[%get3A_581, %get3A_582] {strides = array<i32>} : memref<200x64xf32, #tpu.memory_space<vmem>>, vector<1x16xf32>,
        %get3A_584 = vector.shape_cast %get3A_583 : vector<1x16xf32> to vector<16xf32>
        %mul3A_585 = arith.mulf %get3A_578, %get3A_584 : vector<16xf32>
        %add3A_586 = arith.addf %add3A_530, %mul3A_585 : vector<16xf32>
        %add3A_587 = arith.constant 4 : i32
        %add3A_588 = arith.addi %mul3A_335, %add3A_587 : i32
        %get3A_589 = arith.index_cast %add3A_588 : i32 to index
        %get3A_590 = arith.constant 32 : index
        %get3A_591 = tpu.vector_load %arg11[%get3A_589, %get3A_590] {strides = array<i32>} : memref<200x64xf32, #tpu.memory_space<vmem>>, vector<1x16xf32>,
        %get3A_592 = vector.shape_cast %get3A_591 : vector<1x16xf32> to vector<16xf32>
        %add3A_593 = arith.constant 4 : i32
        %add3A_594 = arith.addi %mul3A_335, %add3A_593 : i32
        %get3A_595 = arith.index_cast %add3A_594 : i32 to index
        %get3A_596 = arith.constant 32 : index
        %get3A_597 = tpu.vector_load %arg7[%get3A_595, %get3A_596] {strides = array<i32>} : memref<200x64xf32, #tpu.memory_space<vmem>>, vector<1x16xf32>,
        %get3A_598 = vector.shape_cast %get3A_597 : vector<1x16xf32> to vector<16xf32>
        %mul3A_599 = arith.mulf %get3A_592, %get3A_598 : vector<16xf32>
        %add3A_600 = arith.addf %add3A_544, %mul3A_599 : vector<16xf32>
        %add3A_601 = arith.constant 4 : i32
        %add3A_602 = arith.addi %mul3A_335, %add3A_601 : i32
        %get3A_603 = arith.index_cast %add3A_602 : i32 to index
        %get3A_604 = arith.constant 48 : index
        %get3A_605 = tpu.vector_load %arg11[%get3A_603, %get3A_604] {strides = array<i32>} : memref<200x64xf32, #tpu.memory_space<vmem>>, vector<1x16xf32>,
        %get3A_606 = vector.shape_cast %get3A_605 : vector<1x16xf32> to vector<16xf32>
        %add3A_607 = arith.constant 4 : i32
        %add3A_608 = arith.addi %mul3A_335, %add3A_607 : i32
        %get3A_609 = arith.index_cast %add3A_608 : i32 to index
        %get3A_610 = arith.constant 48 : index
        %get3A_611 = tpu.vector_load %arg7[%get3A_609, %get3A_610] {strides = array<i32>} : memref<200x64xf32, #tpu.memory_space<vmem>>, vector<1x16xf32>,
        %get3A_612 = vector.shape_cast %get3A_611 : vector<1x16xf32> to vector<16xf32>
        %mul3A_613 = arith.mulf %get3A_606, %get3A_612 : vector<16xf32>
        %add3A_614 = arith.addf %add3A_558, %mul3A_613 : vector<16xf32>
        %add3A_615 = arith.constant 5 : i32
        %add3A_616 = arith.addi %mul3A_335, %add3A_615 : i32
        %get3A_617 = arith.index_cast %add3A_616 : i32 to index
        %get3A_618 = arith.constant 0 : index
        %get3A_619 = tpu.vector_load %arg11[%get3A_617, %get3A_618] {strides = array<i32>} : memref<200x64xf32, #tpu.memory_space<vmem>>, vector<1x16xf32>,
        %get3A_620 = vector.shape_cast %get3A_619 : vector<1x16xf32> to vector<16xf32>
        %add3A_621 = arith.constant 5 : i32
        %add3A_622 = arith.addi %mul3A_335, %add3A_621 : i32
        %get3A_623 = arith.index_cast %add3A_622 : i32 to index
        %get3A_624 = arith.constant 0 : index
        %get3A_625 = tpu.vector_load %arg7[%get3A_623, %get3A_624] {strides = array<i32>} : memref<200x64xf32, #tpu.memory_space<vmem>>, vector<1x16xf32>,
        %get3A_626 = vector.shape_cast %get3A_625 : vector<1x16xf32> to vector<16xf32>
        %mul3A_627 = arith.mulf %get3A_620, %get3A_626 : vector<16xf32>
        %add3A_628 = arith.addf %add3A_572, %mul3A_627 : vector<16xf32>
        %add3A_629 = arith.constant 5 : i32
        %add3A_630 = arith.addi %mul3A_335, %add3A_629 : i32
        %get3A_631 = arith.index_cast %add3A_630 : i32 to index
        %get3A_632 = arith.constant 16 : index
        %get3A_633 = tpu.vector_load %arg11[%get3A_631, %get3A_632] {strides = array<i32>} : memref<200x64xf32, #tpu.memory_space<vmem>>, vector<1x16xf32>,
        %get3A_634 = vector.shape_cast %get3A_633 : vector<1x16xf32> to vector<16xf32>
        %add3A_635 = arith.constant 5 : i32
        %add3A_636 = arith.addi %mul3A_335, %add3A_635 : i32
        %get3A_637 = arith.index_cast %add3A_636 : i32 to index
        %get3A_638 = arith.constant 16 : index
        %get3A_639 = tpu.vector_load %arg7[%get3A_637, %get3A_638] {strides = array<i32>} : memref<200x64xf32, #tpu.memory_space<vmem>>, vector<1x16xf32>,
        %get3A_640 = vector.shape_cast %get3A_639 : vector<1x16xf32> to vector<16xf32>
        %mul3A_641 = arith.mulf %get3A_634, %get3A_640 : vector<16xf32>
        %add3A_642 = arith.addf %add3A_586, %mul3A_641 : vector<16xf32>
        %add3A_643 = arith.constant 5 : i32
        %add3A_644 = arith.addi %mul3A_335, %add3A_643 : i32
        %get3A_645 = arith.index_cast %add3A_644 : i32 to index
        %get3A_646 = arith.constant 32 : index
        %get3A_647 = tpu.vector_load %arg11[%get3A_645, %get3A_646] {strides = array<i32>} : memref<200x64xf32, #tpu.memory_space<vmem>>, vector<1x16xf32>,
        %get3A_648 = vector.shape_cast %get3A_647 : vector<1x16xf32> to vector<16xf32>
        %add3A_649 = arith.constant 5 : i32
        %add3A_650 = arith.addi %mul3A_335, %add3A_649 : i32
        %get3A_651 = arith.index_cast %add3A_650 : i32 to index
        %get3A_652 = arith.constant 32 : index
        %get3A_653 = tpu.vector_load %arg7[%get3A_651, %get3A_652] {strides = array<i32>} : memref<200x64xf32, #tpu.memory_space<vmem>>, vector<1x16xf32>,
        %get3A_654 = vector.shape_cast %get3A_653 : vector<1x16xf32> to vector<16xf32>
        %mul3A_655 = arith.mulf %get3A_648, %get3A_654 : vector<16xf32>
        %add3A_656 = arith.addf %add3A_600, %mul3A_655 : vector<16xf32>
        %add3A_657 = arith.constant 5 : i32
        %add3A_658 = arith.addi %mul3A_335, %add3A_657 : i32
        %get3A_659 = arith.index_cast %add3A_658 : i32 to index
        %get3A_660 = arith.constant 48 : index
        %get3A_661 = tpu.vector_load %arg11[%get3A_659, %get3A_660] {strides = array<i32>} : memref<200x64xf32, #tpu.memory_space<vmem>>, vector<1x16xf32>,
        %get3A_662 = vector.shape_cast %get3A_661 : vector<1x16xf32> to vector<16xf32>
        %add3A_663 = arith.constant 5 : i32
        %add3A_664 = arith.addi %mul3A_335, %add3A_663 : i32
        %get3A_665 = arith.index_cast %add3A_664 : i32 to index
        %get3A_666 = arith.constant 48 : index
        %get3A_667 = tpu.vector_load %arg7[%get3A_665, %get3A_666] {strides = array<i32>} : memref<200x64xf32, #tpu.memory_space<vmem>>, vector<1x16xf32>,
        %get3A_668 = vector.shape_cast %get3A_667 : vector<1x16xf32> to vector<16xf32>
        %mul3A_669 = arith.mulf %get3A_662, %get3A_668 : vector<16xf32>
        %add3A_670 = arith.addf %add3A_614, %mul3A_669 : vector<16xf32>
        %add3A_671 = arith.constant 6 : i32
        %add3A_672 = arith.addi %mul3A_335, %add3A_671 : i32
        %get3A_673 = arith.index_cast %add3A_672 : i32 to index
        %get3A_674 = arith.constant 0 : index
        %get3A_675 = tpu.vector_load %arg11[%get3A_673, %get3A_674] {strides = array<i32>} : memref<200x64xf32, #tpu.memory_space<vmem>>, vector<1x16xf32>,
        %get3A_676 = vector.shape_cast %get3A_675 : vector<1x16xf32> to vector<16xf32>
        %add3A_677 = arith.constant 6 : i32
        %add3A_678 = arith.addi %mul3A_335, %add3A_677 : i32
        %get3A_679 = arith.index_cast %add3A_678 : i32 to index
        %get3A_680 = arith.constant 0 : index
        %get3A_681 = tpu.vector_load %arg7[%get3A_679, %get3A_680] {strides = array<i32>} : memref<200x64xf32, #tpu.memory_space<vmem>>, vector<1x16xf32>,
        %get3A_682 = vector.shape_cast %get3A_681 : vector<1x16xf32> to vector<16xf32>
        %mul3A_683 = arith.mulf %get3A_676, %get3A_682 : vector<16xf32>
        %add3A_684 = arith.addf %add3A_628, %mul3A_683 : vector<16xf32>
        %add3A_685 = arith.constant 6 : i32
        %add3A_686 = arith.addi %mul3A_335, %add3A_685 : i32
        %get3A_687 = arith.index_cast %add3A_686 : i32 to index
        %get3A_688 = arith.constant 16 : index
        %get3A_689 = tpu.vector_load %arg11[%get3A_687, %get3A_688] {strides = array<i32>} : memref<200x64xf32, #tpu.memory_space<vmem>>, vector<1x16xf32>,
        %get3A_690 = vector.shape_cast %get3A_689 : vector<1x16xf32> to vector<16xf32>
        %add3A_691 = arith.constant 6 : i32
        %add3A_692 = arith.addi %mul3A_335, %add3A_691 : i32
        %get3A_693 = arith.index_cast %add3A_692 : i32 to index
        %get3A_694 = arith.constant 16 : index
        %get3A_695 = tpu.vector_load %arg7[%get3A_693, %get3A_694] {strides = array<i32>} : memref<200x64xf32, #tpu.memory_space<vmem>>, vector<1x16xf32>,
        %get3A_696 = vector.shape_cast %get3A_695 : vector<1x16xf32> to vector<16xf32>
        %mul3A_697 = arith.mulf %get3A_690, %get3A_696 : vector<16xf32>
        %add3A_698 = arith.addf %add3A_642, %mul3A_697 : vector<16xf32>
        %add3A_699 = arith.constant 6 : i32
        %add3A_700 = arith.addi %mul3A_335, %add3A_699 : i32
        %get3A_701 = arith.index_cast %add3A_700 : i32 to index
        %get3A_702 = arith.constant 32 : index
        %get3A_703 = tpu.vector_load %arg11[%get3A_701, %get3A_702] {strides = array<i32>} : memref<200x64xf32, #tpu.memory_space<vmem>>, vector<1x16xf32>,
        %get3A_704 = vector.shape_cast %get3A_703 : vector<1x16xf32> to vector<16xf32>
        %add3A_705 = arith.constant 6 : i32
        %add3A_706 = arith.addi %mul3A_335, %add3A_705 : i32
        %get3A_707 = arith.index_cast %add3A_706 : i32 to index
        %get3A_708 = arith.constant 32 : index
        %get3A_709 = tpu.vector_load %arg7[%get3A_707, %get3A_708] {strides = array<i32>} : memref<200x64xf32, #tpu.memory_space<vmem>>, vector<1x16xf32>,
        %get3A_710 = vector.shape_cast %get3A_709 : vector<1x16xf32> to vector<16xf32>
        %mul3A_711 = arith.mulf %get3A_704, %get3A_710 : vector<16xf32>
        %add3A_712 = arith.addf %add3A_656, %mul3A_711 : vector<16xf32>
        %add3A_713 = arith.constant 6 : i32
        %add3A_714 = arith.addi %mul3A_335, %add3A_713 : i32
        %get3A_715 = arith.index_cast %add3A_714 : i32 to index
        %get3A_716 = arith.constant 48 : index
        %get3A_717 = tpu.vector_load %arg11[%get3A_715, %get3A_716] {strides = array<i32>} : memref<200x64xf32, #tpu.memory_space<vmem>>, vector<1x16xf32>,
        %get3A_718 = vector.shape_cast %get3A_717 : vector<1x16xf32> to vector<16xf32>
        %add3A_719 = arith.constant 6 : i32
        %add3A_720 = arith.addi %mul3A_335, %add3A_719 : i32
        %get3A_721 = arith.index_cast %add3A_720 : i32 to index
        %get3A_722 = arith.constant 48 : index
        %get3A_723 = tpu.vector_load %arg7[%get3A_721, %get3A_722] {strides = array<i32>} : memref<200x64xf32, #tpu.memory_space<vmem>>, vector<1x16xf32>,
        %get3A_724 = vector.shape_cast %get3A_723 : vector<1x16xf32> to vector<16xf32>
        %mul3A_725 = arith.mulf %get3A_718, %get3A_724 : vector<16xf32>
        %add3A_726 = arith.addf %add3A_670, %mul3A_725 : vector<16xf32>
        %add3A_727 = arith.constant 7 : i32
        %add3A_728 = arith.addi %mul3A_335, %add3A_727 : i32
        %get3A_729 = arith.index_cast %add3A_728 : i32 to index
        %get3A_730 = arith.constant 0 : index
        %get3A_731 = tpu.vector_load %arg11[%get3A_729, %get3A_730] {strides = array<i32>} : memref<200x64xf32, #tpu.memory_space<vmem>>, vector<1x16xf32>,
        %get3A_732 = vector.shape_cast %get3A_731 : vector<1x16xf32> to vector<16xf32>
        %add3A_733 = arith.constant 7 : i32
        %add3A_734 = arith.addi %mul3A_335, %add3A_733 : i32
        %get3A_735 = arith.index_cast %add3A_734 : i32 to index
        %get3A_736 = arith.constant 0 : index
        %get3A_737 = tpu.vector_load %arg7[%get3A_735, %get3A_736] {strides = array<i32>} : memref<200x64xf32, #tpu.memory_space<vmem>>, vector<1x16xf32>,
        %get3A_738 = vector.shape_cast %get3A_737 : vector<1x16xf32> to vector<16xf32>
        %mul3A_739 = arith.mulf %get3A_732, %get3A_738 : vector<16xf32>
        %add3A_740 = arith.addf %add3A_684, %mul3A_739 : vector<16xf32>
        %add3A_741 = arith.constant 7 : i32
        %add3A_742 = arith.addi %mul3A_335, %add3A_741 : i32
        %get3A_743 = arith.index_cast %add3A_742 : i32 to index
        %get3A_744 = arith.constant 16 : index
        %get3A_745 = tpu.vector_load %arg11[%get3A_743, %get3A_744] {strides = array<i32>} : memref<200x64xf32, #tpu.memory_space<vmem>>, vector<1x16xf32>,
        %get3A_746 = vector.shape_cast %get3A_745 : vector<1x16xf32> to vector<16xf32>
        %add3A_747 = arith.constant 7 : i32
        %add3A_748 = arith.addi %mul3A_335, %add3A_747 : i32
        %get3A_749 = arith.index_cast %add3A_748 : i32 to index
        %get3A_750 = arith.constant 16 : index
        %get3A_751 = tpu.vector_load %arg7[%get3A_749, %get3A_750] {strides = array<i32>} : memref<200x64xf32, #tpu.memory_space<vmem>>, vector<1x16xf32>,
        %get3A_752 = vector.shape_cast %get3A_751 : vector<1x16xf32> to vector<16xf32>
        %mul3A_753 = arith.mulf %get3A_746, %get3A_752 : vector<16xf32>
        %add3A_754 = arith.addf %add3A_698, %mul3A_753 : vector<16xf32>
        %add3A_755 = arith.constant 7 : i32
        %add3A_756 = arith.addi %mul3A_335, %add3A_755 : i32
        %get3A_757 = arith.index_cast %add3A_756 : i32 to index
        %get3A_758 = arith.constant 32 : index
        %get3A_759 = tpu.vector_load %arg11[%get3A_757, %get3A_758] {strides = array<i32>} : memref<200x64xf32, #tpu.memory_space<vmem>>, vector<1x16xf32>,
        %get3A_760 = vector.shape_cast %get3A_759 : vector<1x16xf32> to vector<16xf32>
        %add3A_761 = arith.constant 7 : i32
        %add3A_762 = arith.addi %mul3A_335, %add3A_761 : i32
        %get3A_763 = arith.index_cast %add3A_762 : i32 to index
        %get3A_764 = arith.constant 32 : index
        %get3A_765 = tpu.vector_load %arg7[%get3A_763, %get3A_764] {strides = array<i32>} : memref<200x64xf32, #tpu.memory_space<vmem>>, vector<1x16xf32>,
        %get3A_766 = vector.shape_cast %get3A_765 : vector<1x16xf32> to vector<16xf32>
        %mul3A_767 = arith.mulf %get3A_760, %get3A_766 : vector<16xf32>
        %add3A_768 = arith.addf %add3A_712, %mul3A_767 : vector<16xf32>
        %add3A_769 = arith.constant 7 : i32
        %add3A_770 = arith.addi %mul3A_335, %add3A_769 : i32
        %get3A_771 = arith.index_cast %add3A_770 : i32 to index
        %get3A_772 = arith.constant 48 : index
        %get3A_773 = tpu.vector_load %arg11[%get3A_771, %get3A_772] {strides = array<i32>} : memref<200x64xf32, #tpu.memory_space<vmem>>, vector<1x16xf32>,
        %get3A_774 = vector.shape_cast %get3A_773 : vector<1x16xf32> to vector<16xf32>
        %add3A_775 = arith.constant 7 : i32
        %add3A_776 = arith.addi %mul3A_335, %add3A_775 : i32
        %get3A_777 = arith.index_cast %add3A_776 : i32 to index
        %get3A_778 = arith.constant 48 : index
        %get3A_779 = tpu.vector_load %arg7[%get3A_777, %get3A_778] {strides = array<i32>} : memref<200x64xf32, #tpu.memory_space<vmem>>, vector<1x16xf32>,
        %get3A_780 = vector.shape_cast %get3A_779 : vector<1x16xf32> to vector<16xf32>
        %mul3A_781 = arith.mulf %get3A_774, %get3A_780 : vector<16xf32>
        %add3A_782 = arith.addf %add3A_726, %mul3A_781 : vector<16xf32>
        scf.yield %add3A_740, %add3A_754, %add3A_768, %add3A_782 : vector<16xf32>, vector<16xf32>, vector<16xf32>, vector<16xf32>
      }
      %scan3A_299 = arith.constant 25 : i32
      %swap3A_300 = arith.index_cast %add3A_265 : i32 to index
      %swap3A_301 = arith.constant 0 : index
      %swap3A_302 = tpu.vector_load %arg12[%swap3A_300, %swap3A_301] {strides = array<i32>} : memref<128x64xf32, #tpu.memory_space<vmem>>, vector<1x16xf32>,
      %swap3A_303 = vector.shape_cast %swap3A_302 : vector<1x16xf32> to vector<16xf32>
      %swap3A_304 = vector.shape_cast %scan3A_298#0 : vector<16xf32> to vector<1x16xf32>
      tpu.vector_store %arg12[%swap3A_300, %swap3A_301], %swap3A_304 {strides = array<i32>} : memref<128x64xf32, #tpu.memory_space<vmem>>, vector<1x16xf32>,
      %swap3A_305 = arith.index_cast %add3A_265 : i32 to index
      %swap3A_306 = arith.constant 16 : index
      %swap3A_307 = tpu.vector_load %arg12[%swap3A_305, %swap3A_306] {strides = array<i32>} : memref<128x64xf32, #tpu.memory_space<vmem>>, vector<1x16xf32>,
      %swap3A_308 = vector.shape_cast %swap3A_307 : vector<1x16xf32> to vector<16xf32>
      %swap3A_309 = vector.shape_cast %scan3A_298#1 : vector<16xf32> to vector<1x16xf32>
      tpu.vector_store %arg12[%swap3A_305, %swap3A_306], %swap3A_309 {strides = array<i32>} : memref<128x64xf32, #tpu.memory_space<vmem>>, vector<1x16xf32>,
      %swap3A_310 = arith.index_cast %add3A_265 : i32 to index
      %swap3A_311 = arith.constant 32 : index
      %swap3A_312 = tpu.vector_load %arg12[%swap3A_310, %swap3A_311] {strides = array<i32>} : memref<128x64xf32, #tpu.memory_space<vmem>>, vector<1x16xf32>,
      %swap3A_313 = vector.shape_cast %swap3A_312 : vector<1x16xf32> to vector<16xf32>
      %swap3A_314 = vector.shape_cast %scan3A_298#2 : vector<16xf32> to vector<1x16xf32>
      tpu.vector_store %arg12[%swap3A_310, %swap3A_311], %swap3A_314 {strides = array<i32>} : memref<128x64xf32, #tpu.memory_space<vmem>>, vector<1x16xf32>,
      %swap3A_315 = arith.index_cast %add3A_265 : i32 to index
      %swap3A_316 = arith.constant 48 : index
      %swap3A_317 = tpu.vector_load %arg12[%swap3A_315, %swap3A_316] {strides = array<i32>} : memref<128x64xf32, #tpu.memory_space<vmem>>, vector<1x16xf32>,
      %swap3A_318 = vector.shape_cast %swap3A_317 : vector<1x16xf32> to vector<16xf32>
      %swap3A_319 = vector.shape_cast %scan3A_298#3 : vector<16xf32> to vector<1x16xf32>
      tpu.vector_store %arg12[%swap3A_315, %swap3A_316], %swap3A_319 {strides = array<i32>} : memref<128x64xf32, #tpu.memory_space<vmem>>, vector<1x16xf32>,
      %add3A_320 = arith.constant 4 : i32
      %add3A_321 = arith.addi %add3A_265, %add3A_320 : i32
      %sub3A_322 = arith.constant 1 : i32
      %sub3A_323 = arith.subi %add3A_321, %sub3A_322 : i32
      %lt3A_324 = arith.constant 128 : i32
      %lt3A_325 = arith.cmpi slt, %sub3A_323, %lt3A_324 : i32
      %convert_element_type3A_326 = arith.extui %lt3A_325 : i1 to i32
      %cond3A_327 = arith.constant 0 : i32
      %cond3A_328 = arith.cmpi ne, %convert_element_type3A_326, %cond3A_327 : i32
      scf.if %cond3A_328 {
        %add3A_329 = arith.constant 4 : i32
        %add3A_330 = arith.addi %add3A_265, %add3A_329 : i32
        %sub3A_331 = arith.constant 1 : i32
        %sub3A_332 = arith.subi %add3A_330, %sub3A_331 : i32
        %dma_start3A_333 = arith.constant 0 : i32
        %dma_start3A_334 = arith.constant 0 : i32
        %dma_start3A_335 = tpu.memref_slice %arg10[%dma_start3A_333, %dma_start3A_334] : memref<200x64xf32, #tpu.memory_space<vmem>> -> memref<104x64xf32, #tpu.memory_space<vmem>>
        %dma_start3A_336 = arith.constant 0 : i32
        %dma_start3A_337 = tpu.memref_slice %arg6[%sub3A_332, %dma_start3A_336] : memref<128x200xi32, #tpu.memory_space<vmem>> -> memref<1x104xi32, #tpu.memory_space<vmem>>
        %dma_start3A_338 = tpu.memref_squeeze %dma_start3A_337 : memref<1x104xi32, #tpu.memory_space<vmem>> -> memref<104xi32, #tpu.memory_space<vmem>>
        %dma_start3A_339 = arith.constant 0 : i32
        %dma_start3A_340 = arith.constant 0 : i32
        %dma_start3A_341 = tpu.memref_slice %arg3[%dma_start3A_339, %dma_start3A_340] : memref<1000000x64xf32, #tpu.memory_space<hbm>> -> memref<1000000x64xf32, #tpu.memory_space<hbm>>
        tpu.enqueue_indirect_dma source(%dma_start3A_341 : memref<1000000x64xf32, #tpu.memory_space<hbm>>) target(%dma_start3A_335 : memref<104x64xf32, #tpu.memory_space<vmem>>) offsets(%dma_start3A_338 : memref<104xi32, #tpu.memory_space<vmem>>) semaphore(%arg15 : memref<!tpu.dma_semaphore, #tpu.memory_space<semaphore_mem>>)
        %dma_start3A_342 = arith.constant 104 : i32
        %dma_start3A_343 = arith.constant 0 : i32
        %dma_start3A_344 = tpu.memref_slice %arg10[%dma_start3A_342, %dma_start3A_343] : memref<200x64xf32, #tpu.memory_space<vmem>> -> memref<96x64xf32, #tpu.memory_space<vmem>>
        %dma_start3A_345 = arith.constant 104 : i32
        %dma_start3A_346 = tpu.memref_slice %arg6[%sub3A_332, %dma_start3A_345] : memref<128x200xi32, #tpu.memory_space<vmem>> -> memref<1x96xi32, #tpu.memory_space<vmem>>
        %dma_start3A_347 = tpu.memref_squeeze %dma_start3A_346 : memref<1x96xi32, #tpu.memory_space<vmem>> -> memref<96xi32, #tpu.memory_space<vmem>>
        %dma_start3A_348 = arith.constant 0 : i32
        %dma_start3A_349 = arith.constant 0 : i32
        %dma_start3A_350 = tpu.memref_slice %arg3[%dma_start3A_348, %dma_start3A_349] : memref<1000000x64xf32, #tpu.memory_space<hbm>> -> memref<1000000x64xf32, #tpu.memory_space<hbm>>
        tpu.enqueue_indirect_dma source(%dma_start3A_350 : memref<1000000x64xf32, #tpu.memory_space<hbm>>) target(%dma_start3A_344 : memref<96x64xf32, #tpu.memory_space<vmem>>) offsets(%dma_start3A_347 : memref<96xi32, #tpu.memory_space<vmem>>) semaphore(%arg15 : memref<!tpu.dma_semaphore, #tpu.memory_space<semaphore_mem>>)
      } else {
      }
    }
    %scan3A_66 = arith.constant 32 : i32
    "tpu.region"() ({
      %run_scoped3A = tpu.sem_alloc : memref<!tpu.dma_semaphore, #tpu.memory_space<semaphore_mem>>
      %dma_start3A_67 = arith.constant 0 : i32
      %dma_start3A_68 = tpu.memref_slice %arg5[%mul3A_2, %dma_start3A_67] : memref<4096x64xf32, #tpu.memory_space<hbm>> -> memref<128x64xf32, #tpu.memory_space<hbm>>
      %dma_start3A_69 = arith.constant 0 : i32
      %dma_start3A_70 = tpu.memref_slice %arg5[%mul3A_2, %dma_start3A_69] : memref<4096x64xf32, #tpu.memory_space<hbm>> -> memref<128x64xf32, #tpu.memory_space<hbm>>
      tpu.enqueue_dma source(%arg12 : memref<128x64xf32, #tpu.memory_space<vmem>>) target(%dma_start3A_70 : memref<128x64xf32, #tpu.memory_space<hbm>>) target_semaphore(%run_scoped3A : memref<!tpu.dma_semaphore, #tpu.memory_space<semaphore_mem>>)
      %dma_wait3A = arith.constant 0 : i32
      %dma_wait3A_71 = tpu.memref_slice %arg5[%mul3A_2, %dma_wait3A] : memref<4096x64xf32, #tpu.memory_space<hbm>> -> memref<128x64xf32, #tpu.memory_space<hbm>>
      %dma_wait3A_72 = arith.constant 0 : i32
      %dma_wait3A_73 = tpu.memref_slice %arg5[%mul3A_2, %dma_wait3A_72] : memref<4096x64xf32, #tpu.memory_space<hbm>> -> memref<128x64xf32, #tpu.memory_space<hbm>>
      tpu.wait_dma2 semaphore(%run_scoped3A : memref<!tpu.dma_semaphore, #tpu.memory_space<semaphore_mem>>) src(%arg12 : memref<128x64xf32, #tpu.memory_space<vmem>>) dst(%dma_wait3A_73 : memref<128x64xf32, #tpu.memory_space<hbm>>)
      tpu.yield
    }) : () -> ()
    return
  }
}

</mosaic_0001>

<sc_bundles>
// kernel: kernel.3.cloned.1.call-start
scs
__scs_entry_jumppad:
0x0: {  	(pc) =	sbr.rel $0x88, $3  }
0x1: {  	(tag) =	ssettag $0x0;
	lr =	simm.s32 $0x1  }
0x2: {  	[smem:$0x3F9E] =	sst lr;
	_ =	strace $0xD0000000  }
0x3: {  	_ = 	snop  }
0x4: {  	_ = 	snop  }
0x5: {  	_ = 	snop  }
0x6: {  	_ = 	snop  }
0x7: {  	_ = 	snop  }
__scs_overlays_trampoline_lowered:
0x8: {  	[smem:$0x3FAD] =	sst s0  }
0x9: {  	[smem:$0x3FAE] =	sst s1  }
0xa: {  	[smem:$0x3FAF] =	sst s2  }
0xb: {  	[smem:$0x3FB0] =	sst s3  }
0xc: {  	[smem:$0x3FB1] =	sst s4  }
0xd: {  	[smem:$0x3FB2] =	sst s5  }
0xe: {  	[smem:$0x3FB3] =	sst s6  }
0xf: {  	[smem:$0x3FB4] =	sst s7  }
0x10: {  	[smem:$0x3FB5] =	sst s8  }
0x11: {  	[smem:$0x3FB6] =	sst s9;
	s0 =	simm.s32 @!p0 $0x0  }
0x12: {  	s1 =	sld [smem:$0x3F9C];
	s0 =	simm.s32 @p0 $0x1  }
0x13: {  	[smem:$0x3FB7] =	sst s0;
	s0 =	simm.s32 @!p1 $0x0  }
0x14: {  	s2 =	sld [smem:$0x3F9B];
	s0 =	simm.s32 @p1 $0x1  }
0x15: {  	[smem:$0x3FB8] =	sst s0;
	s0 =	simm.s32 @!p2 $0x0  }
0x16: {  	s3 =	sld [smem:$0x3FDB];
	s0 =	simm.s32 @p2 $0x1  }
0x17: {  	s4 =	simm.s32 $0x1BF5;
	[smem:$0x3FBA] =	sst s0  }
0x18: {  	s0 =	sld [smem:$0x3F9D];
	_ =	swait.ge [sflag:s4], $0x0  }
0x19: {  	s7 =	sld [smem:$0x3F9E]  }
0x1a: {  	s8 =	sadd.s32 $0xFFFFE003, lr  }
0x1b: {  	s9 =	sadd.s32 $0xFFFFFEF7, lr;
	s5 =	simm.s32 $0xFFFFFFFF;
	p2 =	slt.u32 s8, $0xFFFFF086  }
0x1c: {  	p1 =	slt.u32 s9, $0xF7A;
	s5 =	simm.s32 @!p2 $0x0  }
0x1d: {  	s5 =	simm.s32 @p1 $0x1;
	p0 =	seq.s32 s7, s2  }
0x1e: {  	s7 =	smul.u32 @!p0 $0xF7A, s2;
	p2 =	seq.s32 @!p0 s5, $0x0  }
0x1f: {  	s9 =	smul.u32 $0xF7A, s1;
	s8 =	simm.s32 @!p0 $0x1BF5;
	p2 =	por !p2, p0  }
0x20: {  	[sflag:s8] =	ssyncset.s32 @!p0 $0xFFFFF086;
	s6 =	sadd.s32 @!p0 s3, s7;
	s7 =	simm.s32 @!p0 $0x108  }
0x21: {  	s3 =	sadd.s32 s3, s9;
	s6 =	sadd.s32 @!p0 $0x88, s6;
	s7 =	simm.s32 @p2 $0x1082  }
0x22: {  	[simem:s7], [sflag:s8] =	dma.local @!p0 [hbm:s6], $0xF7A  }
0x23: {  	s9 =	sor.u32 $0xD0000000, s2;
	s6 =	simm.s32 $0x108;
	_ =	swait.ge @!p0 [sflag:s8], $0x0  }
0x24: {  	s3 =	sadd.s32 $0x88, s3;
	s6 =	simm.s32 @!p1 $0x1082;
	[sflag:s4] =	ssyncset.s32 $0xFFFFF086  }
0x25: {  	[simem:s6], [sflag:s4] =	dma.local [hbm:s3], $0xF7A  }
0x26: {  	[smem:$0x3F9E] =	sst s1;
	(tag) =	ssettag s2;
	_ =	strace s9  }
0x27: {  	s1 =	sld [smem:$0x3FAE]  }
0x28: {  	s2 =	sld [smem:$0x3FAF]  }
0x29: {  	s4 =	sld [smem:$0x3FB1]  }
0x2a: {  	p0 =	seq.s32 s5, $0x0;
	s5 =	sld [smem:$0x3FB2]  }
0x2b: {  	s6 =	sld [smem:$0x3FB3]  }
0x2c: {  	s7 =	sld [smem:$0x3FB4]  }
0x2d: {  	s3 =	simm.s32 $0x108;
	s8 =	sld [smem:$0x3FB5]  }
0x2e: {  	s3 =	simm.s32 @!p0 $0x1082;
	s9 =	sld [smem:$0x3FB6]  }
0x2f: {  	lr =	sadd.s32 s0, s3;
	s0 =	sld [smem:$0x3FAD]  }
0x30: {  	s3 =	sld [smem:$0x3FB0]  }
0x31: {  	[smem:$0x3FB9] =	sst s10  }
0x32: {  	s10 =	sld [smem:$0x3FB7];
	_ =	sdelay $0x3  }
0x33: {  	p0 =	seq.s32 s10, $0x1;
	s10 =	sld [smem:$0x3FB9];
	_ =	sdelay $0x3  }
0x34: {  	[smem:$0x3FB9] =	sst s10  }
0x35: {  	s10 =	sld [smem:$0x3FB8];
	_ =	sdelay $0x3  }
0x36: {  	p1 =	seq.s32 s10, $0x1;
	s10 =	sld [smem:$0x3FB9];
	_ =	sdelay $0x3  }
0x37: {  	[smem:$0x3FB9] =	sst s10  }
0x38: {  	s10 =	sld [smem:$0x3FBA]  }
0x39: {  	_ = 	snop;
	(pc) =	sbr.ind lr, $3  }
0x3a: {  	_ = 	snop  }
0x3b: {  	_ = 	snop  }
0x3c: {  	p2 =	seq.s32 s10, $0x1;
	s10 =	sld [smem:$0x3FB9]  }
0x3d: {  	_ =	shalt  }
0x3e: {  	_ =	shalt  }
0x3f: {  	_ =	shalt  }
0x40: {  	_ =	shalt  }
0x41: {  	_ =	shalt  }
0x42: {  	_ =	shalt  }
0x43: {  	_ =	shalt  }
0x44: {  	_ =	shalt  }
0x45: {  	_ =	shalt  }
0x46: {  	_ =	shalt  }
0x47: {  	_ =	shalt  }
0x48: {  	_ =	shalt  }
0x49: {  	_ =	shalt  }
0x4a: {  	_ =	shalt  }
0x4b: {  	_ =	shalt  }
0x4c: {  	_ =	shalt  }
0x4d: {  	_ =	shalt  }
0x4e: {  	_ =	shalt  }
0x4f: {  	_ =	shalt  }
0x50: {  	_ =	shalt  }
0x51: {  	_ =	shalt  }
0x52: {  	_ =	shalt  }
0x53: {  	_ =	shalt  }
0x54: {  	_ =	shalt  }
0x55: {  	_ =	shalt  }
0x56: {  	_ =	shalt  }
0x57: {  	_ =	shalt  }
0x58: {  	_ =	shalt  }
0x59: {  	_ =	shalt  }
0x5a: {  	_ =	shalt  }
0x5b: {  	_ =	shalt  }
0x5c: {  	_ =	shalt  }
0x5d: {  	_ =	shalt  }
0x5e: {  	_ =	shalt  }
0x5f: {  	_ =	shalt  }
0x60: {  	_ =	shalt  }
0x61: {  	_ =	shalt  }
0x62: {  	_ =	shalt  }
0x63: {  	_ =	shalt  }
0x64: {  	_ =	shalt  }
0x65: {  	_ =	shalt  }
0x66: {  	_ =	shalt  }
0x67: {  	_ =	shalt  }
0x68: {  	_ =	shalt  }
0x69: {  	_ =	shalt  }
0x6a: {  	_ =	shalt  }
0x6b: {  	_ =	shalt  }
0x6c: {  	_ =	shalt  }
0x6d: {  	_ =	shalt  }
0x6e: {  	_ =	shalt  }
0x6f: {  	_ =	shalt  }
0x70: {  	_ =	shalt  }
0x71: {  	_ =	shalt  }
0x72: {  	_ =	shalt  }
0x73: {  	_ =	shalt  }
0x74: {  	_ =	shalt  }
0x75: {  	_ =	shalt  }
0x76: {  	_ =	shalt  }
0x77: {  	_ =	shalt  }
0x78: {  	_ =	shalt  }
0x79: {  	_ =	shalt  }
0x7a: {  	_ =	shalt  }
0x7b: {  	_ =	shalt  }
0x7c: {  	_ =	shalt  }
0x7d: {  	_ =	shalt  }
0x7e: {  	_ =	shalt  }
0x7f: {  	_ =	shalt  }
0x80: {  	_ =	shalt  }
0x81: {  	_ =	shalt  }
0x82: {  	_ =	shalt  }
0x83: {  	_ =	shalt  }
0x84: {  	_ =	shalt  }
0x85: {  	_ =	shalt  }
0x86: {  	_ =	shalt  }
0x87: {  	_ =	shalt  }
.Lfunc_end0:
.L_simem_size_0:
called_computation_lowered:
.L_overlay_start_0:
0x88: {  	s2 =	sld [smem:$0x3FD9]  }
0x89: {  	s3 =	sld [smem:$0x3FFE];
	_ =	sdelay $0x1  }
0x8a: {  	s1 =	srdreg.scid  }
0x8b: {  	s0 =	sand.u32 $0x1, s1  }
0x8c: {  	s17 =	sshll.u32 s0, $0xA;
	s2 =	sadd.s32 s3, s2  }
0x8d: {  	s2 =	sadd.s32 s2, s17  }
0x8e: {  	[smem:$0x3FC5] =	sst s2  }
0x8f: {  	_ = 	snop  }
0x90: {  	s2 =	sld [smem:$0x3FD0];
	(tm) =	ssettm $0x1  }
0x91: {  	s18 =	sld [smem:$0x3FFB];
	_ =	sdelay $0x3  }
0x92: {  	_ =	strace s18  }
0x93: {  	s3 =	sld [smem:$0x3FFC];
	_ =	sdelay $0x3  }
0x94: {  	_ =	strace s3  }
0x95: {  	s3 =	sld [smem:$0x3FFD];
	_ =	sdelay $0x3  }
0x96: {  	_ =	strace s3  }
0x97: {  	_ =	strace $0x8FFFFFFF  }
0x98: {  	s19 =	sld [smem:$0x3FDB];
	_ =	sdelay $0x1  }
0x99: {  	s4 =	simm.s32 $_scs_section_size  }
0x9a: {  	s5 =	simm.s32 $_size__tile_overlayer_lowered;
	s6 =	simm.s32 $_tile_overlayer_lowered  }
0x9b: {  	s22 =	simm.s32 $0x1BFF;
	s21 =	sshll.u32 s6, $0x1;
	s3 =	sadd.s32 s4, s19  }
0x9c: {  	s7 =	simm.s32 $0x0;
	s20 =	sshll.u32 s5, $0x1;
	s5 =	sadd.s32 s21, s3  }
0x9d: {  	[timem:s7], [sflag:s22] =	dma.local [hbm:s5], s20  }
0x9e: {  	_ =	swait.ge [sflag:s22], s20  }
0x9f: {  	s4 =	ssub.s32 $0x0, s20;
	[sflag:s22] =	ssyncset.done $0x0  }
0xa0: {  	[sflag:s22] =	ssyncadd.s32 s4;
	_ =	sdelay $0x1  }
0xa1: {  	s23 =	simm.s32 $0x1B8B  }
0xa2: {  	_ =	swait.ge [sflag:s23], $0x1  }
0xa3: {  	[sflag:s23] =	ssyncset.done $0x0  }
0xa4: {  	s25 =	simm.s32 $0x1B8E;
	s24 =	sld [smem:$0x3FFE];
	[sflag:s23] =	ssyncadd.s32 $0xFFFFFFFF  }
0xa5: {  	s26 =	simm.s32 $execute0_lowered;
	[smem:$0x3FD2] =	sst s25  }
0xa6: {  	s5 =	sshll.u32 s26, $0x1;
	_ =	strace $0x80000046;
	[dreg:$0x1] =	wrdreg $0xFFFFFFFF  }
0xa7: {  	s28 =	simm.s32 $_size_execute0_lowered;
	s3 =	sadd.s32 s3, s5;
	[dreg:$0x0] =	wrdreg $0x0  }
0xa8: {  	s5 =	sshll.u32 s28, $0x1;
	[dreg:$0x2] =	wrdreg s3  }
0xa9: {  	[dreg:$0x3] =	wrdreg s5  }
0xaa: {  	[dreg:$0x4] =	wrdreg $0xC0  }
0xab: {  	_ =	task [dreg:s7], $0x5FFFF  }
0xac: {  	[dreg:$0x1] =	wrdreg $0xFFFFFFFF  }
0xad: {  	[dreg:$0x0] =	wrdreg $0x60  }
0xae: {  	[dreg:$0x2] =	wrdreg s24  }
0xaf: {  	[dreg:$0x3] =	wrdreg s2  }
0xb0: {  	[dreg:$0x4] =	wrdreg $0x9  }
0xb1: {  	_ =	task.clear_ibuf [dreg:s7], $0x5FFFF;
	_ =	strace $0x90000046  }
0xb2: {  	s29 =	simm.s32 $0x9;
	_ =	strace $0x80000048  }
0xb3: {  	_ =	swait.ge [sflag:s29], $0x1  }
0xb4: {  	[sflag:s29] =	ssyncadd.s32 $0xFFFFFFFF  }
0xb5: {  	_ =	strace $0x90000048  }
0xb6: {  	_ =	sfence  }
0xb7: {  	s30 =	sld [smem:$0x0];
	_ =	sdelay $0x2  }
0xb8: {  	s31 =	sshll.u32 s1, $0xD;
	s1 =	sshrl.u32 s1, $0x2  }
0xb9: {  	s3 =	sand.u32 $0x4000, s31;
	s1 =	sadd.s32 s1, s30  }
0xba: {  	s0 =	sor.u32 s3, s0;
	s1 =	sshll.u32 s1, $0x11  }
0xbb: {  	s0 =	sor.u32 s1, s0  }
0xbc: {  	s0 =	sadd.s32 $0x8F2B, s0  }
0xbd: {  	[sflag:s0] =	ssyncadd.remote.s32 $0x1  }
0xbe: {  	_ =	sfence.sel $0xFFFF  }
0xbf: {  	[dreg:$0x0] =	wrdreg $0xFFFFFFFF;
	(pc) =	sbr.abs _section_cstart, $3  }
0xc0: {  	[dreg:$0x1] =	wrdreg $0xFFFFFFFF  }
0xc1: {  	_ =	task.clear_ibuf [dreg:s7], $0x2FFFF;
	_ =	strace $0x9FFFFFFF  }
0xc2: {  	(tm) =	ssettm $0x7FFFFFFF  }
0xc3: {  	_ =	shalt  }
tec
execute0_lowered:
.L_overlay_start_1:
0x0: {  	(tag) =	ssettag $0x1  }
0x1: {  	s0 =	srdreg.scid;
	s1 =	rddreg [dreg:$0x0]  }
0x2: {  	s2 =	stileid.u32;
	s6 =	rddreg [dreg:$0x1];
	s8 =	simm.s32 $0x5  }
0x3: {  	s10 =	simm.s32 $0x68;
	s12 =	simm.s32 $0x60;
	s15 =	simm.s32 $0xC800  }
0x4: {  	s16 =	simm.s32 $0x130;
	s17 =	simm.s32 $0xE200;
	s18 =	simm.s32 $0x190  }
0x5: {  	s19 =	simm.s32 $0xFA00;
	s20 =	simm.s32 $0x1F8;
	s21 =	simm.s32 $0x11400  }
0x6: {  	s22 =	simm.s32 $0x1;
	s23 =	simm.s32 $0x12C00;
	s24 =	simm.s32 $0x14600  }
0x7: {  	s25 =	simm.s32 $0x2;
	s28 =	simm.s32 $0x4;
	s29 =	simm.s32 $0x15E00  }
0x8: {  	s30 =	simm.s32 $0x0;
	s0 =	sand.u32 $0x1, s0;
	s2 =	sshll.u32 s2, $0x8  }
0x9: {  	s4 =	sadd.s32 $0x19800, s1;
	s3 =	sshll.u32 s0, $0x7;
	s0 =	ssub.s32 $0x2, s0  }
.Ltmp0:
0xa: {  	s7 =	sor.u32 s3, s2;
	s2 =	simm.s32 $0x0;
	(pc) =	sbr.rel .LBB2_1-.Ltmp0, $4  }
0xb: {  	s26 =	sshrl.u32 s0, $0x1;
	s3 =	smul.u32 $0x19, s7;
	[smem:$0x7FF] =	sst s2  }
0xc: {  	s0 =	ssub.s32 s0, s26;
	s31 =	sshll.u32 s7, $0x3;
	s26 =	simm.s32 $0x3  }
0xd: {  	_ =	strace $0x80000047;
	s6 =	sadd.s32 s6, s31;
	s5 =	sadd.s32 s3, s1  }
0xe: {  	s7 =	smax.u32 s0, $0x1;
	s3 =	sadd.s32 $0xF42C00, s1;
	s5 =	sadd.s32 $0x800, s5  }
.LBB2_12:
0xf: {  	s30 =	sadd.s32 $0x1, s30  }
0x10: {  	p0 =	sne.s32 s30, s7  }
.Ltmp1:
0x11: {  	_ = 	snop;
	(pc) =	sbr.rel @!p0 .LBB2_13-.Ltmp1, $4  }
0x12: {  	[hbm4b:s6+s2] =	stream.linear.scatter [tilespmem:s29], [sflag:$0x5], $0x2000, $0x38;
	[tilespmem:$0x17E00] =	vst v63  }
0x13: {  	_ =	swait.ge [sflag:s8], $0x2000  }
0x14: {  	[sflag:s8] =	ssyncset.done $0x0  }
0x15: {  	[sflag:s8] =	ssyncadd.s32 $0xFFFFE000  }
.LBB2_1:
0x16: {  	[tilespmem:s2], [sflag:$0x5] =	stream.linear.gather [hbm4b:s5+s2], $0x6400, $0x38;
	[tilespmem:$0x17E00] =	vst v63  }
0x17: {  	_ =	swait.ge [sflag:s8], $0x6400  }
0x18: {  	[sflag:s8] =	ssyncset.done $0x0  }
0x19: {  	s0 =	simm.s32 $0x6400;
	[sflag:s8] =	ssyncadd.s32 $0xFFFF9C00  }
0x1a: {  	[tilespmem:s0], [sflag:$0x5] =	stream.linear.gather [hbm4b:s4+s2], $0x3200, $0x38;
	[tilespmem:$0x17E00] =	vst v63  }
0x1b: {  	_ =	swait.ge [sflag:s8], $0x3200  }
0x1c: {  	[sflag:s8] =	ssyncset.done $0x0  }
0x1d: {  	s11 =	simm.s32 $0x9600;
	[sflag:s8] =	ssyncadd.s32 $0xFFFFCE00  }
0x1e: {  	[tilespmem:s11], [sflag:$0x1] =	stream.indirect.gather [hbm4b:s3+s10], $0x40, s2, s10, $0xb8;
	[tilespmem:$0x17E00] =	vst v63  }
0x1f: {  	s13 =	simm.s32 $0xB000  }
0x20: {  	[tilespmem:s13], [sflag:$0x1] =	stream.indirect.gather [hbm4b:s3+s12], $0x40, s10, s12, $0xb8;
	[tilespmem:$0x17E00] =	vst v63  }
0x21: {  	s14 =	simm.s32 $0xC8  }
0x22: {  	[tilespmem:s15], [sflag:$0x2] =	stream.indirect.gather [hbm4b:s3+s10], $0x40, s14, s10, $0xb8;
	[tilespmem:$0x17E00] =	vst v63  }
0x23: {  	_ = 	snop  }
0x24: {  	[tilespmem:s17], [sflag:$0x2] =	stream.indirect.gather [hbm4b:s3+s12], $0x40, s16, s12, $0xb8;
	[tilespmem:$0x17E00] =	vst v63  }
0x25: {  	_ = 	snop  }
0x26: {  	[tilespmem:s19], [sflag:$0x3] =	stream.indirect.gather [hbm4b:s3+s10], $0x40, s18, s10, $0xb8;
	[tilespmem:$0x17E00] =	vst v63  }
0x27: {  	s31 =	simm.s32 $0x0  }
0x28: {  	[tilespmem:s21], [sflag:$0x3] =	stream.indirect.gather [hbm4b:s3+s12], $0x40, s20, s12, $0xb8;
	[tilespmem:$0x17E00] =	vst v63  }
.LBB2_2:
0x29: {  	_ =	swait.ge [sflag:s22], $0x1A00  }
0x2a: {  	[sflag:s22] =	ssyncset.done $0x0  }
0x2b: {  	[sflag:s22] =	ssyncadd.s32 $0xFFFFE600  }
0x2c: {  	_ =	swait.ge [sflag:s22], $0x1800  }
0x2d: {  	[sflag:s22] =	ssyncset.done $0x0  }
0x2e: {  	s0 =	simm.s32 $0x0;
	[sflag:s22] =	ssyncadd.s32 $0xFFFFE800  }
0x2f: {  	v8 =	vld [tilespmem:s0+$0x97C0]  }
0x30: {  	v9 =	vld [tilespmem:s0+$0x65C0]  }
0x31: {  	v10 =	vld [tilespmem:s0+$0x97D0]  }
0x32: {  	v11 =	vld [tilespmem:s0+$0x65D0]  }
0x33: {  	v0 =	vld [tilespmem:s0+$0x97E0]  }
0x34: {  	v1 =	vld [tilespmem:s0+$0x65E0]  }
0x35: {  	v14 =	vld [tilespmem:s0+$0x9780]  }
0x36: {  	v15 =	vld [tilespmem:s0+$0x6580]  }
0x37: {  	v16 =	vld [tilespmem:s0+$0x9790]  }
0x38: {  	v17 =	vld [tilespmem:s0+$0x6590]  }
0x39: {  	v2 =	vld [tilespmem:s0+$0x97A0]  }
0x3a: {  	v3 =	vld [tilespmem:s0+$0x65A0]  }
0x3b: {  	v18 =	vld [tilespmem:s0+$0x9740]  }
0x3c: {  	v19 =	vld [tilespmem:s0+$0x6540]  }
0x3d: {  	v46 =	vld [tilespmem:s0+$0x9750]  }
0x3e: {  	v47 =	vld [tilespmem:s0+$0x6550]  }
0x3f: {  	v4 =	vld [tilespmem:s0+$0x9760]  }
0x40: {  	v5 =	vld [tilespmem:s0+$0x6560]  }
0x41: {  	v22 =	vld [tilespmem:s0+$0x9700]  }
0x42: {  	v23 =	vld [tilespmem:s0+$0x6500]  }
0x43: {  	v24 =	vld [tilespmem:s0+$0x9710]  }
0x44: {  	v25 =	vld [tilespmem:s0+$0x6510]  }
0x45: {  	v6 =	vld [tilespmem:s0+$0x9720]  }
0x46: {  	v7 =	vld [tilespmem:s0+$0x6520]  }
0x47: {  	v26 =	vld [tilespmem:s0+$0x96C0]  }
0x48: {  	v27 =	vld [tilespmem:s0+$0x64C0]  }
0x49: {  	v28 =	vld [tilespmem:s0+$0x96D0]  }
0x4a: {  	v29 =	vld [tilespmem:s0+$0x64D0]  }
0x4b: {  	v12 =	vld [tilespmem:s0+$0x96E0]  }
0x4c: {  	v13 =	vld [tilespmem:s0+$0x64E0]  }
0x4d: {  	v30 =	vld [tilespmem:s0+$0x9680]  }
0x4e: {  	v32 =	vld [tilespmem:s0+$0x6480]  }
0x4f: {  	v33 =	vld [tilespmem:s0+$0x9690]  }
0x50: {  	v35 =	vld [tilespmem:s0+$0x6490]  }
0x51: {  	v20 =	vld [tilespmem:s0+$0x96A0]  }
0x52: {  	v21 =	vld [tilespmem:s0+$0x64A0]  }
0x53: {  	v36 =	vld [tilespmem:s0+$0x9640]  }
0x54: {  	v38 =	vld [tilespmem:s0+$0x6440]  }
0x55: {  	v37 =	vld [tilespmem:s0+$0x9650]  }
0x56: {  	v39 =	vld [tilespmem:s0+$0x6450]  }
0x57: {  	v31 =	vld [tilespmem:s0+$0x9660]  }
0x58: {  	v34 =	vld [tilespmem:s0+$0x6460]  }
0x59: {  	v40 =	vld [tilespmem:s0+$0x9600]  }
0x5a: {  	v42 =	vld [tilespmem:s0+$0x6400]  }
0x5b: {  	v41 =	vld [tilespmem:s0+$0x9610]  }
0x5c: {  	v44 =	vld [tilespmem:s0+$0x6410];
	v9 =	vmul.f32 v9, v8;
	v8 =	vmul.f32 v11, v10  }
0x5d: {  	v43 =	vld [tilespmem:s0+$0x9620];
	v11 =	vmul.f32 v15, v14;
	v10 =	vmul.f32 v17, v16  }
0x5e: {  	v45 =	vld [tilespmem:s0+$0x6420];
	v16 =	vimm.f32 $0.0e+00;
	v19 =	vmul.f32 v19, v18;
	v18 =	vmul.f32 v47, v46  }
0x5f: {  	s1 =	simm.s32 $0x800;
	v46 =	vld [tilespmem:s0+$0x9630];
	v17 =	vimm.f32 $0.0e+00;
	v15 =	vimm.f32 $0.0e+00;
	v14 =	vimm.f32 $0.0e+00  }
.LBB2_3:
0x60: {  	p0 =	sne.s32 s1, $0xC000;
	v47 =	vld [tilespmem:s0+$0x6430];
	v22 =	vmul.f32 v23, v22;
	v23 =	vmul.f32 v25, v24  }
0x61: {  	v25 =	vmul.f32 v27, v26;
	v26 =	vmul.f32 v29, v28;
	v24 =	vld [tilespmem:s0+$0x9670]  }
0x62: {  	v28 =	vmul.f32 v32, v30;
	v29 =	vmul.f32 v35, v33;
	v27 =	vld [tilespmem:s0+$0x6470]  }
0x63: {  	v30 =	vmul.f32 v38, v36;
	v32 =	vmul.f32 v39, v37;
	v33 =	vld [tilespmem:s0+$0x96B0]  }
0x64: {  	v35 =	vmul.f32 v42, v40;
	v36 =	vmul.f32 v44, v41;
	v37 =	vld [tilespmem:s0+$0x64B0]  }
0x65: {  	v38 =	vmul.f32 v45, v43;
	v39 =	vmul.f32 v47, v46;
	v40 =	vld [tilespmem:s0+$0x96F0]  }
0x66: {  	v31 =	vmul.f32 v34, v31;
	v16 =	vadd.f32 v35, v16;
	v17 =	vadd.f32 v36, v17;
	v34 =	vld [tilespmem:s0+$0x64F0]  }
0x67: {  	v15 =	vadd.f32 v38, v15;
	v14 =	vadd.f32 v39, v14;
	v24 =	vmul.f32 v27, v24;
	v27 =	vld [tilespmem:s0+$0x9730]  }
0x68: {  	v20 =	vmul.f32 v21, v20;
	v16 =	vadd.f32 v30, v16;
	v17 =	vadd.f32 v32, v17;
	v21 =	vld [tilespmem:s0+$0x6530]  }
0x69: {  	v15 =	vadd.f32 v31, v15;
	v14 =	vadd.f32 v24, v14;
	v24 =	vmul.f32 v37, v33;
	v30 =	vld [tilespmem:s0+$0x9770]  }
0x6a: {  	v12 =	vmul.f32 v13, v12;
	v16 =	vadd.f32 v28, v16;
	v17 =	vadd.f32 v29, v17;
	v13 =	vld [tilespmem:s0+$0x6570]  }
0x6b: {  	v15 =	vadd.f32 v20, v15;
	v14 =	vadd.f32 v24, v14;
	v20 =	vmul.f32 v34, v40;
	v24 =	vld [tilespmem:s0+$0x97B0]  }
0x6c: {  	v6 =	vmul.f32 v7, v6;
	v16 =	vadd.f32 v25, v16;
	v17 =	vadd.f32 v26, v17;
	v7 =	vld [tilespmem:s0+$0x65B0]  }
0x6d: {  	v12 =	vadd.f32 v12, v15;
	v14 =	vadd.f32 v20, v14;
	v15 =	vmul.f32 v21, v27;
	v20 =	vld [tilespmem:s0+$0x97F0]  }
0x6e: {  	v4 =	vmul.f32 v5, v4;
	v16 =	vadd.f32 v22, v16;
	v17 =	vadd.f32 v23, v17;
	v5 =	vld [tilespmem:s0+$0x65F0];
	s0 =	sshra.s32 s1, $0x2  }
0x6f: {  	v6 =	vadd.f32 v6, v12;
	v45 =	vld [tilespmem:s0+$0x97C0];
	v12 =	vadd.f32 v15, v14;
	v13 =	vmul.f32 v13, v30  }
0x70: {  	v2 =	vmul.f32 v3, v2;
	v14 =	vadd.f32 v19, v16;
	v15 =	vadd.f32 v18, v17;
	v46 =	vld [tilespmem:s0+$0x65C0]  }
0x71: {  	v3 =	vadd.f32 v4, v6;
	v18 =	vld [tilespmem:s0+$0x97D0];
	v4 =	vadd.f32 v13, v12;
	v6 =	vmul.f32 v7, v24  }
0x72: {  	v7 =	vadd.f32 v11, v14;
	v10 =	vadd.f32 v10, v15;
	v11 =	vmul.f32 v1, v0;
	v19 =	vld [tilespmem:s0+$0x65D0]  }
0x73: {  	v2 =	vadd.f32 v2, v3;
	v0 =	vld [tilespmem:s0+$0x97E0];
	v3 =	vadd.f32 v6, v4;
	v4 =	vmul.f32 v5, v20  }
0x74: {  	v16 =	vadd.f32 v9, v7;
	v17 =	vadd.f32 v8, v10;
	v1 =	vld [tilespmem:s0+$0x65E0]  }
0x75: {  	v15 =	vadd.f32 v11, v2;
	v10 =	vld [tilespmem:s0+$0x9780];
	v14 =	vadd.f32 v4, v3  }
0x76: {  	v11 =	vld [tilespmem:s0+$0x6580]  }
0x77: {  	v47 =	vld [tilespmem:s0+$0x9790]  }
0x78: {  	v48 =	vld [tilespmem:s0+$0x6590]  }
0x79: {  	v2 =	vld [tilespmem:s0+$0x97A0]  }
0x7a: {  	v3 =	vld [tilespmem:s0+$0x65A0]  }
0x7b: {  	v49 =	vld [tilespmem:s0+$0x9740]  }
0x7c: {  	v50 =	vld [tilespmem:s0+$0x6540]  }
0x7d: {  	v51 =	vld [tilespmem:s0+$0x9750]  }
0x7e: {  	v52 =	vld [tilespmem:s0+$0x6550]  }
0x7f: {  	v4 =	vld [tilespmem:s0+$0x9760]  }
0x80: {  	v5 =	vld [tilespmem:s0+$0x6560]  }
0x81: {  	v22 =	vld [tilespmem:s0+$0x9700]  }
0x82: {  	v23 =	vld [tilespmem:s0+$0x6500]  }
0x83: {  	v24 =	vld [tilespmem:s0+$0x9710]  }
0x84: {  	v25 =	vld [tilespmem:s0+$0x6510]  }
0x85: {  	v6 =	vld [tilespmem:s0+$0x9720]  }
0x86: {  	v7 =	vld [tilespmem:s0+$0x6520]  }
0x87: {  	v26 =	vld [tilespmem:s0+$0x96C0]  }
0x88: {  	v27 =	vld [tilespmem:s0+$0x64C0]  }
0x89: {  	v28 =	vld [tilespmem:s0+$0x96D0]  }
0x8a: {  	v29 =	vld [tilespmem:s0+$0x64D0]  }
0x8b: {  	v12 =	vld [tilespmem:s0+$0x96E0]  }
0x8c: {  	v13 =	vld [tilespmem:s0+$0x64E0]  }
0x8d: {  	v30 =	vld [tilespmem:s0+$0x9680]  }
0x8e: {  	v32 =	vld [tilespmem:s0+$0x6480]  }
0x8f: {  	v33 =	vld [tilespmem:s0+$0x9690]  }
0x90: {  	v35 =	vld [tilespmem:s0+$0x6490]  }
0x91: {  	v20 =	vld [tilespmem:s0+$0x96A0]  }
0x92: {  	v21 =	vld [tilespmem:s0+$0x64A0]  }
0x93: {  	v36 =	vld [tilespmem:s0+$0x9640]  }
0x94: {  	v38 =	vld [tilespmem:s0+$0x6440]  }
0x95: {  	v37 =	vld [tilespmem:s0+$0x9650]  }
0x96: {  	v39 =	vld [tilespmem:s0+$0x6450]  }
0x97: {  	v31 =	vld [tilespmem:s0+$0x9660]  }
0x98: {  	v34 =	vld [tilespmem:s0+$0x6460]  }
0x99: {  	v40 =	vld [tilespmem:s0+$0x9600]  }
0x9a: {  	v42 =	vld [tilespmem:s0+$0x6400]  }
.Ltmp2:
0x9b: {  	v41 =	vld [tilespmem:s0+$0x9610];
	(pc) =	sbr.rel @p0 .LBB2_3-.Ltmp2, $4  }
0x9c: {  	v44 =	vld [tilespmem:s0+$0x6410]  }
0x9d: {  	v9 =	vmul.f32 v46, v45;
	v8 =	vmul.f32 v19, v18;
	v43 =	vld [tilespmem:s0+$0x9620]  }
0x9e: {  	v11 =	vmul.f32 v11, v10;
	v10 =	vmul.f32 v48, v47;
	v45 =	vld [tilespmem:s0+$0x6420]  }
0x9f: {  	s1 =	sadd.s32 $0x800, s1;
	v19 =	vmul.f32 v50, v49;
	v18 =	vmul.f32 v52, v51;
	v46 =	vld [tilespmem:s0+$0x9630]  }
0xa0: {  	v22 =	vmul.f32 v23, v22  }
0xa1: {  	v47 =	vld [tilespmem:s0+$0x6430];
	v23 =	vmul.f32 v25, v24;
	v25 =	vmul.f32 v27, v26  }
0xa2: {  	v24 =	vld [tilespmem:s0+$0x9670];
	v26 =	vmul.f32 v29, v28;
	v28 =	vmul.f32 v32, v30  }
0xa3: {  	v27 =	vld [tilespmem:s0+$0x6470];
	v29 =	vmul.f32 v42, v40;
	v30 =	vmul.f32 v35, v33  }
0xa4: {  	v54 =	vld [tilespmem:s0+$0x96B0];
	v56 =	vmul.f32 v38, v36;
	v55 =	vmul.f32 v44, v41  }
0xa5: {  	v57 =	vld [tilespmem:s0+$0x64B0];
	v31 =	vmul.f32 v34, v31;
	v16 =	vadd.f32 v29, v16;
	v58 =	vmul.f32 v45, v43  }
0xa6: {  	v60 =	vld [tilespmem:s0+$0x96F0];
	v29 =	vmul.f32 v39, v37;
	v17 =	vadd.f32 v55, v17;
	v59 =	vmul.f32 v47, v46  }
0xa7: {  	v61 =	vld [tilespmem:s0+$0x64F0];
	v20 =	vmul.f32 v21, v20;
	v16 =	vadd.f32 v56, v16;
	v15 =	vadd.f32 v58, v15  }
0xa8: {  	v21 =	vld [tilespmem:s0+$0x6530];
	v24 =	vmul.f32 v27, v24;
	v17 =	vadd.f32 v29, v17;
	v14 =	vadd.f32 v59, v14  }
0xa9: {  	v12 =	vmul.f32 v13, v12;
	v27 =	vld [tilespmem:s0+$0x9730];
	v16 =	vadd.f32 v28, v16;
	v15 =	vadd.f32 v31, v15  }
0xaa: {  	v13 =	vld [tilespmem:s0+$0x6570];
	v17 =	vadd.f32 v30, v17;
	v14 =	vadd.f32 v24, v14;
	v24 =	vmul.f32 v57, v54  }
0xab: {  	v6 =	vmul.f32 v7, v6;
	v28 =	vld [tilespmem:s0+$0x9770];
	v16 =	vadd.f32 v25, v16;
	v15 =	vadd.f32 v20, v15  }
0xac: {  	v7 =	vld [tilespmem:s0+$0x65B0];
	v20 =	vmul.f32 v61, v60;
	v17 =	vadd.f32 v26, v17;
	v14 =	vadd.f32 v24, v14  }
0xad: {  	v4 =	vmul.f32 v5, v4;
	v24 =	vld [tilespmem:s0+$0x97B0];
	v12 =	vadd.f32 v12, v15;
	v15 =	vadd.f32 v22, v16  }
0xae: {  	v5 =	vld [tilespmem:s0+$0x65F0];
	v16 =	vmul.f32 v21, v27;
	v17 =	vadd.f32 v23, v17;
	v14 =	vadd.f32 v20, v14  }
0xaf: {  	v20 =	vld [tilespmem:s0+$0x97F0];
	v6 =	vadd.f32 v6, v12;
	v12 =	vadd.f32 v19, v15  }
0xb0: {  	v13 =	vmul.f32 v13, v28;
	v15 =	vadd.f32 v18, v17;
	v14 =	vadd.f32 v16, v14  }
0xb1: {  	v2 =	vmul.f32 v3, v2;
	v3 =	vadd.f32 v4, v6;
	v4 =	vadd.f32 v11, v12  }
0xb2: {  	v10 =	vadd.f32 v10, v15;
	v7 =	vmul.f32 v7, v24;
	v6 =	vadd.f32 v13, v14  }
0xb3: {  	v0 =	vmul.f32 v1, v0;
	s14 =	sshll.u32 s31, $0x8;
	v1 =	vadd.f32 v2, v3;
	v2 =	vadd.f32 v9, v4  }
0xb4: {  	s0 =	sand.u32 $0x3FFFFF00, s14;
	v4 =	vmul.f32 v5, v20;
	v5 =	vadd.f32 v8, v10;
	v3 =	vadd.f32 v7, v6  }
0xb5: {  	s1 =	sshllo.u32 s31, $0x2;
	v0 =	vadd.f32 v0, v1;
	[tilespmem:s0+$0x15E00] =	vst v2  }
0xb6: {  	s9 =	smul.u32 $0x320, s1;
	[tilespmem:s0+$0x15E10] =	vst v5;
	v1 =	vadd.f32 v4, v3  }
0xb7: {  	[tilespmem:s0+$0x15E20] =	vst v0  }
0xb8: {  	s9 =	sshra.s32 s9, $0x2;
	[tilespmem:s0+$0x15E30] =	vst v1  }
0xb9: {  	[tilespmem:s23], [sflag:$0x4] =	stream.indirect.gather [hbm4b:s3+s10], $0x40, s9, s10, $0xb8;
	[tilespmem:$0x17E00] =	vst v63  }
0xba: {  	s9 =	sadd.s32 $0x68, s9  }
0xbb: {  	[tilespmem:s24], [sflag:$0x4] =	stream.indirect.gather [hbm4b:s3+s12], $0x40, s9, s12, $0xb8;
	[tilespmem:$0x17E00] =	vst v63  }
0xbc: {  	_ =	swait.ge [sflag:s25], $0x1A00  }
0xbd: {  	[sflag:s25] =	ssyncset.done $0x0  }
0xbe: {  	[sflag:s25] =	ssyncadd.s32 $0xFFFFE600  }
0xbf: {  	_ =	swait.ge [sflag:s25], $0x1800  }
0xc0: {  	[sflag:s25] =	ssyncset.done $0x0  }
0xc1: {  	s9 =	simm.s32 $0x0;
	[sflag:s25] =	ssyncadd.s32 $0xFFFFE800  }
0xc2: {  	v8 =	vld [tilespmem:s9+$0xC9C0]  }
0xc3: {  	v9 =	vld [tilespmem:s9+$0x65C0]  }
0xc4: {  	v10 =	vld [tilespmem:s9+$0xC9D0]  }
0xc5: {  	v11 =	vld [tilespmem:s9+$0x65D0]  }
0xc6: {  	v0 =	vld [tilespmem:s9+$0xC9E0]  }
0xc7: {  	v1 =	vld [tilespmem:s9+$0x65E0]  }
0xc8: {  	v14 =	vld [tilespmem:s9+$0xC980]  }
0xc9: {  	v15 =	vld [tilespmem:s9+$0x6580]  }
0xca: {  	v16 =	vld [tilespmem:s9+$0xC990]  }
0xcb: {  	v17 =	vld [tilespmem:s9+$0x6590]  }
0xcc: {  	v2 =	vld [tilespmem:s9+$0xC9A0]  }
0xcd: {  	v3 =	vld [tilespmem:s9+$0x65A0]  }
0xce: {  	v18 =	vld [tilespmem:s9+$0xC940]  }
0xcf: {  	v19 =	vld [tilespmem:s9+$0x6540]  }
0xd0: {  	v62 =	vld [tilespmem:s9+$0xC950]  }
0xd1: {  	v63 =	vld [tilespmem:s9+$0x6550]  }
0xd2: {  	v4 =	vld [tilespmem:s9+$0xC960]  }
0xd3: {  	v5 =	vld [tilespmem:s9+$0x6560]  }
0xd4: {  	v22 =	vld [tilespmem:s9+$0xC900]  }
0xd5: {  	v23 =	vld [tilespmem:s9+$0x6500]  }
0xd6: {  	v24 =	vld [tilespmem:s9+$0xC910]  }
0xd7: {  	v25 =	vld [tilespmem:s9+$0x6510]  }
0xd8: {  	v6 =	vld [tilespmem:s9+$0xC920]  }
0xd9: {  	v7 =	vld [tilespmem:s9+$0x6520]  }
0xda: {  	v26 =	vld [tilespmem:s9+$0xC8C0]  }
0xdb: {  	v27 =	vld [tilespmem:s9+$0x64C0]  }
0xdc: {  	v28 =	vld [tilespmem:s9+$0xC8D0]  }
0xdd: {  	v29 =	vld [tilespmem:s9+$0x64D0]  }
0xde: {  	v12 =	vld [tilespmem:s9+$0xC8E0]  }
0xdf: {  	v13 =	vld [tilespmem:s9+$0x64E0]  }
0xe0: {  	v30 =	vld [tilespmem:s9+$0xC880]  }
0xe1: {  	v32 =	vld [tilespmem:s9+$0x6480]  }
0xe2: {  	v33 =	vld [tilespmem:s9+$0xC890]  }
0xe3: {  	v35 =	vld [tilespmem:s9+$0x6490]  }
0xe4: {  	v20 =	vld [tilespmem:s9+$0xC8A0]  }
0xe5: {  	v21 =	vld [tilespmem:s9+$0x64A0]  }
0xe6: {  	v36 =	vld [tilespmem:s9+$0xC840]  }
0xe7: {  	v38 =	vld [tilespmem:s9+$0x6440]  }
0xe8: {  	v37 =	vld [tilespmem:s9+$0xC850]  }
0xe9: {  	v39 =	vld [tilespmem:s9+$0x6450]  }
0xea: {  	v31 =	vld [tilespmem:s9+$0xC860]  }
0xeb: {  	v34 =	vld [tilespmem:s9+$0x6460]  }
0xec: {  	v40 =	vld [tilespmem:s9+$0xC800]  }
0xed: {  	v42 =	vld [tilespmem:s9+$0x6400]  }
0xee: {  	v41 =	vld [tilespmem:s9+$0xC810]  }
0xef: {  	v44 =	vld [tilespmem:s9+$0x6410];
	v9 =	vmul.f32 v9, v8;
	v8 =	vmul.f32 v11, v10  }
0xf0: {  	v43 =	vld [tilespmem:s9+$0xC820];
	v11 =	vmul.f32 v15, v14;
	v10 =	vmul.f32 v17, v16  }
0xf1: {  	v45 =	vld [tilespmem:s9+$0x6420];
	v16 =	vimm.f32 $0.0e+00;
	v19 =	vmul.f32 v19, v18;
	v18 =	vmul.f32 v63, v62  }
0xf2: {  	s11 =	simm.s32 $0x800;
	v46 =	vld [tilespmem:s9+$0xC830];
	v17 =	vimm.f32 $0.0e+00;
	v15 =	vimm.f32 $0.0e+00;
	v14 =	vimm.f32 $0.0e+00  }
.LBB2_5:
0xf3: {  	p0 =	sne.s32 s11, $0xC000;
	v47 =	vld [tilespmem:s9+$0x6430];
	v22 =	vmul.f32 v23, v22;
	v23 =	vmul.f32 v25, v24  }
0xf4: {  	v25 =	vmul.f32 v27, v26;
	v26 =	vmul.f32 v29, v28;
	v24 =	vld [tilespmem:s9+$0xC870]  }
0xf5: {  	v28 =	vmul.f32 v32, v30;
	v29 =	vmul.f32 v35, v33;
	v27 =	vld [tilespmem:s9+$0x6470]  }
0xf6: {  	v30 =	vmul.f32 v38, v36;
	v32 =	vmul.f32 v39, v37;
	v33 =	vld [tilespmem:s9+$0xC8B0]  }
0xf7: {  	v35 =	vmul.f32 v42, v40;
	v36 =	vmul.f32 v44, v41;
	v37 =	vld [tilespmem:s9+$0x64B0]  }
0xf8: {  	v38 =	vmul.f32 v45, v43;
	v39 =	vmul.f32 v47, v46;
	v40 =	vld [tilespmem:s9+$0xC8F0]  }
0xf9: {  	v31 =	vmul.f32 v34, v31;
	v16 =	vadd.f32 v35, v16;
	v17 =	vadd.f32 v36, v17;
	v34 =	vld [tilespmem:s9+$0x64F0]  }
0xfa: {  	v15 =	vadd.f32 v38, v15;
	v14 =	vadd.f32 v39, v14;
	v24 =	vmul.f32 v27, v24;
	v27 =	vld [tilespmem:s9+$0xC930]  }
0xfb: {  	v20 =	vmul.f32 v21, v20;
	v16 =	vadd.f32 v30, v16;
	v17 =	vadd.f32 v32, v17;
	v21 =	vld [tilespmem:s9+$0x6530]  }
0xfc: {  	v15 =	vadd.f32 v31, v15;
	v14 =	vadd.f32 v24, v14;
	v24 =	vmul.f32 v37, v33;
	v30 =	vld [tilespmem:s9+$0xC970]  }
0xfd: {  	v12 =	vmul.f32 v13, v12;
	v16 =	vadd.f32 v28, v16;
	v17 =	vadd.f32 v29, v17;
	v13 =	vld [tilespmem:s9+$0x6570]  }
0xfe: {  	v15 =	vadd.f32 v20, v15;
	v14 =	vadd.f32 v24, v14;
	v20 =	vmul.f32 v34, v40;
	v24 =	vld [tilespmem:s9+$0xC9B0]  }
0xff: {  	v6 =	vmul.f32 v7, v6;
	v16 =	vadd.f32 v25, v16;
	v17 =	vadd.f32 v26, v17;
	v7 =	vld [tilespmem:s9+$0x65B0]  }
0x100: {  	v12 =	vadd.f32 v12, v15;
	v14 =	vadd.f32 v20, v14;
	v15 =	vmul.f32 v21, v27;
	v20 =	vld [tilespmem:s9+$0xC9F0]  }
0x101: {  	v4 =	vmul.f32 v5, v4;
	v16 =	vadd.f32 v22, v16;
	v17 =	vadd.f32 v23, v17;
	v5 =	vld [tilespmem:s9+$0x65F0];
	s9 =	sshra.s32 s11, $0x2  }
0x102: {  	v6 =	vadd.f32 v6, v12;
	v45 =	vld [tilespmem:s9+$0xC9C0];
	v12 =	vadd.f32 v15, v14;
	v13 =	vmul.f32 v13, v30  }
0x103: {  	v2 =	vmul.f32 v3, v2;
	v14 =	vadd.f32 v19, v16;
	v15 =	vadd.f32 v18, v17;
	v46 =	vld [tilespmem:s9+$0x65C0]  }
0x104: {  	v3 =	vadd.f32 v4, v6;
	v18 =	vld [tilespmem:s9+$0xC9D0];
	v4 =	vadd.f32 v13, v12;
	v6 =	vmul.f32 v7, v24  }
0x105: {  	v7 =	vadd.f32 v11, v14;
	v10 =	vadd.f32 v10, v15;
	v11 =	vmul.f32 v1, v0;
	v19 =	vld [tilespmem:s9+$0x65D0]  }
0x106: {  	v2 =	vadd.f32 v2, v3;
	v0 =	vld [tilespmem:s9+$0xC9E0];
	v3 =	vadd.f32 v6, v4;
	v4 =	vmul.f32 v5, v20  }
0x107: {  	v16 =	vadd.f32 v9, v7;
	v17 =	vadd.f32 v8, v10;
	v1 =	vld [tilespmem:s9+$0x65E0]  }
0x108: {  	v15 =	vadd.f32 v11, v2;
	v10 =	vld [tilespmem:s9+$0xC980];
	v14 =	vadd.f32 v4, v3  }
0x109: {  	v11 =	vld [tilespmem:s9+$0x6580]  }
0x10a: {  	v47 =	vld [tilespmem:s9+$0xC990]  }
0x10b: {  	v48 =	vld [tilespmem:s9+$0x6590]  }
0x10c: {  	v2 =	vld [tilespmem:s9+$0xC9A0]  }
0x10d: {  	v3 =	vld [tilespmem:s9+$0x65A0]  }
0x10e: {  	v49 =	vld [tilespmem:s9+$0xC940]  }
0x10f: {  	v50 =	vld [tilespmem:s9+$0x6540]  }
0x110: {  	v51 =	vld [tilespmem:s9+$0xC950]  }
0x111: {  	v52 =	vld [tilespmem:s9+$0x6550]  }
0x112: {  	v4 =	vld [tilespmem:s9+$0xC960]  }
0x113: {  	v5 =	vld [tilespmem:s9+$0x6560]  }
0x114: {  	v22 =	vld [tilespmem:s9+$0xC900]  }
0x115: {  	v23 =	vld [tilespmem:s9+$0x6500]  }
0x116: {  	v24 =	vld [tilespmem:s9+$0xC910]  }
0x117: {  	v25 =	vld [tilespmem:s9+$0x6510]  }
0x118: {  	v6 =	vld [tilespmem:s9+$0xC920]  }
0x119: {  	v7 =	vld [tilespmem:s9+$0x6520]  }
0x11a: {  	v26 =	vld [tilespmem:s9+$0xC8C0]  }
0x11b: {  	v27 =	vld [tilespmem:s9+$0x64C0]  }
0x11c: {  	v28 =	vld [tilespmem:s9+$0xC8D0]  }
0x11d: {  	v29 =	vld [tilespmem:s9+$0x64D0]  }
0x11e: {  	v12 =	vld [tilespmem:s9+$0xC8E0]  }
0x11f: {  	v13 =	vld [tilespmem:s9+$0x64E0]  }
0x120: {  	v30 =	vld [tilespmem:s9+$0xC880]  }
0x121: {  	v32 =	vld [tilespmem:s9+$0x6480]  }
0x122: {  	v33 =	vld [tilespmem:s9+$0xC890]  }
0x123: {  	v35 =	vld [tilespmem:s9+$0x6490]  }
0x124: {  	v20 =	vld [tilespmem:s9+$0xC8A0]  }
0x125: {  	v21 =	vld [tilespmem:s9+$0x64A0]  }
0x126: {  	v36 =	vld [tilespmem:s9+$0xC840]  }
0x127: {  	v38 =	vld [tilespmem:s9+$0x6440]  }
0x128: {  	v37 =	vld [tilespmem:s9+$0xC850]  }
0x129: {  	v39 =	vld [tilespmem:s9+$0x6450]  }
0x12a: {  	v31 =	vld [tilespmem:s9+$0xC860]  }
0x12b: {  	v34 =	vld [tilespmem:s9+$0x6460]  }
0x12c: {  	v40 =	vld [tilespmem:s9+$0xC800]  }
0x12d: {  	v42 =	vld [tilespmem:s9+$0x6400]  }
.Ltmp3:
0x12e: {  	v41 =	vld [tilespmem:s9+$0xC810];
	(pc) =	sbr.rel @p0 .LBB2_5-.Ltmp3, $4  }
0x12f: {  	v44 =	vld [tilespmem:s9+$0x6410]  }
0x130: {  	v9 =	vmul.f32 v46, v45;
	v8 =	vmul.f32 v19, v18;
	v43 =	vld [tilespmem:s9+$0xC820]  }
0x131: {  	v11 =	vmul.f32 v11, v10;
	v10 =	vmul.f32 v48, v47;
	v45 =	vld [tilespmem:s9+$0x6420]  }
0x132: {  	s11 =	sadd.s32 $0x800, s11;
	v19 =	vmul.f32 v50, v49;
	v18 =	vmul.f32 v52, v51;
	v46 =	vld [tilespmem:s9+$0xC830]  }
0x133: {  	v22 =	vmul.f32 v23, v22  }
0x134: {  	v47 =	vld [tilespmem:s9+$0x6430];
	v23 =	vmul.f32 v25, v24;
	v25 =	vmul.f32 v27, v26  }
0x135: {  	v24 =	vld [tilespmem:s9+$0xC870];
	v26 =	vmul.f32 v29, v28;
	v28 =	vmul.f32 v32, v30  }
0x136: {  	v27 =	vld [tilespmem:s9+$0x6470];
	v29 =	vmul.f32 v42, v40;
	v30 =	vmul.f32 v35, v33  }
0x137: {  	v54 =	vld [tilespmem:s9+$0xC8B0];
	v56 =	vmul.f32 v38, v36;
	v55 =	vmul.f32 v44, v41  }
0x138: {  	v57 =	vld [tilespmem:s9+$0x64B0];
	v31 =	vmul.f32 v34, v31;
	v16 =	vadd.f32 v29, v16;
	v58 =	vmul.f32 v45, v43  }
0x139: {  	v60 =	vld [tilespmem:s9+$0xC8F0];
	v29 =	vmul.f32 v39, v37;
	v17 =	vadd.f32 v55, v17;
	v59 =	vmul.f32 v47, v46  }
0x13a: {  	v61 =	vld [tilespmem:s9+$0x64F0];
	v20 =	vmul.f32 v21, v20;
	v16 =	vadd.f32 v56, v16;
	v15 =	vadd.f32 v58, v15  }
0x13b: {  	v21 =	vld [tilespmem:s9+$0x6530];
	v24 =	vmul.f32 v27, v24;
	v17 =	vadd.f32 v29, v17;
	v14 =	vadd.f32 v59, v14  }
0x13c: {  	v12 =	vmul.f32 v13, v12;
	v27 =	vld [tilespmem:s9+$0xC930];
	v16 =	vadd.f32 v28, v16;
	v15 =	vadd.f32 v31, v15  }
0x13d: {  	v13 =	vld [tilespmem:s9+$0x6570];
	v17 =	vadd.f32 v30, v17;
	v14 =	vadd.f32 v24, v14;
	v24 =	vmul.f32 v57, v54  }
0x13e: {  	v6 =	vmul.f32 v7, v6;
	v28 =	vld [tilespmem:s9+$0xC970];
	v16 =	vadd.f32 v25, v16;
	v15 =	vadd.f32 v20, v15  }
0x13f: {  	v7 =	vld [tilespmem:s9+$0x65B0];
	v20 =	vmul.f32 v61, v60;
	v17 =	vadd.f32 v26, v17;
	v14 =	vadd.f32 v24, v14  }
0x140: {  	v4 =	vmul.f32 v5, v4;
	v24 =	vld [tilespmem:s9+$0xC9B0];
	v12 =	vadd.f32 v12, v15;
	v15 =	vadd.f32 v22, v16  }
0x141: {  	v5 =	vld [tilespmem:s9+$0x65F0];
	v16 =	vmul.f32 v21, v27;
	v17 =	vadd.f32 v23, v17;
	v14 =	vadd.f32 v20, v14  }
0x142: {  	v20 =	vld [tilespmem:s9+$0xC9F0];
	v6 =	vadd.f32 v6, v12;
	v12 =	vadd.f32 v19, v15  }
0x143: {  	v13 =	vmul.f32 v13, v28;
	v15 =	vadd.f32 v18, v17;
	v14 =	vadd.f32 v16, v14  }
0x144: {  	v2 =	vmul.f32 v3, v2;
	v3 =	vadd.f32 v4, v6;
	v4 =	vadd.f32 v11, v12  }
0x145: {  	v10 =	vadd.f32 v10, v15;
	v7 =	vmul.f32 v7, v24;
	v6 =	vadd.f32 v13, v14  }
0x146: {  	v0 =	vmul.f32 v1, v0;
	v1 =	vadd.f32 v2, v3;
	v2 =	vadd.f32 v9, v4  }
0x147: {  	p0 =	seq.s32 s31, $0x1F;
	v4 =	vmul.f32 v5, v20;
	v5 =	vadd.f32 v8, v10;
	v3 =	vadd.f32 v7, v6  }
0x148: {  	s9 =	smul.u32 @!p0 $0xC80, s31;
	v0 =	vadd.f32 v0, v1;
	[tilespmem:s0+$0x15E40] =	vst v2  }
0x149: {  	[tilespmem:s0+$0x15E50] =	vst v5;
	v1 =	vadd.f32 v4, v3  }
0x14a: {  	s9 =	sshra.s32 @!p0 s9, $0x2;
	[tilespmem:s0+$0x15E60] =	vst v0  }
0x14b: {  	s13 =	simm.s32 @!p0 $0x68;
	s14 =	simm.s32 @!p0 $0x9600;
	s11 =	sadd.s32 @!p0 $0x320, s9;
	[tilespmem:s0+$0x15E70] =	vst v1  }
0x14c: {  	[tilespmem:s14], [sflag:$0x1] =	stream.indirect.gather @!p0 [hbm4b:s3+s13], $0x40, s11, s13, $0xb8;
	[tilespmem:$0x17E00] =	vst v63  }
0x14d: {  	s11 =	sadd.s32 @!p0 $0x388, s9;
	s13 =	simm.s32 @!p0 $0x60;
	s14 =	simm.s32 @!p0 $0xB000  }
0x14e: {  	[tilespmem:s14], [sflag:$0x1] =	stream.indirect.gather @!p0 [hbm4b:s3+s13], $0x40, s11, s13, $0xb8;
	[tilespmem:$0x17E00] =	vst v63  }
0x14f: {  	_ =	swait.ge [sflag:s26], $0x1A00  }
0x150: {  	[sflag:s26] =	ssyncset.done $0x0  }
0x151: {  	[sflag:s26] =	ssyncadd.s32 $0xFFFFE600  }
0x152: {  	_ =	swait.ge [sflag:s26], $0x1800  }
0x153: {  	[sflag:s26] =	ssyncset.done $0x0  }
0x154: {  	s11 =	simm.s32 $0x0;
	[sflag:s26] =	ssyncadd.s32 $0xFFFFE800  }
0x155: {  	v8 =	vld [tilespmem:s11+$0xFBC0]  }
0x156: {  	v9 =	vld [tilespmem:s11+$0x65C0]  }
0x157: {  	v10 =	vld [tilespmem:s11+$0xFBD0]  }
0x158: {  	v11 =	vld [tilespmem:s11+$0x65D0]  }
0x159: {  	v0 =	vld [tilespmem:s11+$0xFBE0]  }
0x15a: {  	v1 =	vld [tilespmem:s11+$0x65E0]  }
0x15b: {  	v14 =	vld [tilespmem:s11+$0xFB80]  }
0x15c: {  	v15 =	vld [tilespmem:s11+$0x6580]  }
0x15d: {  	v16 =	vld [tilespmem:s11+$0xFB90]  }
0x15e: {  	v17 =	vld [tilespmem:s11+$0x6590]  }
0x15f: {  	v2 =	vld [tilespmem:s11+$0xFBA0]  }
0x160: {  	v3 =	vld [tilespmem:s11+$0x65A0]  }
0x161: {  	v18 =	vld [tilespmem:s11+$0xFB40]  }
0x162: {  	v19 =	vld [tilespmem:s11+$0x6540]  }
0x163: {  	v62 =	vld [tilespmem:s11+$0xFB50]  }
0x164: {  	v63 =	vld [tilespmem:s11+$0x6550]  }
0x165: {  	v4 =	vld [tilespmem:s11+$0xFB60]  }
0x166: {  	v5 =	vld [tilespmem:s11+$0x6560]  }
0x167: {  	v22 =	vld [tilespmem:s11+$0xFB00]  }
0x168: {  	v23 =	vld [tilespmem:s11+$0x6500]  }
0x169: {  	v24 =	vld [tilespmem:s11+$0xFB10]  }
0x16a: {  	v25 =	vld [tilespmem:s11+$0x6510]  }
0x16b: {  	v6 =	vld [tilespmem:s11+$0xFB20]  }
0x16c: {  	v7 =	vld [tilespmem:s11+$0x6520]  }
0x16d: {  	v26 =	vld [tilespmem:s11+$0xFAC0]  }
0x16e: {  	v27 =	vld [tilespmem:s11+$0x64C0]  }
0x16f: {  	v28 =	vld [tilespmem:s11+$0xFAD0]  }
0x170: {  	v29 =	vld [tilespmem:s11+$0x64D0]  }
0x171: {  	v12 =	vld [tilespmem:s11+$0xFAE0]  }
0x172: {  	v13 =	vld [tilespmem:s11+$0x64E0]  }
0x173: {  	v30 =	vld [tilespmem:s11+$0xFA80]  }
0x174: {  	v32 =	vld [tilespmem:s11+$0x6480]  }
0x175: {  	v33 =	vld [tilespmem:s11+$0xFA90]  }
0x176: {  	v35 =	vld [tilespmem:s11+$0x6490]  }
0x177: {  	v20 =	vld [tilespmem:s11+$0xFAA0]  }
0x178: {  	v21 =	vld [tilespmem:s11+$0x64A0]  }
0x179: {  	v36 =	vld [tilespmem:s11+$0xFA40]  }
0x17a: {  	v38 =	vld [tilespmem:s11+$0x6440]  }
0x17b: {  	v37 =	vld [tilespmem:s11+$0xFA50]  }
0x17c: {  	v39 =	vld [tilespmem:s11+$0x6450]  }
0x17d: {  	v31 =	vld [tilespmem:s11+$0xFA60]  }
0x17e: {  	v34 =	vld [tilespmem:s11+$0x6460]  }
0x17f: {  	v40 =	vld [tilespmem:s11+$0xFA00]  }
0x180: {  	v42 =	vld [tilespmem:s11+$0x6400]  }
0x181: {  	v41 =	vld [tilespmem:s11+$0xFA10]  }
0x182: {  	v44 =	vld [tilespmem:s11+$0x6410];
	v9 =	vmul.f32 v9, v8;
	v8 =	vmul.f32 v11, v10  }
0x183: {  	v43 =	vld [tilespmem:s11+$0xFA20];
	v11 =	vmul.f32 v15, v14;
	v10 =	vmul.f32 v17, v16  }
0x184: {  	v45 =	vld [tilespmem:s11+$0x6420];
	v16 =	vimm.f32 $0.0e+00;
	v19 =	vmul.f32 v19, v18;
	v18 =	vmul.f32 v63, v62  }
0x185: {  	s13 =	simm.s32 $0x800;
	v46 =	vld [tilespmem:s11+$0xFA30];
	v17 =	vimm.f32 $0.0e+00;
	v15 =	vimm.f32 $0.0e+00;
	v14 =	vimm.f32 $0.0e+00  }
.LBB2_7:
0x186: {  	p1 =	sne.s32 s13, $0xC000;
	v47 =	vld [tilespmem:s11+$0x6430];
	v22 =	vmul.f32 v23, v22;
	v23 =	vmul.f32 v25, v24  }
0x187: {  	v25 =	vmul.f32 v27, v26;
	v26 =	vmul.f32 v29, v28;
	v24 =	vld [tilespmem:s11+$0xFA70]  }
0x188: {  	v28 =	vmul.f32 v32, v30;
	v29 =	vmul.f32 v35, v33;
	v27 =	vld [tilespmem:s11+$0x6470]  }
0x189: {  	v30 =	vmul.f32 v38, v36;
	v32 =	vmul.f32 v39, v37;
	v33 =	vld [tilespmem:s11+$0xFAB0]  }
0x18a: {  	v35 =	vmul.f32 v42, v40;
	v36 =	vmul.f32 v44, v41;
	v37 =	vld [tilespmem:s11+$0x64B0]  }
0x18b: {  	v38 =	vmul.f32 v45, v43;
	v39 =	vmul.f32 v47, v46;
	v40 =	vld [tilespmem:s11+$0xFAF0]  }
0x18c: {  	v31 =	vmul.f32 v34, v31;
	v16 =	vadd.f32 v35, v16;
	v17 =	vadd.f32 v36, v17;
	v34 =	vld [tilespmem:s11+$0x64F0]  }
0x18d: {  	v15 =	vadd.f32 v38, v15;
	v14 =	vadd.f32 v39, v14;
	v24 =	vmul.f32 v27, v24;
	v27 =	vld [tilespmem:s11+$0xFB30]  }
0x18e: {  	v20 =	vmul.f32 v21, v20;
	v16 =	vadd.f32 v30, v16;
	v17 =	vadd.f32 v32, v17;
	v21 =	vld [tilespmem:s11+$0x6530]  }
0x18f: {  	v15 =	vadd.f32 v31, v15;
	v14 =	vadd.f32 v24, v14;
	v24 =	vmul.f32 v37, v33;
	v30 =	vld [tilespmem:s11+$0xFB70]  }
0x190: {  	v12 =	vmul.f32 v13, v12;
	v16 =	vadd.f32 v28, v16;
	v17 =	vadd.f32 v29, v17;
	v13 =	vld [tilespmem:s11+$0x6570]  }
0x191: {  	v15 =	vadd.f32 v20, v15;
	v14 =	vadd.f32 v24, v14;
	v20 =	vmul.f32 v34, v40;
	v24 =	vld [tilespmem:s11+$0xFBB0]  }
0x192: {  	v6 =	vmul.f32 v7, v6;
	v16 =	vadd.f32 v25, v16;
	v17 =	vadd.f32 v26, v17;
	v7 =	vld [tilespmem:s11+$0x65B0]  }
0x193: {  	v12 =	vadd.f32 v12, v15;
	v14 =	vadd.f32 v20, v14;
	v15 =	vmul.f32 v21, v27;
	v20 =	vld [tilespmem:s11+$0xFBF0]  }
0x194: {  	v4 =	vmul.f32 v5, v4;
	v16 =	vadd.f32 v22, v16;
	v17 =	vadd.f32 v23, v17;
	v5 =	vld [tilespmem:s11+$0x65F0];
	s11 =	sshra.s32 s13, $0x2  }
0x195: {  	v6 =	vadd.f32 v6, v12;
	v45 =	vld [tilespmem:s11+$0xFBC0];
	v12 =	vadd.f32 v15, v14;
	v13 =	vmul.f32 v13, v30  }
0x196: {  	v2 =	vmul.f32 v3, v2;
	v14 =	vadd.f32 v19, v16;
	v15 =	vadd.f32 v18, v17;
	v46 =	vld [tilespmem:s11+$0x65C0]  }
0x197: {  	v3 =	vadd.f32 v4, v6;
	v18 =	vld [tilespmem:s11+$0xFBD0];
	v4 =	vadd.f32 v13, v12;
	v6 =	vmul.f32 v7, v24  }
0x198: {  	v7 =	vadd.f32 v11, v14;
	v10 =	vadd.f32 v10, v15;
	v11 =	vmul.f32 v1, v0;
	v19 =	vld [tilespmem:s11+$0x65D0]  }
0x199: {  	v2 =	vadd.f32 v2, v3;
	v0 =	vld [tilespmem:s11+$0xFBE0];
	v3 =	vadd.f32 v6, v4;
	v4 =	vmul.f32 v5, v20  }
0x19a: {  	v16 =	vadd.f32 v9, v7;
	v17 =	vadd.f32 v8, v10;
	v1 =	vld [tilespmem:s11+$0x65E0]  }
0x19b: {  	v15 =	vadd.f32 v11, v2;
	v10 =	vld [tilespmem:s11+$0xFB80];
	v14 =	vadd.f32 v4, v3  }
0x19c: {  	v11 =	vld [tilespmem:s11+$0x6580]  }
0x19d: {  	v47 =	vld [tilespmem:s11+$0xFB90]  }
0x19e: {  	v48 =	vld [tilespmem:s11+$0x6590]  }
0x19f: {  	v2 =	vld [tilespmem:s11+$0xFBA0]  }
0x1a0: {  	v3 =	vld [tilespmem:s11+$0x65A0]  }
0x1a1: {  	v49 =	vld [tilespmem:s11+$0xFB40]  }
0x1a2: {  	v50 =	vld [tilespmem:s11+$0x6540]  }
0x1a3: {  	v51 =	vld [tilespmem:s11+$0xFB50]  }
0x1a4: {  	v52 =	vld [tilespmem:s11+$0x6550]  }
0x1a5: {  	v4 =	vld [tilespmem:s11+$0xFB60]  }
0x1a6: {  	v5 =	vld [tilespmem:s11+$0x6560]  }
0x1a7: {  	v22 =	vld [tilespmem:s11+$0xFB00]  }
0x1a8: {  	v23 =	vld [tilespmem:s11+$0x6500]  }
0x1a9: {  	v24 =	vld [tilespmem:s11+$0xFB10]  }
0x1aa: {  	v25 =	vld [tilespmem:s11+$0x6510]  }
0x1ab: {  	v6 =	vld [tilespmem:s11+$0xFB20]  }
0x1ac: {  	v7 =	vld [tilespmem:s11+$0x6520]  }
0x1ad: {  	v26 =	vld [tilespmem:s11+$0xFAC0]  }
0x1ae: {  	v27 =	vld [tilespmem:s11+$0x64C0]  }
0x1af: {  	v28 =	vld [tilespmem:s11+$0xFAD0]  }
0x1b0: {  	v29 =	vld [tilespmem:s11+$0x64D0]  }
0x1b1: {  	v12 =	vld [tilespmem:s11+$0xFAE0]  }
0x1b2: {  	v13 =	vld [tilespmem:s11+$0x64E0]  }
0x1b3: {  	v30 =	vld [tilespmem:s11+$0xFA80]  }
0x1b4: {  	v32 =	vld [tilespmem:s11+$0x6480]  }
0x1b5: {  	v33 =	vld [tilespmem:s11+$0xFA90]  }
0x1b6: {  	v35 =	vld [tilespmem:s11+$0x6490]  }
0x1b7: {  	v20 =	vld [tilespmem:s11+$0xFAA0]  }
0x1b8: {  	v21 =	vld [tilespmem:s11+$0x64A0]  }
0x1b9: {  	v36 =	vld [tilespmem:s11+$0xFA40]  }
0x1ba: {  	v38 =	vld [tilespmem:s11+$0x6440]  }
0x1bb: {  	v37 =	vld [tilespmem:s11+$0xFA50]  }
0x1bc: {  	v39 =	vld [tilespmem:s11+$0x6450]  }
0x1bd: {  	v31 =	vld [tilespmem:s11+$0xFA60]  }
0x1be: {  	v34 =	vld [tilespmem:s11+$0x6460]  }
0x1bf: {  	v40 =	vld [tilespmem:s11+$0xFA00]  }
0x1c0: {  	v42 =	vld [tilespmem:s11+$0x6400]  }
.Ltmp4:
0x1c1: {  	v41 =	vld [tilespmem:s11+$0xFA10];
	(pc) =	sbr.rel @p1 .LBB2_7-.Ltmp4, $4  }
0x1c2: {  	v44 =	vld [tilespmem:s11+$0x6410]  }
0x1c3: {  	v9 =	vmul.f32 v46, v45;
	v8 =	vmul.f32 v19, v18;
	v43 =	vld [tilespmem:s11+$0xFA20]  }
0x1c4: {  	v11 =	vmul.f32 v11, v10;
	v10 =	vmul.f32 v48, v47;
	v45 =	vld [tilespmem:s11+$0x6420]  }
0x1c5: {  	s13 =	sadd.s32 $0x800, s13;
	v19 =	vmul.f32 v50, v49;
	v18 =	vmul.f32 v52, v51;
	v46 =	vld [tilespmem:s11+$0xFA30]  }
0x1c6: {  	v22 =	vmul.f32 v23, v22  }
0x1c7: {  	v47 =	vld [tilespmem:s11+$0x6430];
	v23 =	vmul.f32 v25, v24;
	v25 =	vmul.f32 v27, v26  }
0x1c8: {  	v24 =	vld [tilespmem:s11+$0xFA70];
	v26 =	vmul.f32 v29, v28;
	v28 =	vmul.f32 v32, v30  }
0x1c9: {  	v27 =	vld [tilespmem:s11+$0x6470];
	v29 =	vmul.f32 v42, v40;
	v30 =	vmul.f32 v35, v33  }
0x1ca: {  	v54 =	vld [tilespmem:s11+$0xFAB0];
	v56 =	vmul.f32 v38, v36;
	v55 =	vmul.f32 v44, v41  }
0x1cb: {  	v57 =	vld [tilespmem:s11+$0x64B0];
	v31 =	vmul.f32 v34, v31;
	v16 =	vadd.f32 v29, v16;
	v58 =	vmul.f32 v45, v43  }
0x1cc: {  	v60 =	vld [tilespmem:s11+$0xFAF0];
	v29 =	vmul.f32 v39, v37;
	v17 =	vadd.f32 v55, v17;
	v59 =	vmul.f32 v47, v46  }
0x1cd: {  	v61 =	vld [tilespmem:s11+$0x64F0];
	v20 =	vmul.f32 v21, v20;
	v16 =	vadd.f32 v56, v16;
	v15 =	vadd.f32 v58, v15  }
0x1ce: {  	v21 =	vld [tilespmem:s11+$0x6530];
	v24 =	vmul.f32 v27, v24;
	v17 =	vadd.f32 v29, v17;
	v14 =	vadd.f32 v59, v14  }
0x1cf: {  	v12 =	vmul.f32 v13, v12;
	v27 =	vld [tilespmem:s11+$0xFB30];
	v16 =	vadd.f32 v28, v16;
	v15 =	vadd.f32 v31, v15  }
0x1d0: {  	v13 =	vld [tilespmem:s11+$0x6570];
	v17 =	vadd.f32 v30, v17;
	v14 =	vadd.f32 v24, v14;
	v24 =	vmul.f32 v57, v54  }
0x1d1: {  	v6 =	vmul.f32 v7, v6;
	v28 =	vld [tilespmem:s11+$0xFB70];
	v16 =	vadd.f32 v25, v16;
	v15 =	vadd.f32 v20, v15  }
0x1d2: {  	v7 =	vld [tilespmem:s11+$0x65B0];
	v20 =	vmul.f32 v61, v60;
	v17 =	vadd.f32 v26, v17;
	v14 =	vadd.f32 v24, v14  }
0x1d3: {  	v4 =	vmul.f32 v5, v4;
	v24 =	vld [tilespmem:s11+$0xFBB0];
	v12 =	vadd.f32 v12, v15;
	v15 =	vadd.f32 v22, v16  }
0x1d4: {  	v5 =	vld [tilespmem:s11+$0x65F0];
	v16 =	vmul.f32 v21, v27;
	v17 =	vadd.f32 v23, v17;
	v14 =	vadd.f32 v20, v14  }
0x1d5: {  	v20 =	vld [tilespmem:s11+$0xFBF0];
	v6 =	vadd.f32 v6, v12;
	v12 =	vadd.f32 v19, v15  }
0x1d6: {  	v13 =	vmul.f32 v13, v28;
	v15 =	vadd.f32 v18, v17;
	v14 =	vadd.f32 v16, v14  }
0x1d7: {  	v2 =	vmul.f32 v3, v2;
	v3 =	vadd.f32 v4, v6;
	v4 =	vadd.f32 v11, v12  }
0x1d8: {  	v10 =	vadd.f32 v10, v15;
	v7 =	vmul.f32 v7, v24;
	v6 =	vadd.f32 v13, v14  }
0x1d9: {  	v0 =	vmul.f32 v1, v0;
	v1 =	vadd.f32 v2, v3;
	v2 =	vadd.f32 v9, v4  }
0x1da: {  	v4 =	vmul.f32 v5, v20;
	v5 =	vadd.f32 v8, v10;
	v3 =	vadd.f32 v7, v6  }
0x1db: {  	v0 =	vadd.f32 v0, v1;
	[tilespmem:s0+$0x15E80] =	vst v2  }
0x1dc: {  	[tilespmem:s0+$0x15E90] =	vst v5;
	v1 =	vadd.f32 v4, v3  }
0x1dd: {  	[tilespmem:s0+$0x15EA0] =	vst v0  }
0x1de: {  	s13 =	simm.s32 @!p0 $0xC800;
	s11 =	simm.s32 @!p0 $0x68;
	[tilespmem:s0+$0x15EB0] =	vst v1;
	s0 =	sadd.s32 @!p0 $0x3E8, s9  }
0x1df: {  	[tilespmem:s13], [sflag:$0x2] =	stream.indirect.gather @!p0 [hbm4b:s3+s11], $0x40, s0, s11, $0xb8;
	[tilespmem:$0x17E00] =	vst v63  }
0x1e0: {  	s0 =	sadd.s32 @!p0 $0x450, s9;
	s9 =	simm.s32 @!p0 $0x60;
	s11 =	simm.s32 @!p0 $0xE200  }
0x1e1: {  	[tilespmem:s11], [sflag:$0x2] =	stream.indirect.gather @!p0 [hbm4b:s3+s9], $0x40, s0, s9, $0xb8;
	[tilespmem:$0x17E00] =	vst v63  }
0x1e2: {  	_ =	swait.ge [sflag:s28], $0x1A00  }
0x1e3: {  	[sflag:s28] =	ssyncset.done $0x0  }
0x1e4: {  	[sflag:s28] =	ssyncadd.s32 $0xFFFFE600  }
0x1e5: {  	_ =	swait.ge [sflag:s28], $0x1800  }
0x1e6: {  	[sflag:s28] =	ssyncset.done $0x0  }
0x1e7: {  	s0 =	simm.s32 $0x0;
	[sflag:s28] =	ssyncadd.s32 $0xFFFFE800  }
0x1e8: {  	v8 =	vld [tilespmem:s0+$0x12DC0]  }
0x1e9: {  	v9 =	vld [tilespmem:s0+$0x65C0]  }
0x1ea: {  	v10 =	vld [tilespmem:s0+$0x12DD0]  }
0x1eb: {  	v11 =	vld [tilespmem:s0+$0x65D0]  }
0x1ec: {  	v0 =	vld [tilespmem:s0+$0x12DE0]  }
0x1ed: {  	v1 =	vld [tilespmem:s0+$0x65E0]  }
0x1ee: {  	v14 =	vld [tilespmem:s0+$0x12D80]  }
0x1ef: {  	v15 =	vld [tilespmem:s0+$0x6580]  }
0x1f0: {  	v16 =	vld [tilespmem:s0+$0x12D90]  }
0x1f1: {  	v17 =	vld [tilespmem:s0+$0x6590]  }
0x1f2: {  	v2 =	vld [tilespmem:s0+$0x12DA0]  }
0x1f3: {  	v3 =	vld [tilespmem:s0+$0x65A0]  }
0x1f4: {  	v18 =	vld [tilespmem:s0+$0x12D40]  }
0x1f5: {  	v19 =	vld [tilespmem:s0+$0x6540]  }
0x1f6: {  	v62 =	vld [tilespmem:s0+$0x12D50]  }
0x1f7: {  	v63 =	vld [tilespmem:s0+$0x6550]  }
0x1f8: {  	v4 =	vld [tilespmem:s0+$0x12D60]  }
0x1f9: {  	v5 =	vld [tilespmem:s0+$0x6560]  }
0x1fa: {  	v22 =	vld [tilespmem:s0+$0x12D00]  }
0x1fb: {  	v23 =	vld [tilespmem:s0+$0x6500]  }
0x1fc: {  	v24 =	vld [tilespmem:s0+$0x12D10]  }
0x1fd: {  	v25 =	vld [tilespmem:s0+$0x6510]  }
0x1fe: {  	v6 =	vld [tilespmem:s0+$0x12D20]  }
0x1ff: {  	v7 =	vld [tilespmem:s0+$0x6520]  }
0x200: {  	v26 =	vld [tilespmem:s0+$0x12CC0]  }
0x201: {  	v27 =	vld [tilespmem:s0+$0x64C0]  }
0x202: {  	v28 =	vld [tilespmem:s0+$0x12CD0]  }
0x203: {  	v29 =	vld [tilespmem:s0+$0x64D0]  }
0x204: {  	v12 =	vld [tilespmem:s0+$0x12CE0]  }
0x205: {  	v13 =	vld [tilespmem:s0+$0x64E0]  }
0x206: {  	v30 =	vld [tilespmem:s0+$0x12C80]  }
0x207: {  	v32 =	vld [tilespmem:s0+$0x6480]  }
0x208: {  	v33 =	vld [tilespmem:s0+$0x12C90]  }
0x209: {  	v35 =	vld [tilespmem:s0+$0x6490]  }
0x20a: {  	v20 =	vld [tilespmem:s0+$0x12CA0]  }
0x20b: {  	v21 =	vld [tilespmem:s0+$0x64A0]  }
0x20c: {  	v36 =	vld [tilespmem:s0+$0x12C40]  }
0x20d: {  	v38 =	vld [tilespmem:s0+$0x6440]  }
0x20e: {  	v37 =	vld [tilespmem:s0+$0x12C50]  }
0x20f: {  	v39 =	vld [tilespmem:s0+$0x6450]  }
0x210: {  	v31 =	vld [tilespmem:s0+$0x12C60]  }
0x211: {  	v34 =	vld [tilespmem:s0+$0x6460]  }
0x212: {  	v40 =	vld [tilespmem:s0+$0x12C00]  }
0x213: {  	v42 =	vld [tilespmem:s0+$0x6400]  }
0x214: {  	v41 =	vld [tilespmem:s0+$0x12C10]  }
0x215: {  	v44 =	vld [tilespmem:s0+$0x6410];
	v9 =	vmul.f32 v9, v8;
	v8 =	vmul.f32 v11, v10  }
0x216: {  	v43 =	vld [tilespmem:s0+$0x12C20];
	v11 =	vmul.f32 v15, v14;
	v10 =	vmul.f32 v17, v16  }
0x217: {  	v45 =	vld [tilespmem:s0+$0x6420];
	v16 =	vimm.f32 $0.0e+00;
	v19 =	vmul.f32 v19, v18;
	v18 =	vmul.f32 v63, v62  }
0x218: {  	s9 =	simm.s32 $0x800;
	v46 =	vld [tilespmem:s0+$0x12C30];
	v17 =	vimm.f32 $0.0e+00;
	v15 =	vimm.f32 $0.0e+00;
	v14 =	vimm.f32 $0.0e+00  }
.LBB2_9:
0x219: {  	p1 =	sne.s32 s9, $0xC000;
	v47 =	vld [tilespmem:s0+$0x6430];
	v22 =	vmul.f32 v23, v22;
	v23 =	vmul.f32 v25, v24  }
0x21a: {  	v25 =	vmul.f32 v27, v26;
	v26 =	vmul.f32 v29, v28;
	v24 =	vld [tilespmem:s0+$0x12C70]  }
0x21b: {  	v28 =	vmul.f32 v32, v30;
	v29 =	vmul.f32 v35, v33;
	v27 =	vld [tilespmem:s0+$0x6470]  }
0x21c: {  	v30 =	vmul.f32 v38, v36;
	v32 =	vmul.f32 v39, v37;
	v33 =	vld [tilespmem:s0+$0x12CB0]  }
0x21d: {  	v35 =	vmul.f32 v42, v40;
	v36 =	vmul.f32 v44, v41;
	v37 =	vld [tilespmem:s0+$0x64B0]  }
0x21e: {  	v38 =	vmul.f32 v45, v43;
	v39 =	vmul.f32 v47, v46;
	v40 =	vld [tilespmem:s0+$0x12CF0]  }
0x21f: {  	v31 =	vmul.f32 v34, v31;
	v16 =	vadd.f32 v35, v16;
	v17 =	vadd.f32 v36, v17;
	v34 =	vld [tilespmem:s0+$0x64F0]  }
0x220: {  	v15 =	vadd.f32 v38, v15;
	v14 =	vadd.f32 v39, v14;
	v24 =	vmul.f32 v27, v24;
	v27 =	vld [tilespmem:s0+$0x12D30]  }
0x221: {  	v20 =	vmul.f32 v21, v20;
	v16 =	vadd.f32 v30, v16;
	v17 =	vadd.f32 v32, v17;
	v21 =	vld [tilespmem:s0+$0x6530]  }
0x222: {  	v15 =	vadd.f32 v31, v15;
	v14 =	vadd.f32 v24, v14;
	v24 =	vmul.f32 v37, v33;
	v30 =	vld [tilespmem:s0+$0x12D70]  }
0x223: {  	v12 =	vmul.f32 v13, v12;
	v16 =	vadd.f32 v28, v16;
	v17 =	vadd.f32 v29, v17;
	v13 =	vld [tilespmem:s0+$0x6570]  }
0x224: {  	v15 =	vadd.f32 v20, v15;
	v14 =	vadd.f32 v24, v14;
	v20 =	vmul.f32 v34, v40;
	v24 =	vld [tilespmem:s0+$0x12DB0]  }
0x225: {  	v6 =	vmul.f32 v7, v6;
	v16 =	vadd.f32 v25, v16;
	v17 =	vadd.f32 v26, v17;
	v7 =	vld [tilespmem:s0+$0x65B0]  }
0x226: {  	v12 =	vadd.f32 v12, v15;
	v14 =	vadd.f32 v20, v14;
	v15 =	vmul.f32 v21, v27;
	v20 =	vld [tilespmem:s0+$0x12DF0]  }
0x227: {  	v4 =	vmul.f32 v5, v4;
	v16 =	vadd.f32 v22, v16;
	v17 =	vadd.f32 v23, v17;
	v5 =	vld [tilespmem:s0+$0x65F0];
	s0 =	sshra.s32 s9, $0x2  }
0x228: {  	v6 =	vadd.f32 v6, v12;
	v45 =	vld [tilespmem:s0+$0x12DC0];
	v12 =	vadd.f32 v15, v14;
	v13 =	vmul.f32 v13, v30  }
0x229: {  	v2 =	vmul.f32 v3, v2;
	v14 =	vadd.f32 v19, v16;
	v15 =	vadd.f32 v18, v17;
	v46 =	vld [tilespmem:s0+$0x65C0]  }
0x22a: {  	v3 =	vadd.f32 v4, v6;
	v18 =	vld [tilespmem:s0+$0x12DD0];
	v4 =	vadd.f32 v13, v12;
	v6 =	vmul.f32 v7, v24  }
0x22b: {  	v7 =	vadd.f32 v11, v14;
	v10 =	vadd.f32 v10, v15;
	v11 =	vmul.f32 v1, v0;
	v19 =	vld [tilespmem:s0+$0x65D0]  }
0x22c: {  	v2 =	vadd.f32 v2, v3;
	v0 =	vld [tilespmem:s0+$0x12DE0];
	v3 =	vadd.f32 v6, v4;
	v4 =	vmul.f32 v5, v20  }
0x22d: {  	v16 =	vadd.f32 v9, v7;
	v17 =	vadd.f32 v8, v10;
	v1 =	vld [tilespmem:s0+$0x65E0]  }
0x22e: {  	v15 =	vadd.f32 v11, v2;
	v10 =	vld [tilespmem:s0+$0x12D80];
	v14 =	vadd.f32 v4, v3  }
0x22f: {  	v11 =	vld [tilespmem:s0+$0x6580]  }
0x230: {  	v47 =	vld [tilespmem:s0+$0x12D90]  }
0x231: {  	v48 =	vld [tilespmem:s0+$0x6590]  }
0x232: {  	v2 =	vld [tilespmem:s0+$0x12DA0]  }
0x233: {  	v3 =	vld [tilespmem:s0+$0x65A0]  }
0x234: {  	v49 =	vld [tilespmem:s0+$0x12D40]  }
0x235: {  	v50 =	vld [tilespmem:s0+$0x6540]  }
0x236: {  	v51 =	vld [tilespmem:s0+$0x12D50]  }
0x237: {  	v52 =	vld [tilespmem:s0+$0x6550]  }
0x238: {  	v4 =	vld [tilespmem:s0+$0x12D60]  }
0x239: {  	v5 =	vld [tilespmem:s0+$0x6560]  }
0x23a: {  	v22 =	vld [tilespmem:s0+$0x12D00]  }
0x23b: {  	v23 =	vld [tilespmem:s0+$0x6500]  }
0x23c: {  	v24 =	vld [tilespmem:s0+$0x12D10]  }
0x23d: {  	v25 =	vld [tilespmem:s0+$0x6510]  }
0x23e: {  	v6 =	vld [tilespmem:s0+$0x12D20]  }
0x23f: {  	v7 =	vld [tilespmem:s0+$0x6520]  }
0x240: {  	v26 =	vld [tilespmem:s0+$0x12CC0]  }
0x241: {  	v27 =	vld [tilespmem:s0+$0x64C0]  }
0x242: {  	v28 =	vld [tilespmem:s0+$0x12CD0]  }
0x243: {  	v29 =	vld [tilespmem:s0+$0x64D0]  }
0x244: {  	v12 =	vld [tilespmem:s0+$0x12CE0]  }
0x245: {  	v13 =	vld [tilespmem:s0+$0x64E0]  }
0x246: {  	v30 =	vld [tilespmem:s0+$0x12C80]  }
0x247: {  	v32 =	vld [tilespmem:s0+$0x6480]  }
0x248: {  	v33 =	vld [tilespmem:s0+$0x12C90]  }
0x249: {  	v35 =	vld [tilespmem:s0+$0x6490]  }
0x24a: {  	v20 =	vld [tilespmem:s0+$0x12CA0]  }
0x24b: {  	v21 =	vld [tilespmem:s0+$0x64A0]  }
0x24c: {  	v36 =	vld [tilespmem:s0+$0x12C40]  }
0x24d: {  	v38 =	vld [tilespmem:s0+$0x6440]  }
0x24e: {  	v37 =	vld [tilespmem:s0+$0x12C50]  }
0x24f: {  	v39 =	vld [tilespmem:s0+$0x6450]  }
0x250: {  	v31 =	vld [tilespmem:s0+$0x12C60]  }
0x251: {  	v34 =	vld [tilespmem:s0+$0x6460]  }
0x252: {  	v40 =	vld [tilespmem:s0+$0x12C00]  }
0x253: {  	v42 =	vld [tilespmem:s0+$0x6400]  }
.Ltmp5:
0x254: {  	v41 =	vld [tilespmem:s0+$0x12C10];
	(pc) =	sbr.rel @p1 .LBB2_9-.Ltmp5, $4  }
0x255: {  	v44 =	vld [tilespmem:s0+$0x6410]  }
0x256: {  	v9 =	vmul.f32 v46, v45;
	v8 =	vmul.f32 v19, v18;
	v43 =	vld [tilespmem:s0+$0x12C20]  }
0x257: {  	v11 =	vmul.f32 v11, v10;
	v10 =	vmul.f32 v48, v47;
	v45 =	vld [tilespmem:s0+$0x6420]  }
0x258: {  	s9 =	sadd.s32 $0x800, s9;
	v19 =	vmul.f32 v50, v49;
	v18 =	vmul.f32 v52, v51;
	v46 =	vld [tilespmem:s0+$0x12C30]  }
0x259: {  	v47 =	vld [tilespmem:s0+$0x6430];
	v22 =	vmul.f32 v23, v22;
	v23 =	vmul.f32 v25, v24  }
0x25a: {  	v49 =	vld [tilespmem:s0+$0x12C70];
	v50 =	vmul.f32 v27, v26;
	v51 =	vmul.f32 v29, v28  }
0x25b: {  	v52 =	vld [tilespmem:s0+$0x6470];
	v53 =	vmul.f32 v32, v30;
	v54 =	vmul.f32 v42, v40  }
0x25c: {  	v55 =	vmul.f32 v35, v33;
	v56 =	vld [tilespmem:s0+$0x12CB0];
	v57 =	vmul.f32 v44, v41  }
0x25d: {  	v58 =	vmul.f32 v38, v36;
	v59 =	vld [tilespmem:s0+$0x64B0];
	v16 =	vadd.f32 v54, v16;
	v60 =	vmul.f32 v45, v43  }
0x25e: {  	v61 =	vmul.f32 v39, v37;
	v63 =	vld [tilespmem:s0+$0x12CF0];
	v17 =	vadd.f32 v57, v17;
	v62 =	vmul.f32 v47, v46  }
0x25f: {  	v31 =	vmul.f32 v34, v31;
	v40 =	vld [tilespmem:s0+$0x64F0];
	v16 =	vadd.f32 v58, v16;
	v15 =	vadd.f32 v60, v15  }
0x260: {  	v42 =	vld [tilespmem:s0+$0x6530];
	v24 =	vmul.f32 v52, v49;
	v17 =	vadd.f32 v61, v17;
	v14 =	vadd.f32 v62, v14  }
0x261: {  	v20 =	vmul.f32 v21, v20;
	v41 =	vld [tilespmem:s0+$0x12D30];
	v16 =	vadd.f32 v53, v16;
	v15 =	vadd.f32 v31, v15  }
0x262: {  	v44 =	vld [tilespmem:s0+$0x12D70];
	v43 =	vmul.f32 v59, v56;
	v17 =	vadd.f32 v55, v17;
	v14 =	vadd.f32 v24, v14  }
0x263: {  	v12 =	vmul.f32 v13, v12;
	v45 =	vld [tilespmem:s0+$0x6570];
	v16 =	vadd.f32 v50, v16;
	v15 =	vadd.f32 v20, v15  }
0x264: {  	v48 =	vld [tilespmem:s0+$0x65B0];
	v46 =	vmul.f32 v40, v63;
	v17 =	vadd.f32 v51, v17;
	v14 =	vadd.f32 v43, v14  }
0x265: {  	v6 =	vmul.f32 v7, v6;
	v47 =	vld [tilespmem:s0+$0x12DB0];
	v49 =	vadd.f32 v22, v16;
	v12 =	vadd.f32 v12, v15  }
0x266: {  	v52 =	vld [tilespmem:s0+$0x65F0];
	v50 =	vmul.f32 v42, v41;
	v17 =	vadd.f32 v23, v17;
	v14 =	vadd.f32 v46, v14  }
0x267: {  	v4 =	vmul.f32 v5, v4;
	v51 =	vld [tilespmem:s0+$0x12DF0];
	v53 =	vadd.f32 v19, v49;
	v6 =	vadd.f32 v6, v12  }
0x268: {  	v13 =	vmul.f32 v45, v44;
	v54 =	vadd.f32 v18, v17;
	v14 =	vadd.f32 v50, v14  }
0x269: {  	v2 =	vmul.f32 v3, v2;
	v56 =	vadd.f32 v11, v53;
	v55 =	vadd.f32 v4, v6  }
0x26a: {  	v7 =	vmul.f32 v48, v47;
	v10 =	vadd.f32 v10, v54;
	v57 =	vadd.f32 v13, v14  }
0x26b: {  	v0 =	vmul.f32 v1, v0;
	s14 =	sshll.u32 s1, $0x6;
	v59 =	vadd.f32 v9, v56;
	v58 =	vadd.f32 v2, v55  }
.Ltmp6:
0x26c: {  	s0 =	sand.u32 $0x3FFFFFC0, s14;
	v61 =	vmul.f32 v52, v51;
	v62 =	vadd.f32 v8, v10;
	v60 =	vadd.f32 v7, v57;
	(pc) =	sbr.rel @p0 .LBB2_12-.Ltmp6, $4  }
0x26d: {  	[tilespmem:s0+$0x15E00] =	vst v59;
	v0 =	vadd.f32 v0, v58  }
0x26e: {  	[tilespmem:s0+$0x15E10] =	vst v62;
	v63 =	vadd.f32 v61, v60  }
0x26f: {  	[tilespmem:s0+$0x15E20] =	vst v0  }
0x270: {  	[tilespmem:s0+$0x15E30] =	vst v63  }
0x271: {  	s0 =	smul.u32 $0xC80, s31;
	_ =	sdelay $0x1  }
.Ltmp7:
0x272: {  	s0 =	sshra.s32 s0, $0x2;
	(pc) =	sbr.rel .LBB2_2-.Ltmp7, $4  }
0x273: {  	s1 =	sadd.s32 $0x4B0, s0  }
0x274: {  	[tilespmem:s19], [sflag:$0x3] =	stream.indirect.gather [hbm4b:s3+s10], $0x40, s1, s10, $0xb8;
	[tilespmem:$0x17E00] =	vst v63  }
0x275: {  	s31 =	sadd.s32 $0x1, s31;
	s0 =	sadd.s32 $0x518, s0  }
0x276: {  	[tilespmem:s21], [sflag:$0x3] =	stream.indirect.gather [hbm4b:s3+s12], $0x40, s0, s12, $0xb8;
	[tilespmem:$0x17E00] =	vst v63  }
.LBB2_13:
0x277: {  	_ =	sfence.sel $0x180000  }
0x278: {  	[bflag:$0x0] =	sbarrier.arrive $0xFFFF  }
0x279: {  	_ =	strace $0x90000047  }
0x27a: {  	s0 =	stileid.u32;
	[bflag:$0x2] =	sbarrier.arrive $0xFFFF  }
0x27b: {  	p0 =	sne.s32 s0, $0x0;
	s0 =	rddreg [dreg:$0x2]  }
0x27c: {  	s0 =	sadd.s32 @!p0 $0x100000, s0  }
0x27d: {  	[sflag:s0] =	ssyncadd.tile.s32 @!p0 $0x1;
	_ =	shalt  }
.Lfunc_end2:
_tile_overlayer_lowered:
.L_overlay_start_2:
0x27e: {  	(tag) =	ssettag $0x2  }
0x27f: {  	s0 =	rddreg [dreg:$0x0];
	s2 =	stileid.u32  }
0x280: {  	s1 =	rddreg [dreg:$0x1];
	p0 =	sne.s32 s2, $0x0  }
0x281: {  	s3 =	rddreg [dreg:$0x2];
	[bflag:$0x3] =	sbarrier.arrive $0xFFFF;
	s2 =	simm.s32 @!p0 $0x1C05  }
0x282: {  	[timem:s3], [sflag:s2] =	dma.local @!p0 [hbm:s0], s1  }
0x283: {  	s0 =	simm.s32 @!p0 $0x5  }
0x284: {  	_ =	swait.ge @!p0 [sflag:s0], s1  }
0x285: {  	s1 =	ssub.s32 @!p0 $0x0, s1;
	[sflag:s0] =	ssyncset.done @!p0 $0x0  }
0x286: {  	[sflag:s0] =	ssyncadd.s32 @!p0 s1  }
0x287: {  	[bflag:$0x3] =	sbarrier.arrive $0xFFFF  }
0x288: {  	_ =	shalt  }

</sc_bundles>
